<compile_context>
chip_gen: v7x
topology: tpu7x:2x2x1
jax: 0.10.2.dev20260603
libtpu: 0.0.44.dev20260713+nightly
codegen_flags: <defaults>
</compile_context>

<pallas_src>
import functools

import jax
import jax.numpy as jnp
from jax import lax
from jax.experimental import pallas as pl
from jax.experimental.pallas import tpu as pltpu
from jax.experimental.pallas import tpu_sc as plsc

B = 16384
D = 32
TOTAL = 131072
NSAMP = 6
NC, NS = 2, 16
NW = NC * NS
CHUNK = 128
POS_PER_W = TOTAL // NW
NCHUNK = POS_PER_W // CHUNK
VTOT = B * NSAMP
V_PER_W = VTOT // NW
NVCHUNK = V_PER_W // CHUNK
SEG_PER_TILE = B // NS


def _sc_u_kernel(bag2d, offsets, u_weight):
  mesh = plsc.VectorSubcoreMesh(core_axis_name="c", subcore_axis_name="s")

  @functools.partial(
      pl.kernel,
      out_type=(
          jax.ShapeDtypeStruct((NC, B, D), jnp.float32),
          jax.ShapeDtypeStruct((NC, B), jnp.float32),
      ),
      mesh=mesh,
      compiler_params=pltpu.CompilerParams(needs_layout_passes=False,
                                           use_tc_tiling_on_sc=False),
      scratch_types=(
          pltpu.VMEM((B,), jnp.int32),
          pltpu.VMEM((NCHUNK, CHUNK), jnp.int32),
          pltpu.VMEM((NCHUNK, CHUNK), jnp.int32),
          pltpu.VMEM((CHUNK, D), jnp.float32),
          pltpu.VMEM((CHUNK,), jnp.float32),
          pltpu.VMEM((256, D), jnp.float32),
          pltpu.VMEM((SEG_PER_TILE,), jnp.float32),
          pltpu.VMEM_SHARED((B, D), jnp.float32),
          pltpu.VMEM_SHARED((B,), jnp.float32),
          pltpu.SemaphoreType.DMA,
      ),
  )
  def body(bag_hbm, off_hbm, uw_hbm,
           psum_hbm, pcnt_hbm,
           off_v, idx_v, seg_v, rows_v, ones_v,
           stage2d_v, stage1d_v, acc_s, cnt_s, sem):
    c = lax.axis_index("c")
    s = lax.axis_index("s")
    wid = s * NC + c

    zf = jnp.zeros((16,), jnp.float32)
    onef = jnp.full((16,), 1.0, jnp.float32)

    pltpu.sync_copy(off_hbm, off_v)
    pltpu.sync_copy(bag_hbm.at[pl.ds(wid * NCHUNK, NCHUNK)], idx_v)

    for i in range(SEG_PER_TILE // 16):
      stage1d_v[pl.ds(i * 16, 16)] = zf

    def zrow(i, carry):
      stage2d_v[i, pl.ds(0, 16)] = zf
      stage2d_v[i, pl.ds(16, 16)] = zf
      return carry
    lax.fori_loop(0, 256, zrow, 0)

    for i in range(CHUNK // 16):
      ones_v[pl.ds(i * 16, 16)] = onef

    pltpu.sync_copy(stage1d_v, cnt_s.at[pl.ds(s * SEG_PER_TILE, SEG_PER_TILE)])
    for k in range(SEG_PER_TILE // 256):
      pltpu.sync_copy(stage2d_v,
                      acc_s.at[pl.ds(s * SEG_PER_TILE + k * 256, 256)])

    lane = lax.iota(jnp.int32, 16)

    def seg_chunk(j, carry):
      base = wid * POS_PER_W + j * CHUNK
      for k in range(CHUNK // 16):
        pos = base + k * 16 + lane
        lo = jnp.zeros((16,), jnp.int32)
        sz = B // 2
        while sz >= 1:
          cand = lo + sz
          oc = plsc.load_gather(off_v, [cand])
          lo = jnp.where(oc <= pos, cand, lo)
          sz //= 2
        seg_v[j, pl.ds(k * 16, 16)] = lo
      return carry
    lax.fori_loop(0, NCHUNK, seg_chunk, 0)

    plsc.subcore_barrier()

    def bag_chunk(j, carry):
      pltpu.async_copy(uw_hbm.at[idx_v.at[j]], rows_v, sem).wait()
      pltpu.sync_copy(rows_v, acc_s.at[seg_v.at[j]], add=True)
      pltpu.sync_copy(ones_v, cnt_s.at[seg_v.at[j]], add=True)
      return carry
    lax.fori_loop(0, NCHUNK, bag_chunk, 0)

    plsc.subcore_barrier()

    pltpu.sync_copy(cnt_s.at[pl.ds(s * SEG_PER_TILE, SEG_PER_TILE)], stage1d_v)
    pltpu.sync_copy(stage1d_v, pcnt_hbm.at[c, pl.ds(s * SEG_PER_TILE,
                                                    SEG_PER_TILE)])
    for k in range(SEG_PER_TILE // 256):
      off0 = s * SEG_PER_TILE + k * 256
      pltpu.sync_copy(acc_s.at[pl.ds(off0, 256)], stage2d_v)
      pltpu.sync_copy(stage2d_v, psum_hbm.at[c, pl.ds(off0, 256)])

  return body(bag2d, offsets, u_weight)


def _sc_v_kernel(v2d, vdst2d, v_weight):
  mesh = plsc.VectorSubcoreMesh(core_axis_name="c", subcore_axis_name="s")

  @functools.partial(
      pl.kernel,
      out_type=jax.ShapeDtypeStruct((VTOT * 4, D), jnp.float32),
      mesh=mesh,
      compiler_params=pltpu.CompilerParams(needs_layout_passes=False,
                                           use_tc_tiling_on_sc=False),
      scratch_types=(
          pltpu.VMEM((NVCHUNK, CHUNK), jnp.int32),
          pltpu.VMEM((NVCHUNK, CHUNK), jnp.int32),
          pltpu.VMEM((2, CHUNK, D), jnp.float32),
          pltpu.SemaphoreType.DMA,
          pltpu.SemaphoreType.DMA,
      ),
  )
  def body(v_hbm, vdst_hbm, vw_hbm, embv_hbm, vidx_v, vdst_v, vrows_v,
           gsem, ssem):
    c = lax.axis_index("c")
    s = lax.axis_index("s")
    wid = s * NC + c
    pltpu.sync_copy(v_hbm.at[pl.ds(wid * NVCHUNK, NVCHUNK)], vidx_v)
    pltpu.sync_copy(vdst_hbm.at[pl.ds(wid * NVCHUNK, NVCHUNK)], vdst_v)

    pltpu.async_copy(vw_hbm.at[vidx_v.at[0]], vrows_v.at[0], gsem)

    def v_chunk(j, carry):
      pltpu.make_async_copy(vw_hbm.at[vidx_v.at[j]], vrows_v.at[j % 2],
                            gsem).wait()

      @pl.when(j > 0)
      def _():
        pltpu.make_async_copy(vrows_v.at[(j - 1) % 2],
                              embv_hbm.at[vdst_v.at[j - 1]], ssem).wait()

      @pl.when(j < NVCHUNK - 1)
      def _():
        pltpu.async_copy(vw_hbm.at[vidx_v.at[j + 1]],
                         vrows_v.at[(j + 1) % 2], gsem)

      pltpu.async_copy(vrows_v.at[j % 2], embv_hbm.at[vdst_v.at[j]], ssem)
      return carry
    lax.fori_loop(0, NVCHUNK, v_chunk, 0)
    pltpu.make_async_copy(vrows_v.at[(NVCHUNK - 1) % 2],
                          embv_hbm.at[vdst_v.at[NVCHUNK - 1]], ssem).wait()

  return body(v2d, vdst2d, v_weight)


TBLK = 16384
TT = TBLK // 4
_SH = TT.bit_length() - 1


def _tr_body(in_ref, out_ref):
  x = in_ref[...]
  out_ref[...] = jnp.concatenate(
      [x[:, g * TT:(g + 1) * TT] for g in range(4)], axis=0).T


def _tc_transpose(table_t):
  V = table_t.shape[1]
  nblk = (V + TBLK - 1) // TBLK
  return pl.pallas_call(
      _tr_body,
      grid=(nblk,),
      in_specs=[pl.BlockSpec((D, TBLK), lambda i: (0, i))],
      out_specs=pl.BlockSpec((TT, 128), lambda i: (i, 0)),
      out_shape=jax.ShapeDtypeStruct((nblk * TT, 128), jnp.float32),
  )(table_t)


def _perm(r):
  return (((r >> (_SH + 2)) << (_SH + 2)) + ((r & (TT - 1)) << 2)
          + ((r >> _SH) & 3))


BLK = 1024


def _tc_body(ps_ref, pc_ref, ev_ref, out_ref):
  ps = ps_ref[...]
  pc = pc_ref[...]
  ev = ev_ref[...][:, :, :D]
  sums = ps[0] + ps[1]
  cnt = pc[0] + pc[1]
  emb_u = sums / jnp.maximum(cnt, 1.0)[:, None]
  out_ref[...] = jnp.sum(emb_u[None, :, :] * ev, axis=-1)


def _tc_dot(psum, pcnt, embv_g):
  nblk = B // BLK
  return pl.pallas_call(
      _tc_body,
      grid=(nblk,),
      in_specs=[
          pl.BlockSpec((NC, BLK, D), lambda i: (0, i, 0)),
          pl.BlockSpec((NC, BLK), lambda i: (0, i)),
          pl.BlockSpec((NSAMP, BLK, 128), lambda i: (0, i, 0)),
      ],
      out_specs=pl.BlockSpec((NSAMP, BLK), lambda i: (0, i)),
      out_shape=jax.ShapeDtypeStruct((NSAMP, B), jnp.float32),
  )(psum, pcnt, embv_g)


@jax.jit
def kernel(bag, offsets, v, u_weight, v_weight):
  bag2d = _perm(bag.astype(jnp.int32)).reshape(NW * NCHUNK, CHUNK)
  v2d = _perm(v.T.astype(jnp.int32)).reshape(NW * NVCHUNK, CHUNK)
  vdst2d = (jnp.arange(VTOT, dtype=jnp.int32) * 4).reshape(
      NW * NVCHUNK, CHUNK)
  uw = _tc_transpose(u_weight.T)
  uw = uw.reshape(uw.shape[0] * 4, D)
  psum, pcnt = _sc_u_kernel(bag2d, offsets.astype(jnp.int32), uw)
  vw = _tc_transpose(v_weight.T)
  vw = vw.reshape(vw.shape[0] * 4, D)
  embv4 = _sc_v_kernel(v2d, vdst2d, vw)
  s6 = _tc_dot(psum, pcnt, embv4.reshape(NSAMP, B, 128))
  return s6.T

# --- scband reference (transcript-rebuilt; emitter-appended) ---
"""Pipeline reference for scband-fast-text-13176959664747 (READ-ONLY COPY).

The authoritative reference and input builder live on the scoring server;
editing this copy changes nothing except your own understanding.
"""

import jax, jax.numpy as jnp
import numpy as np

VOCAB_U = 1000000
VOCAB_V = 1000000
EMB_DIM = 32
BATCH = 16384
NGRAMS = 131072
NSAMP = 6


def setup_inputs(seed: int = 0):
    key = jax.random.key(seed)
    k1, k2, k3, k4, k5 = jax.random.split(key, 5)
    bag = jax.random.randint(k1, (NGRAMS,), 0, VOCAB_U)
    offsets = jnp.sort(jax.random.randint(k2, (BATCH,), 0, NGRAMS))
    offsets = offsets.at[0].set(0)
    v = jax.random.randint(k3, (BATCH, NSAMP), 0, VOCAB_V)
    u_weight = jax.random.normal(k4, (VOCAB_U, EMB_DIM), dtype=jnp.float32) * 0.1
    v_weight = jax.random.normal(k5, (VOCAB_V, EMB_DIM), dtype=jnp.float32) * 0.1
    return {"bag": bag, "offsets": offsets, "v": v, "u_weight": u_weight, "v_weight": v_weight}


def reference(bag, offsets, v, u_weight, v_weight):
    # EmbeddingBag(mode='mean'): gather rows for all n-gram ids in `bag`,
    # then mean-reduce per example using `offsets` as segment boundaries.
    total = bag.shape[0]
    B = offsets.shape[0]
    pos = jnp.arange(total)
    seg = jnp.clip(jnp.searchsorted(offsets, pos, side='right') - 1, 0, B - 1)
    gathered = jnp.take(u_weight, bag, axis=0)                  # [total, d]
    sums = jax.ops.segment_sum(gathered, seg, num_segments=B)    # [B, d]
    counts = jax.ops.segment_sum(jnp.ones((total,), dtype=u_weight.dtype), seg, num_segments=B)
    emb_u = sums / jnp.maximum(counts, 1.0)[:, None]             # [B, d]
    # nn.Embedding lookup for positive + negative samples
    emb_v = jnp.take(v_weight, v, axis=0)                        # [B, J, d]
    # s = einsum('ik,ijk->ij')
    s = jnp.einsum('ik,ijk->ij', emb_u, emb_v)                   # [B, J]
    return s

if __name__ == "__main__":
    import jax
    _d = setup_inputs()
    print(jax.jit(kernel)(*tuple(_d.values())))

</pallas_src>

<mosaic_0001>
#map = affine_map<(d0, d1) -> (0, 0)>
#map1 = affine_map<(d0, d1) -> (0)>
#map2 = affine_map<(d0, d1) -> (0, 0, 0)>
module attributes {stable_mosaic.version = 14 : i64} {
  func.func @body(%arg0: i32, %arg1: i32, %arg2: memref<1024x128xi32, #tpu.memory_space<hbm>>, %arg3: memref<16384xi32, #tpu.memory_space<hbm>>, %arg4: memref<1015808x32xf32, #tpu.memory_space<hbm>>, %arg5: memref<2x16384x32xf32, #tpu.memory_space<hbm>>, %arg6: memref<2x16384xf32, #tpu.memory_space<hbm>>, %arg7: memref<16384xi32, #tpu.memory_space<vmem>>, %arg8: memref<32x128xi32, #tpu.memory_space<vmem>>, %arg9: memref<32x128xi32, #tpu.memory_space<vmem>>, %arg10: memref<128x32xf32, #tpu.memory_space<vmem>>, %arg11: memref<128xf32, #tpu.memory_space<vmem>>, %arg12: memref<256x32xf32, #tpu.memory_space<vmem>>, %arg13: memref<1024xf32, #tpu.memory_space<vmem>>, %arg14: memref<16384x32xf32, #tpu.memory_space<vmem_shared>>, %arg15: memref<16384xf32, #tpu.memory_space<vmem_shared>>, %arg16: memref<!tpu.dma_semaphore, #tpu.memory_space<semaphore_mem>>) attributes {dimension_semantics = [#tpu.dimension_semantics<core_parallel>, #tpu.dimension_semantics<subcore_parallel>], iteration_bounds = array<i64: 2, 16>, scalar_prefetch = 0 : i64, scratch_operands = 10 : i64, tpu.core_type = #tpu.core_type<sc_vector_subcore>, window_params = [{transform_indices = #map}, {transform_indices = #map1}, {transform_indices = #map}, {transform_indices = #map2}, {transform_indices = #map}]} {
    %mul3A = arith.constant 2 : i32
    %mul3A_0 = arith.muli %arg1, %mul3A : i32
    %add3A = arith.addi %mul3A_0, %arg0 : i32
    %broadcast_in_dim3A = arith.constant 0.000000e+00 : f32
    %broadcast_in_dim3A_1 = vector.broadcast %broadcast_in_dim3A : f32 to vector<16xf32>
    %broadcast_in_dim3A_2 = arith.constant 1.000000e+00 : f32
    %broadcast_in_dim3A_3 = vector.broadcast %broadcast_in_dim3A_2 : f32 to vector<16xf32>
    "tpu.region"() ({
      %run_scoped3A = tpu.sem_alloc : memref<!tpu.dma_semaphore, #tpu.memory_space<semaphore_mem>>
      tpu.enqueue_dma source(%arg3 : memref<16384xi32, #tpu.memory_space<hbm>>) target(%arg7 : memref<16384xi32, #tpu.memory_space<vmem>>) target_semaphore(%run_scoped3A : memref<!tpu.dma_semaphore, #tpu.memory_space<semaphore_mem>>)
      tpu.wait_dma2 semaphore(%run_scoped3A : memref<!tpu.dma_semaphore, #tpu.memory_space<semaphore_mem>>) src(%arg3 : memref<16384xi32, #tpu.memory_space<hbm>>) dst(%arg7 : memref<16384xi32, #tpu.memory_space<vmem>>)
      tpu.yield
    }) : () -> ()
    %mul3A_4 = arith.constant 32 : i32
    %mul3A_5 = arith.muli %add3A, %mul3A_4 : i32
    "tpu.region"() ({
      %run_scoped3A = tpu.sem_alloc : memref<!tpu.dma_semaphore, #tpu.memory_space<semaphore_mem>>
      %dma_start3A = arith.constant 0 : i32
      %dma_start3A_205 = tpu.memref_slice %arg2[%mul3A_5, %dma_start3A] : memref<1024x128xi32, #tpu.memory_space<hbm>> -> memref<32x128xi32, #tpu.memory_space<hbm>>
      %dma_start3A_206 = arith.constant 0 : i32
      %dma_start3A_207 = tpu.memref_slice %arg2[%mul3A_5, %dma_start3A_206] : memref<1024x128xi32, #tpu.memory_space<hbm>> -> memref<32x128xi32, #tpu.memory_space<hbm>>
      tpu.enqueue_dma source(%dma_start3A_207 : memref<32x128xi32, #tpu.memory_space<hbm>>) target(%arg8 : memref<32x128xi32, #tpu.memory_space<vmem>>) target_semaphore(%run_scoped3A : memref<!tpu.dma_semaphore, #tpu.memory_space<semaphore_mem>>)
      %dma_wait3A = arith.constant 0 : i32
      %dma_wait3A_208 = tpu.memref_slice %arg2[%mul3A_5, %dma_wait3A] : memref<1024x128xi32, #tpu.memory_space<hbm>> -> memref<32x128xi32, #tpu.memory_space<hbm>>
      %dma_wait3A_209 = arith.constant 0 : i32
      %dma_wait3A_210 = tpu.memref_slice %arg2[%mul3A_5, %dma_wait3A_209] : memref<1024x128xi32, #tpu.memory_space<hbm>> -> memref<32x128xi32, #tpu.memory_space<hbm>>
      tpu.wait_dma2 semaphore(%run_scoped3A : memref<!tpu.dma_semaphore, #tpu.memory_space<semaphore_mem>>) src(%dma_wait3A_210 : memref<32x128xi32, #tpu.memory_space<hbm>>) dst(%arg8 : memref<32x128xi32, #tpu.memory_space<vmem>>)
      tpu.yield
    }) : () -> ()
    %swap3A = arith.constant 0 : index
    %swap3A_6 = tpu.vector_load %arg13[%swap3A] {strides = array<i32>} : memref<1024xf32, #tpu.memory_space<vmem>>, vector<16xf32>,
    tpu.vector_store %arg13[%swap3A], %broadcast_in_dim3A_1 {strides = array<i32>} : memref<1024xf32, #tpu.memory_space<vmem>>, vector<16xf32>,
    %swap3A_7 = arith.constant 16 : index
    %swap3A_8 = tpu.vector_load %arg13[%swap3A_7] {strides = array<i32>} : memref<1024xf32, #tpu.memory_space<vmem>>, vector<16xf32>,
    tpu.vector_store %arg13[%swap3A_7], %broadcast_in_dim3A_1 {strides = array<i32>} : memref<1024xf32, #tpu.memory_space<vmem>>, vector<16xf32>,
    %swap3A_9 = arith.constant 32 : index
    %swap3A_10 = tpu.vector_load %arg13[%swap3A_9] {strides = array<i32>} : memref<1024xf32, #tpu.memory_space<vmem>>, vector<16xf32>,
    tpu.vector_store %arg13[%swap3A_9], %broadcast_in_dim3A_1 {strides = array<i32>} : memref<1024xf32, #tpu.memory_space<vmem>>, vector<16xf32>,
    %swap3A_11 = arith.constant 48 : index
    %swap3A_12 = tpu.vector_load %arg13[%swap3A_11] {strides = array<i32>} : memref<1024xf32, #tpu.memory_space<vmem>>, vector<16xf32>,
    tpu.vector_store %arg13[%swap3A_11], %broadcast_in_dim3A_1 {strides = array<i32>} : memref<1024xf32, #tpu.memory_space<vmem>>, vector<16xf32>,
    %swap3A_13 = arith.constant 64 : index
    %swap3A_14 = tpu.vector_load %arg13[%swap3A_13] {strides = array<i32>} : memref<1024xf32, #tpu.memory_space<vmem>>, vector<16xf32>,
    tpu.vector_store %arg13[%swap3A_13], %broadcast_in_dim3A_1 {strides = array<i32>} : memref<1024xf32, #tpu.memory_space<vmem>>, vector<16xf32>,
    %swap3A_15 = arith.constant 80 : index
    %swap3A_16 = tpu.vector_load %arg13[%swap3A_15] {strides = array<i32>} : memref<1024xf32, #tpu.memory_space<vmem>>, vector<16xf32>,
    tpu.vector_store %arg13[%swap3A_15], %broadcast_in_dim3A_1 {strides = array<i32>} : memref<1024xf32, #tpu.memory_space<vmem>>, vector<16xf32>,
    %swap3A_17 = arith.constant 96 : index
    %swap3A_18 = tpu.vector_load %arg13[%swap3A_17] {strides = array<i32>} : memref<1024xf32, #tpu.memory_space<vmem>>, vector<16xf32>,
    tpu.vector_store %arg13[%swap3A_17], %broadcast_in_dim3A_1 {strides = array<i32>} : memref<1024xf32, #tpu.memory_space<vmem>>, vector<16xf32>,
    %swap3A_19 = arith.constant 112 : index
    %swap3A_20 = tpu.vector_load %arg13[%swap3A_19] {strides = array<i32>} : memref<1024xf32, #tpu.memory_space<vmem>>, vector<16xf32>,
    tpu.vector_store %arg13[%swap3A_19], %broadcast_in_dim3A_1 {strides = array<i32>} : memref<1024xf32, #tpu.memory_space<vmem>>, vector<16xf32>,
    %swap3A_21 = arith.constant 128 : index
    %swap3A_22 = tpu.vector_load %arg13[%swap3A_21] {strides = array<i32>} : memref<1024xf32, #tpu.memory_space<vmem>>, vector<16xf32>,
    tpu.vector_store %arg13[%swap3A_21], %broadcast_in_dim3A_1 {strides = array<i32>} : memref<1024xf32, #tpu.memory_space<vmem>>, vector<16xf32>,
    %swap3A_23 = arith.constant 144 : index
    %swap3A_24 = tpu.vector_load %arg13[%swap3A_23] {strides = array<i32>} : memref<1024xf32, #tpu.memory_space<vmem>>, vector<16xf32>,
    tpu.vector_store %arg13[%swap3A_23], %broadcast_in_dim3A_1 {strides = array<i32>} : memref<1024xf32, #tpu.memory_space<vmem>>, vector<16xf32>,
    %swap3A_25 = arith.constant 160 : index
    %swap3A_26 = tpu.vector_load %arg13[%swap3A_25] {strides = array<i32>} : memref<1024xf32, #tpu.memory_space<vmem>>, vector<16xf32>,
    tpu.vector_store %arg13[%swap3A_25], %broadcast_in_dim3A_1 {strides = array<i32>} : memref<1024xf32, #tpu.memory_space<vmem>>, vector<16xf32>,
    %swap3A_27 = arith.constant 176 : index
    %swap3A_28 = tpu.vector_load %arg13[%swap3A_27] {strides = array<i32>} : memref<1024xf32, #tpu.memory_space<vmem>>, vector<16xf32>,
    tpu.vector_store %arg13[%swap3A_27], %broadcast_in_dim3A_1 {strides = array<i32>} : memref<1024xf32, #tpu.memory_space<vmem>>, vector<16xf32>,
    %swap3A_29 = arith.constant 192 : index
    %swap3A_30 = tpu.vector_load %arg13[%swap3A_29] {strides = array<i32>} : memref<1024xf32, #tpu.memory_space<vmem>>, vector<16xf32>,
    tpu.vector_store %arg13[%swap3A_29], %broadcast_in_dim3A_1 {strides = array<i32>} : memref<1024xf32, #tpu.memory_space<vmem>>, vector<16xf32>,
    %swap3A_31 = arith.constant 208 : index
    %swap3A_32 = tpu.vector_load %arg13[%swap3A_31] {strides = array<i32>} : memref<1024xf32, #tpu.memory_space<vmem>>, vector<16xf32>,
    tpu.vector_store %arg13[%swap3A_31], %broadcast_in_dim3A_1 {strides = array<i32>} : memref<1024xf32, #tpu.memory_space<vmem>>, vector<16xf32>,
    %swap3A_33 = arith.constant 224 : index
    %swap3A_34 = tpu.vector_load %arg13[%swap3A_33] {strides = array<i32>} : memref<1024xf32, #tpu.memory_space<vmem>>, vector<16xf32>,
    tpu.vector_store %arg13[%swap3A_33], %broadcast_in_dim3A_1 {strides = array<i32>} : memref<1024xf32, #tpu.memory_space<vmem>>, vector<16xf32>,
    %swap3A_35 = arith.constant 240 : index
    %swap3A_36 = tpu.vector_load %arg13[%swap3A_35] {strides = array<i32>} : memref<1024xf32, #tpu.memory_space<vmem>>, vector<16xf32>,
    tpu.vector_store %arg13[%swap3A_35], %broadcast_in_dim3A_1 {strides = array<i32>} : memref<1024xf32, #tpu.memory_space<vmem>>, vector<16xf32>,
    %swap3A_37 = arith.constant 256 : index
    %swap3A_38 = tpu.vector_load %arg13[%swap3A_37] {strides = array<i32>} : memref<1024xf32, #tpu.memory_space<vmem>>, vector<16xf32>,
    tpu.vector_store %arg13[%swap3A_37], %broadcast_in_dim3A_1 {strides = array<i32>} : memref<1024xf32, #tpu.memory_space<vmem>>, vector<16xf32>,
    %swap3A_39 = arith.constant 272 : index
    %swap3A_40 = tpu.vector_load %arg13[%swap3A_39] {strides = array<i32>} : memref<1024xf32, #tpu.memory_space<vmem>>, vector<16xf32>,
    tpu.vector_store %arg13[%swap3A_39], %broadcast_in_dim3A_1 {strides = array<i32>} : memref<1024xf32, #tpu.memory_space<vmem>>, vector<16xf32>,
    %swap3A_41 = arith.constant 288 : index
    %swap3A_42 = tpu.vector_load %arg13[%swap3A_41] {strides = array<i32>} : memref<1024xf32, #tpu.memory_space<vmem>>, vector<16xf32>,
    tpu.vector_store %arg13[%swap3A_41], %broadcast_in_dim3A_1 {strides = array<i32>} : memref<1024xf32, #tpu.memory_space<vmem>>, vector<16xf32>,
    %swap3A_43 = arith.constant 304 : index
    %swap3A_44 = tpu.vector_load %arg13[%swap3A_43] {strides = array<i32>} : memref<1024xf32, #tpu.memory_space<vmem>>, vector<16xf32>,
    tpu.vector_store %arg13[%swap3A_43], %broadcast_in_dim3A_1 {strides = array<i32>} : memref<1024xf32, #tpu.memory_space<vmem>>, vector<16xf32>,
    %swap3A_45 = arith.constant 320 : index
    %swap3A_46 = tpu.vector_load %arg13[%swap3A_45] {strides = array<i32>} : memref<1024xf32, #tpu.memory_space<vmem>>, vector<16xf32>,
    tpu.vector_store %arg13[%swap3A_45], %broadcast_in_dim3A_1 {strides = array<i32>} : memref<1024xf32, #tpu.memory_space<vmem>>, vector<16xf32>,
    %swap3A_47 = arith.constant 336 : index
    %swap3A_48 = tpu.vector_load %arg13[%swap3A_47] {strides = array<i32>} : memref<1024xf32, #tpu.memory_space<vmem>>, vector<16xf32>,
    tpu.vector_store %arg13[%swap3A_47], %broadcast_in_dim3A_1 {strides = array<i32>} : memref<1024xf32, #tpu.memory_space<vmem>>, vector<16xf32>,
    %swap3A_49 = arith.constant 352 : index
    %swap3A_50 = tpu.vector_load %arg13[%swap3A_49] {strides = array<i32>} : memref<1024xf32, #tpu.memory_space<vmem>>, vector<16xf32>,
    tpu.vector_store %arg13[%swap3A_49], %broadcast_in_dim3A_1 {strides = array<i32>} : memref<1024xf32, #tpu.memory_space<vmem>>, vector<16xf32>,
    %swap3A_51 = arith.constant 368 : index
    %swap3A_52 = tpu.vector_load %arg13[%swap3A_51] {strides = array<i32>} : memref<1024xf32, #tpu.memory_space<vmem>>, vector<16xf32>,
    tpu.vector_store %arg13[%swap3A_51], %broadcast_in_dim3A_1 {strides = array<i32>} : memref<1024xf32, #tpu.memory_space<vmem>>, vector<16xf32>,
    %swap3A_53 = arith.constant 384 : index
    %swap3A_54 = tpu.vector_load %arg13[%swap3A_53] {strides = array<i32>} : memref<1024xf32, #tpu.memory_space<vmem>>, vector<16xf32>,
    tpu.vector_store %arg13[%swap3A_53], %broadcast_in_dim3A_1 {strides = array<i32>} : memref<1024xf32, #tpu.memory_space<vmem>>, vector<16xf32>,
    %swap3A_55 = arith.constant 400 : index
    %swap3A_56 = tpu.vector_load %arg13[%swap3A_55] {strides = array<i32>} : memref<1024xf32, #tpu.memory_space<vmem>>, vector<16xf32>,
    tpu.vector_store %arg13[%swap3A_55], %broadcast_in_dim3A_1 {strides = array<i32>} : memref<1024xf32, #tpu.memory_space<vmem>>, vector<16xf32>,
    %swap3A_57 = arith.constant 416 : index
    %swap3A_58 = tpu.vector_load %arg13[%swap3A_57] {strides = array<i32>} : memref<1024xf32, #tpu.memory_space<vmem>>, vector<16xf32>,
    tpu.vector_store %arg13[%swap3A_57], %broadcast_in_dim3A_1 {strides = array<i32>} : memref<1024xf32, #tpu.memory_space<vmem>>, vector<16xf32>,
    %swap3A_59 = arith.constant 432 : index
    %swap3A_60 = tpu.vector_load %arg13[%swap3A_59] {strides = array<i32>} : memref<1024xf32, #tpu.memory_space<vmem>>, vector<16xf32>,
    tpu.vector_store %arg13[%swap3A_59], %broadcast_in_dim3A_1 {strides = array<i32>} : memref<1024xf32, #tpu.memory_space<vmem>>, vector<16xf32>,
    %swap3A_61 = arith.constant 448 : index
    %swap3A_62 = tpu.vector_load %arg13[%swap3A_61] {strides = array<i32>} : memref<1024xf32, #tpu.memory_space<vmem>>, vector<16xf32>,
    tpu.vector_store %arg13[%swap3A_61], %broadcast_in_dim3A_1 {strides = array<i32>} : memref<1024xf32, #tpu.memory_space<vmem>>, vector<16xf32>,
    %swap3A_63 = arith.constant 464 : index
    %swap3A_64 = tpu.vector_load %arg13[%swap3A_63] {strides = array<i32>} : memref<1024xf32, #tpu.memory_space<vmem>>, vector<16xf32>,
    tpu.vector_store %arg13[%swap3A_63], %broadcast_in_dim3A_1 {strides = array<i32>} : memref<1024xf32, #tpu.memory_space<vmem>>, vector<16xf32>,
    %swap3A_65 = arith.constant 480 : index
    %swap3A_66 = tpu.vector_load %arg13[%swap3A_65] {strides = array<i32>} : memref<1024xf32, #tpu.memory_space<vmem>>, vector<16xf32>,
    tpu.vector_store %arg13[%swap3A_65], %broadcast_in_dim3A_1 {strides = array<i32>} : memref<1024xf32, #tpu.memory_space<vmem>>, vector<16xf32>,
    %swap3A_67 = arith.constant 496 : index
    %swap3A_68 = tpu.vector_load %arg13[%swap3A_67] {strides = array<i32>} : memref<1024xf32, #tpu.memory_space<vmem>>, vector<16xf32>,
    tpu.vector_store %arg13[%swap3A_67], %broadcast_in_dim3A_1 {strides = array<i32>} : memref<1024xf32, #tpu.memory_space<vmem>>, vector<16xf32>,
    %swap3A_69 = arith.constant 512 : index
    %swap3A_70 = tpu.vector_load %arg13[%swap3A_69] {strides = array<i32>} : memref<1024xf32, #tpu.memory_space<vmem>>, vector<16xf32>,
    tpu.vector_store %arg13[%swap3A_69], %broadcast_in_dim3A_1 {strides = array<i32>} : memref<1024xf32, #tpu.memory_space<vmem>>, vector<16xf32>,
    %swap3A_71 = arith.constant 528 : index
    %swap3A_72 = tpu.vector_load %arg13[%swap3A_71] {strides = array<i32>} : memref<1024xf32, #tpu.memory_space<vmem>>, vector<16xf32>,
    tpu.vector_store %arg13[%swap3A_71], %broadcast_in_dim3A_1 {strides = array<i32>} : memref<1024xf32, #tpu.memory_space<vmem>>, vector<16xf32>,
    %swap3A_73 = arith.constant 544 : index
    %swap3A_74 = tpu.vector_load %arg13[%swap3A_73] {strides = array<i32>} : memref<1024xf32, #tpu.memory_space<vmem>>, vector<16xf32>,
    tpu.vector_store %arg13[%swap3A_73], %broadcast_in_dim3A_1 {strides = array<i32>} : memref<1024xf32, #tpu.memory_space<vmem>>, vector<16xf32>,
    %swap3A_75 = arith.constant 560 : index
    %swap3A_76 = tpu.vector_load %arg13[%swap3A_75] {strides = array<i32>} : memref<1024xf32, #tpu.memory_space<vmem>>, vector<16xf32>,
    tpu.vector_store %arg13[%swap3A_75], %broadcast_in_dim3A_1 {strides = array<i32>} : memref<1024xf32, #tpu.memory_space<vmem>>, vector<16xf32>,
    %swap3A_77 = arith.constant 576 : index
    %swap3A_78 = tpu.vector_load %arg13[%swap3A_77] {strides = array<i32>} : memref<1024xf32, #tpu.memory_space<vmem>>, vector<16xf32>,
    tpu.vector_store %arg13[%swap3A_77], %broadcast_in_dim3A_1 {strides = array<i32>} : memref<1024xf32, #tpu.memory_space<vmem>>, vector<16xf32>,
    %swap3A_79 = arith.constant 592 : index
    %swap3A_80 = tpu.vector_load %arg13[%swap3A_79] {strides = array<i32>} : memref<1024xf32, #tpu.memory_space<vmem>>, vector<16xf32>,
    tpu.vector_store %arg13[%swap3A_79], %broadcast_in_dim3A_1 {strides = array<i32>} : memref<1024xf32, #tpu.memory_space<vmem>>, vector<16xf32>,
    %swap3A_81 = arith.constant 608 : index
    %swap3A_82 = tpu.vector_load %arg13[%swap3A_81] {strides = array<i32>} : memref<1024xf32, #tpu.memory_space<vmem>>, vector<16xf32>,
    tpu.vector_store %arg13[%swap3A_81], %broadcast_in_dim3A_1 {strides = array<i32>} : memref<1024xf32, #tpu.memory_space<vmem>>, vector<16xf32>,
    %swap3A_83 = arith.constant 624 : index
    %swap3A_84 = tpu.vector_load %arg13[%swap3A_83] {strides = array<i32>} : memref<1024xf32, #tpu.memory_space<vmem>>, vector<16xf32>,
    tpu.vector_store %arg13[%swap3A_83], %broadcast_in_dim3A_1 {strides = array<i32>} : memref<1024xf32, #tpu.memory_space<vmem>>, vector<16xf32>,
    %swap3A_85 = arith.constant 640 : index
    %swap3A_86 = tpu.vector_load %arg13[%swap3A_85] {strides = array<i32>} : memref<1024xf32, #tpu.memory_space<vmem>>, vector<16xf32>,
    tpu.vector_store %arg13[%swap3A_85], %broadcast_in_dim3A_1 {strides = array<i32>} : memref<1024xf32, #tpu.memory_space<vmem>>, vector<16xf32>,
    %swap3A_87 = arith.constant 656 : index
    %swap3A_88 = tpu.vector_load %arg13[%swap3A_87] {strides = array<i32>} : memref<1024xf32, #tpu.memory_space<vmem>>, vector<16xf32>,
    tpu.vector_store %arg13[%swap3A_87], %broadcast_in_dim3A_1 {strides = array<i32>} : memref<1024xf32, #tpu.memory_space<vmem>>, vector<16xf32>,
    %swap3A_89 = arith.constant 672 : index
    %swap3A_90 = tpu.vector_load %arg13[%swap3A_89] {strides = array<i32>} : memref<1024xf32, #tpu.memory_space<vmem>>, vector<16xf32>,
    tpu.vector_store %arg13[%swap3A_89], %broadcast_in_dim3A_1 {strides = array<i32>} : memref<1024xf32, #tpu.memory_space<vmem>>, vector<16xf32>,
    %swap3A_91 = arith.constant 688 : index
    %swap3A_92 = tpu.vector_load %arg13[%swap3A_91] {strides = array<i32>} : memref<1024xf32, #tpu.memory_space<vmem>>, vector<16xf32>,
    tpu.vector_store %arg13[%swap3A_91], %broadcast_in_dim3A_1 {strides = array<i32>} : memref<1024xf32, #tpu.memory_space<vmem>>, vector<16xf32>,
    %swap3A_93 = arith.constant 704 : index
    %swap3A_94 = tpu.vector_load %arg13[%swap3A_93] {strides = array<i32>} : memref<1024xf32, #tpu.memory_space<vmem>>, vector<16xf32>,
    tpu.vector_store %arg13[%swap3A_93], %broadcast_in_dim3A_1 {strides = array<i32>} : memref<1024xf32, #tpu.memory_space<vmem>>, vector<16xf32>,
    %swap3A_95 = arith.constant 720 : index
    %swap3A_96 = tpu.vector_load %arg13[%swap3A_95] {strides = array<i32>} : memref<1024xf32, #tpu.memory_space<vmem>>, vector<16xf32>,
    tpu.vector_store %arg13[%swap3A_95], %broadcast_in_dim3A_1 {strides = array<i32>} : memref<1024xf32, #tpu.memory_space<vmem>>, vector<16xf32>,
    %swap3A_97 = arith.constant 736 : index
    %swap3A_98 = tpu.vector_load %arg13[%swap3A_97] {strides = array<i32>} : memref<1024xf32, #tpu.memory_space<vmem>>, vector<16xf32>,
    tpu.vector_store %arg13[%swap3A_97], %broadcast_in_dim3A_1 {strides = array<i32>} : memref<1024xf32, #tpu.memory_space<vmem>>, vector<16xf32>,
    %swap3A_99 = arith.constant 752 : index
    %swap3A_100 = tpu.vector_load %arg13[%swap3A_99] {strides = array<i32>} : memref<1024xf32, #tpu.memory_space<vmem>>, vector<16xf32>,
    tpu.vector_store %arg13[%swap3A_99], %broadcast_in_dim3A_1 {strides = array<i32>} : memref<1024xf32, #tpu.memory_space<vmem>>, vector<16xf32>,
    %swap3A_101 = arith.constant 768 : index
    %swap3A_102 = tpu.vector_load %arg13[%swap3A_101] {strides = array<i32>} : memref<1024xf32, #tpu.memory_space<vmem>>, vector<16xf32>,
    tpu.vector_store %arg13[%swap3A_101], %broadcast_in_dim3A_1 {strides = array<i32>} : memref<1024xf32, #tpu.memory_space<vmem>>, vector<16xf32>,
    %swap3A_103 = arith.constant 784 : index
    %swap3A_104 = tpu.vector_load %arg13[%swap3A_103] {strides = array<i32>} : memref<1024xf32, #tpu.memory_space<vmem>>, vector<16xf32>,
    tpu.vector_store %arg13[%swap3A_103], %broadcast_in_dim3A_1 {strides = array<i32>} : memref<1024xf32, #tpu.memory_space<vmem>>, vector<16xf32>,
    %swap3A_105 = arith.constant 800 : index
    %swap3A_106 = tpu.vector_load %arg13[%swap3A_105] {strides = array<i32>} : memref<1024xf32, #tpu.memory_space<vmem>>, vector<16xf32>,
    tpu.vector_store %arg13[%swap3A_105], %broadcast_in_dim3A_1 {strides = array<i32>} : memref<1024xf32, #tpu.memory_space<vmem>>, vector<16xf32>,
    %swap3A_107 = arith.constant 816 : index
    %swap3A_108 = tpu.vector_load %arg13[%swap3A_107] {strides = array<i32>} : memref<1024xf32, #tpu.memory_space<vmem>>, vector<16xf32>,
    tpu.vector_store %arg13[%swap3A_107], %broadcast_in_dim3A_1 {strides = array<i32>} : memref<1024xf32, #tpu.memory_space<vmem>>, vector<16xf32>,
    %swap3A_109 = arith.constant 832 : index
    %swap3A_110 = tpu.vector_load %arg13[%swap3A_109] {strides = array<i32>} : memref<1024xf32, #tpu.memory_space<vmem>>, vector<16xf32>,
    tpu.vector_store %arg13[%swap3A_109], %broadcast_in_dim3A_1 {strides = array<i32>} : memref<1024xf32, #tpu.memory_space<vmem>>, vector<16xf32>,
    %swap3A_111 = arith.constant 848 : index
    %swap3A_112 = tpu.vector_load %arg13[%swap3A_111] {strides = array<i32>} : memref<1024xf32, #tpu.memory_space<vmem>>, vector<16xf32>,
    tpu.vector_store %arg13[%swap3A_111], %broadcast_in_dim3A_1 {strides = array<i32>} : memref<1024xf32, #tpu.memory_space<vmem>>, vector<16xf32>,
    %swap3A_113 = arith.constant 864 : index
    %swap3A_114 = tpu.vector_load %arg13[%swap3A_113] {strides = array<i32>} : memref<1024xf32, #tpu.memory_space<vmem>>, vector<16xf32>,
    tpu.vector_store %arg13[%swap3A_113], %broadcast_in_dim3A_1 {strides = array<i32>} : memref<1024xf32, #tpu.memory_space<vmem>>, vector<16xf32>,
    %swap3A_115 = arith.constant 880 : index
    %swap3A_116 = tpu.vector_load %arg13[%swap3A_115] {strides = array<i32>} : memref<1024xf32, #tpu.memory_space<vmem>>, vector<16xf32>,
    tpu.vector_store %arg13[%swap3A_115], %broadcast_in_dim3A_1 {strides = array<i32>} : memref<1024xf32, #tpu.memory_space<vmem>>, vector<16xf32>,
    %swap3A_117 = arith.constant 896 : index
    %swap3A_118 = tpu.vector_load %arg13[%swap3A_117] {strides = array<i32>} : memref<1024xf32, #tpu.memory_space<vmem>>, vector<16xf32>,
    tpu.vector_store %arg13[%swap3A_117], %broadcast_in_dim3A_1 {strides = array<i32>} : memref<1024xf32, #tpu.memory_space<vmem>>, vector<16xf32>,
    %swap3A_119 = arith.constant 912 : index
    %swap3A_120 = tpu.vector_load %arg13[%swap3A_119] {strides = array<i32>} : memref<1024xf32, #tpu.memory_space<vmem>>, vector<16xf32>,
    tpu.vector_store %arg13[%swap3A_119], %broadcast_in_dim3A_1 {strides = array<i32>} : memref<1024xf32, #tpu.memory_space<vmem>>, vector<16xf32>,
    %swap3A_121 = arith.constant 928 : index
    %swap3A_122 = tpu.vector_load %arg13[%swap3A_121] {strides = array<i32>} : memref<1024xf32, #tpu.memory_space<vmem>>, vector<16xf32>,
    tpu.vector_store %arg13[%swap3A_121], %broadcast_in_dim3A_1 {strides = array<i32>} : memref<1024xf32, #tpu.memory_space<vmem>>, vector<16xf32>,
    %swap3A_123 = arith.constant 944 : index
    %swap3A_124 = tpu.vector_load %arg13[%swap3A_123] {strides = array<i32>} : memref<1024xf32, #tpu.memory_space<vmem>>, vector<16xf32>,
    tpu.vector_store %arg13[%swap3A_123], %broadcast_in_dim3A_1 {strides = array<i32>} : memref<1024xf32, #tpu.memory_space<vmem>>, vector<16xf32>,
    %swap3A_125 = arith.constant 960 : index
    %swap3A_126 = tpu.vector_load %arg13[%swap3A_125] {strides = array<i32>} : memref<1024xf32, #tpu.memory_space<vmem>>, vector<16xf32>,
    tpu.vector_store %arg13[%swap3A_125], %broadcast_in_dim3A_1 {strides = array<i32>} : memref<1024xf32, #tpu.memory_space<vmem>>, vector<16xf32>,
    %swap3A_127 = arith.constant 976 : index
    %swap3A_128 = tpu.vector_load %arg13[%swap3A_127] {strides = array<i32>} : memref<1024xf32, #tpu.memory_space<vmem>>, vector<16xf32>,
    tpu.vector_store %arg13[%swap3A_127], %broadcast_in_dim3A_1 {strides = array<i32>} : memref<1024xf32, #tpu.memory_space<vmem>>, vector<16xf32>,
    %swap3A_129 = arith.constant 992 : index
    %swap3A_130 = tpu.vector_load %arg13[%swap3A_129] {strides = array<i32>} : memref<1024xf32, #tpu.memory_space<vmem>>, vector<16xf32>,
    tpu.vector_store %arg13[%swap3A_129], %broadcast_in_dim3A_1 {strides = array<i32>} : memref<1024xf32, #tpu.memory_space<vmem>>, vector<16xf32>,
    %swap3A_131 = arith.constant 1008 : index
    %swap3A_132 = tpu.vector_load %arg13[%swap3A_131] {strides = array<i32>} : memref<1024xf32, #tpu.memory_space<vmem>>, vector<16xf32>,
    tpu.vector_store %arg13[%swap3A_131], %broadcast_in_dim3A_1 {strides = array<i32>} : memref<1024xf32, #tpu.memory_space<vmem>>, vector<16xf32>,
    %scan3A = arith.constant 0 : i32
    %scan3A_133 = arith.constant 0 : i32
    %scan3A_134 = arith.constant 256 : i32
    %scan3A_135 = arith.addi %scan3A_133, %scan3A_134 : i32
    %scan3A_136 = arith.constant 1 : i32
    scf.for %scan3A_205 = %scan3A_133 to %scan3A_135 step %scan3A_136  : i32 {
      %swap3A_206 = arith.index_cast %scan3A_205 : i32 to index
      %swap3A_207 = arith.constant 0 : index
      %swap3A_208 = tpu.vector_load %arg12[%swap3A_206, %swap3A_207] {strides = array<i32>} : memref<256x32xf32, #tpu.memory_space<vmem>>, vector<16xf32>,
      tpu.vector_store %arg12[%swap3A_206, %swap3A_207], %broadcast_in_dim3A_1 {strides = array<i32>} : memref<256x32xf32, #tpu.memory_space<vmem>>, vector<16xf32>,
      %swap3A_209 = arith.index_cast %scan3A_205 : i32 to index
      %swap3A_210 = arith.constant 16 : index
      %swap3A_211 = tpu.vector_load %arg12[%swap3A_209, %swap3A_210] {strides = array<i32>} : memref<256x32xf32, #tpu.memory_space<vmem>>, vector<16xf32>,
      tpu.vector_store %arg12[%swap3A_209, %swap3A_210], %broadcast_in_dim3A_1 {strides = array<i32>} : memref<256x32xf32, #tpu.memory_space<vmem>>, vector<16xf32>,
    }
    %scan3A_137 = arith.constant 256 : i32
    %swap3A_138 = arith.constant 0 : index
    %swap3A_139 = tpu.vector_load %arg11[%swap3A_138] {strides = array<i32>} : memref<128xf32, #tpu.memory_space<vmem>>, vector<16xf32>,
    tpu.vector_store %arg11[%swap3A_138], %broadcast_in_dim3A_3 {strides = array<i32>} : memref<128xf32, #tpu.memory_space<vmem>>, vector<16xf32>,
    %swap3A_140 = arith.constant 16 : index
    %swap3A_141 = tpu.vector_load %arg11[%swap3A_140] {strides = array<i32>} : memref<128xf32, #tpu.memory_space<vmem>>, vector<16xf32>,
    tpu.vector_store %arg11[%swap3A_140], %broadcast_in_dim3A_3 {strides = array<i32>} : memref<128xf32, #tpu.memory_space<vmem>>, vector<16xf32>,
    %swap3A_142 = arith.constant 32 : index
    %swap3A_143 = tpu.vector_load %arg11[%swap3A_142] {strides = array<i32>} : memref<128xf32, #tpu.memory_space<vmem>>, vector<16xf32>,
    tpu.vector_store %arg11[%swap3A_142], %broadcast_in_dim3A_3 {strides = array<i32>} : memref<128xf32, #tpu.memory_space<vmem>>, vector<16xf32>,
    %swap3A_144 = arith.constant 48 : index
    %swap3A_145 = tpu.vector_load %arg11[%swap3A_144] {strides = array<i32>} : memref<128xf32, #tpu.memory_space<vmem>>, vector<16xf32>,
    tpu.vector_store %arg11[%swap3A_144], %broadcast_in_dim3A_3 {strides = array<i32>} : memref<128xf32, #tpu.memory_space<vmem>>, vector<16xf32>,
    %swap3A_146 = arith.constant 64 : index
    %swap3A_147 = tpu.vector_load %arg11[%swap3A_146] {strides = array<i32>} : memref<128xf32, #tpu.memory_space<vmem>>, vector<16xf32>,
    tpu.vector_store %arg11[%swap3A_146], %broadcast_in_dim3A_3 {strides = array<i32>} : memref<128xf32, #tpu.memory_space<vmem>>, vector<16xf32>,
    %swap3A_148 = arith.constant 80 : index
    %swap3A_149 = tpu.vector_load %arg11[%swap3A_148] {strides = array<i32>} : memref<128xf32, #tpu.memory_space<vmem>>, vector<16xf32>,
    tpu.vector_store %arg11[%swap3A_148], %broadcast_in_dim3A_3 {strides = array<i32>} : memref<128xf32, #tpu.memory_space<vmem>>, vector<16xf32>,
    %swap3A_150 = arith.constant 96 : index
    %swap3A_151 = tpu.vector_load %arg11[%swap3A_150] {strides = array<i32>} : memref<128xf32, #tpu.memory_space<vmem>>, vector<16xf32>,
    tpu.vector_store %arg11[%swap3A_150], %broadcast_in_dim3A_3 {strides = array<i32>} : memref<128xf32, #tpu.memory_space<vmem>>, vector<16xf32>,
    %swap3A_152 = arith.constant 112 : index
    %swap3A_153 = tpu.vector_load %arg11[%swap3A_152] {strides = array<i32>} : memref<128xf32, #tpu.memory_space<vmem>>, vector<16xf32>,
    tpu.vector_store %arg11[%swap3A_152], %broadcast_in_dim3A_3 {strides = array<i32>} : memref<128xf32, #tpu.memory_space<vmem>>, vector<16xf32>,
    %mul3A_154 = arith.constant 1024 : i32
    %mul3A_155 = arith.muli %arg1, %mul3A_154 : i32
    "tpu.region"() ({
      %run_scoped3A = tpu.sem_alloc : memref<!tpu.dma_semaphore, #tpu.memory_space<semaphore_mem>>
      %dma_start3A = tpu.memref_slice %arg15[%mul3A_155] : memref<16384xf32, #tpu.memory_space<vmem_shared>> -> memref<1024xf32, #tpu.memory_space<vmem_shared>>
      %dma_start3A_205 = tpu.memref_slice %arg15[%mul3A_155] : memref<16384xf32, #tpu.memory_space<vmem_shared>> -> memref<1024xf32, #tpu.memory_space<vmem_shared>>
      tpu.enqueue_dma source(%arg13 : memref<1024xf32, #tpu.memory_space<vmem>>) target(%dma_start3A_205 : memref<1024xf32, #tpu.memory_space<vmem_shared>>) target_semaphore(%run_scoped3A : memref<!tpu.dma_semaphore, #tpu.memory_space<semaphore_mem>>)
      %dma_wait3A = tpu.memref_slice %arg15[%mul3A_155] : memref<16384xf32, #tpu.memory_space<vmem_shared>> -> memref<1024xf32, #tpu.memory_space<vmem_shared>>
      %dma_wait3A_206 = tpu.memref_slice %arg15[%mul3A_155] : memref<16384xf32, #tpu.memory_space<vmem_shared>> -> memref<1024xf32, #tpu.memory_space<vmem_shared>>
      tpu.wait_dma2 semaphore(%run_scoped3A : memref<!tpu.dma_semaphore, #tpu.memory_space<semaphore_mem>>) src(%arg13 : memref<1024xf32, #tpu.memory_space<vmem>>) dst(%dma_wait3A_206 : memref<1024xf32, #tpu.memory_space<vmem_shared>>)
      tpu.yield
    }) : () -> ()
    %mul3A_156 = arith.constant 1024 : i32
    %mul3A_157 = arith.muli %arg1, %mul3A_156 : i32
    %add3A_158 = arith.constant 0 : i32
    %add3A_159 = arith.addi %mul3A_157, %add3A_158 : i32
    "tpu.region"() ({
      %run_scoped3A = tpu.sem_alloc : memref<!tpu.dma_semaphore, #tpu.memory_space<semaphore_mem>>
      %dma_start3A = arith.constant 0 : i32
      %dma_start3A_205 = tpu.memref_slice %arg14[%add3A_159, %dma_start3A] : memref<16384x32xf32, #tpu.memory_space<vmem_shared>> -> memref<256x32xf32, #tpu.memory_space<vmem_shared>>
      %dma_start3A_206 = arith.constant 0 : i32
      %dma_start3A_207 = tpu.memref_slice %arg14[%add3A_159, %dma_start3A_206] : memref<16384x32xf32, #tpu.memory_space<vmem_shared>> -> memref<256x32xf32, #tpu.memory_space<vmem_shared>>
      tpu.enqueue_dma source(%arg12 : memref<256x32xf32, #tpu.memory_space<vmem>>) target(%dma_start3A_207 : memref<256x32xf32, #tpu.memory_space<vmem_shared>>) target_semaphore(%run_scoped3A : memref<!tpu.dma_semaphore, #tpu.memory_space<semaphore_mem>>)
      %dma_wait3A = arith.constant 0 : i32
      %dma_wait3A_208 = tpu.memref_slice %arg14[%add3A_159, %dma_wait3A] : memref<16384x32xf32, #tpu.memory_space<vmem_shared>> -> memref<256x32xf32, #tpu.memory_space<vmem_shared>>
      %dma_wait3A_209 = arith.constant 0 : i32
      %dma_wait3A_210 = tpu.memref_slice %arg14[%add3A_159, %dma_wait3A_209] : memref<16384x32xf32, #tpu.memory_space<vmem_shared>> -> memref<256x32xf32, #tpu.memory_space<vmem_shared>>
      tpu.wait_dma2 semaphore(%run_scoped3A : memref<!tpu.dma_semaphore, #tpu.memory_space<semaphore_mem>>) src(%arg12 : memref<256x32xf32, #tpu.memory_space<vmem>>) dst(%dma_wait3A_210 : memref<256x32xf32, #tpu.memory_space<vmem_shared>>)
      tpu.yield
    }) : () -> ()
    %mul3A_160 = arith.constant 1024 : i32
    %mul3A_161 = arith.muli %arg1, %mul3A_160 : i32
    %add3A_162 = arith.constant 256 : i32
    %add3A_163 = arith.addi %mul3A_161, %add3A_162 : i32
    "tpu.region"() ({
      %run_scoped3A = tpu.sem_alloc : memref<!tpu.dma_semaphore, #tpu.memory_space<semaphore_mem>>
      %dma_start3A = arith.constant 0 : i32
      %dma_start3A_205 = tpu.memref_slice %arg14[%add3A_163, %dma_start3A] : memref<16384x32xf32, #tpu.memory_space<vmem_shared>> -> memref<256x32xf32, #tpu.memory_space<vmem_shared>>
      %dma_start3A_206 = arith.constant 0 : i32
      %dma_start3A_207 = tpu.memref_slice %arg14[%add3A_163, %dma_start3A_206] : memref<16384x32xf32, #tpu.memory_space<vmem_shared>> -> memref<256x32xf32, #tpu.memory_space<vmem_shared>>
      tpu.enqueue_dma source(%arg12 : memref<256x32xf32, #tpu.memory_space<vmem>>) target(%dma_start3A_207 : memref<256x32xf32, #tpu.memory_space<vmem_shared>>) target_semaphore(%run_scoped3A : memref<!tpu.dma_semaphore, #tpu.memory_space<semaphore_mem>>)
      %dma_wait3A = arith.constant 0 : i32
      %dma_wait3A_208 = tpu.memref_slice %arg14[%add3A_163, %dma_wait3A] : memref<16384x32xf32, #tpu.memory_space<vmem_shared>> -> memref<256x32xf32, #tpu.memory_space<vmem_shared>>
      %dma_wait3A_209 = arith.constant 0 : i32
      %dma_wait3A_210 = tpu.memref_slice %arg14[%add3A_163, %dma_wait3A_209] : memref<16384x32xf32, #tpu.memory_space<vmem_shared>> -> memref<256x32xf32, #tpu.memory_space<vmem_shared>>
      tpu.wait_dma2 semaphore(%run_scoped3A : memref<!tpu.dma_semaphore, #tpu.memory_space<semaphore_mem>>) src(%arg12 : memref<256x32xf32, #tpu.memory_space<vmem>>) dst(%dma_wait3A_210 : memref<256x32xf32, #tpu.memory_space<vmem_shared>>)
      tpu.yield
    }) : () -> ()
    %mul3A_164 = arith.constant 1024 : i32
    %mul3A_165 = arith.muli %arg1, %mul3A_164 : i32
    %add3A_166 = arith.constant 512 : i32
    %add3A_167 = arith.addi %mul3A_165, %add3A_166 : i32
    "tpu.region"() ({
      %run_scoped3A = tpu.sem_alloc : memref<!tpu.dma_semaphore, #tpu.memory_space<semaphore_mem>>
      %dma_start3A = arith.constant 0 : i32
      %dma_start3A_205 = tpu.memref_slice %arg14[%add3A_167, %dma_start3A] : memref<16384x32xf32, #tpu.memory_space<vmem_shared>> -> memref<256x32xf32, #tpu.memory_space<vmem_shared>>
      %dma_start3A_206 = arith.constant 0 : i32
      %dma_start3A_207 = tpu.memref_slice %arg14[%add3A_167, %dma_start3A_206] : memref<16384x32xf32, #tpu.memory_space<vmem_shared>> -> memref<256x32xf32, #tpu.memory_space<vmem_shared>>
      tpu.enqueue_dma source(%arg12 : memref<256x32xf32, #tpu.memory_space<vmem>>) target(%dma_start3A_207 : memref<256x32xf32, #tpu.memory_space<vmem_shared>>) target_semaphore(%run_scoped3A : memref<!tpu.dma_semaphore, #tpu.memory_space<semaphore_mem>>)
      %dma_wait3A = arith.constant 0 : i32
      %dma_wait3A_208 = tpu.memref_slice %arg14[%add3A_167, %dma_wait3A] : memref<16384x32xf32, #tpu.memory_space<vmem_shared>> -> memref<256x32xf32, #tpu.memory_space<vmem_shared>>
      %dma_wait3A_209 = arith.constant 0 : i32
      %dma_wait3A_210 = tpu.memref_slice %arg14[%add3A_167, %dma_wait3A_209] : memref<16384x32xf32, #tpu.memory_space<vmem_shared>> -> memref<256x32xf32, #tpu.memory_space<vmem_shared>>
      tpu.wait_dma2 semaphore(%run_scoped3A : memref<!tpu.dma_semaphore, #tpu.memory_space<semaphore_mem>>) src(%arg12 : memref<256x32xf32, #tpu.memory_space<vmem>>) dst(%dma_wait3A_210 : memref<256x32xf32, #tpu.memory_space<vmem_shared>>)
      tpu.yield
    }) : () -> ()
    %mul3A_168 = arith.constant 1024 : i32
    %mul3A_169 = arith.muli %arg1, %mul3A_168 : i32
    %add3A_170 = arith.constant 768 : i32
    %add3A_171 = arith.addi %mul3A_169, %add3A_170 : i32
    "tpu.region"() ({
      %run_scoped3A = tpu.sem_alloc : memref<!tpu.dma_semaphore, #tpu.memory_space<semaphore_mem>>
      %dma_start3A = arith.constant 0 : i32
      %dma_start3A_205 = tpu.memref_slice %arg14[%add3A_171, %dma_start3A] : memref<16384x32xf32, #tpu.memory_space<vmem_shared>> -> memref<256x32xf32, #tpu.memory_space<vmem_shared>>
      %dma_start3A_206 = arith.constant 0 : i32
      %dma_start3A_207 = tpu.memref_slice %arg14[%add3A_171, %dma_start3A_206] : memref<16384x32xf32, #tpu.memory_space<vmem_shared>> -> memref<256x32xf32, #tpu.memory_space<vmem_shared>>
      tpu.enqueue_dma source(%arg12 : memref<256x32xf32, #tpu.memory_space<vmem>>) target(%dma_start3A_207 : memref<256x32xf32, #tpu.memory_space<vmem_shared>>) target_semaphore(%run_scoped3A : memref<!tpu.dma_semaphore, #tpu.memory_space<semaphore_mem>>)
      %dma_wait3A = arith.constant 0 : i32
      %dma_wait3A_208 = tpu.memref_slice %arg14[%add3A_171, %dma_wait3A] : memref<16384x32xf32, #tpu.memory_space<vmem_shared>> -> memref<256x32xf32, #tpu.memory_space<vmem_shared>>
      %dma_wait3A_209 = arith.constant 0 : i32
      %dma_wait3A_210 = tpu.memref_slice %arg14[%add3A_171, %dma_wait3A_209] : memref<16384x32xf32, #tpu.memory_space<vmem_shared>> -> memref<256x32xf32, #tpu.memory_space<vmem_shared>>
      tpu.wait_dma2 semaphore(%run_scoped3A : memref<!tpu.dma_semaphore, #tpu.memory_space<semaphore_mem>>) src(%arg12 : memref<256x32xf32, #tpu.memory_space<vmem>>) dst(%dma_wait3A_210 : memref<256x32xf32, #tpu.memory_space<vmem_shared>>)
      tpu.yield
    }) : () -> ()
    %iota3A = tpu.iota {dimensions = array<i32: 0>} : vector<16xi32>
    %scan3A_172 = arith.constant 0 : i32
    %scan3A_173 = arith.constant 0 : i32
    %scan3A_174 = arith.constant 32 : i32
    %scan3A_175 = arith.addi %scan3A_173, %scan3A_174 : i32
    %scan3A_176 = arith.constant 1 : i32
    scf.for %scan3A_205 = %scan3A_173 to %scan3A_175 step %scan3A_176  : i32 {
      %mul3A_206 = arith.constant 4096 : i32
      %mul3A_207 = arith.muli %add3A, %mul3A_206 : i32
      %mul3A_208 = arith.constant 128 : i32
      %mul3A_209 = arith.muli %scan3A_205, %mul3A_208 : i32
      %add3A_210 = arith.addi %mul3A_207, %mul3A_209 : i32
      %add3A_211 = arith.constant 0 : i32
      %add3A_212 = arith.addi %add3A_210, %add3A_211 : i32
      %add3A_213 = vector.broadcast %add3A_212 : i32 to vector<16xi32>
      %add3A_214 = arith.addi %add3A_213, %iota3A : vector<16xi32>
      %broadcast_in_dim3A_215 = arith.constant 0 : i32
      %broadcast_in_dim3A_216 = vector.broadcast %broadcast_in_dim3A_215 : i32 to vector<16xi32>
      %add3A_217 = arith.constant 8192 : i32
      %add3A_218 = vector.broadcast %add3A_217 : i32 to vector<16xi32>
      %add3A_219 = arith.addi %broadcast_in_dim3A_216, %add3A_218 : vector<16xi32>
      %gather3A = tpu.vector_load_idx %arg7[%add3A_219] : memref<16384xi32, #tpu.memory_space<vmem>>[vector<16xi32>], vector<16xi32>,
      %le3A = arith.cmpi sle, %gather3A, %add3A_214 : vector<16xi32>
      %select_n3A = arith.select %le3A, %add3A_219, %broadcast_in_dim3A_216 : vector<16xi1>, vector<16xi32>
      %add3A_220 = arith.constant 4096 : i32
      %add3A_221 = vector.broadcast %add3A_220 : i32 to vector<16xi32>
      %add3A_222 = arith.addi %select_n3A, %add3A_221 : vector<16xi32>
      %gather3A_223 = tpu.vector_load_idx %arg7[%add3A_222] : memref<16384xi32, #tpu.memory_space<vmem>>[vector<16xi32>], vector<16xi32>,
      %le3A_224 = arith.cmpi sle, %gather3A_223, %add3A_214 : vector<16xi32>
      %select_n3A_225 = arith.select %le3A_224, %add3A_222, %select_n3A : vector<16xi1>, vector<16xi32>
      %add3A_226 = arith.constant 2048 : i32
      %add3A_227 = vector.broadcast %add3A_226 : i32 to vector<16xi32>
      %add3A_228 = arith.addi %select_n3A_225, %add3A_227 : vector<16xi32>
      %gather3A_229 = tpu.vector_load_idx %arg7[%add3A_228] : memref<16384xi32, #tpu.memory_space<vmem>>[vector<16xi32>], vector<16xi32>,
      %le3A_230 = arith.cmpi sle, %gather3A_229, %add3A_214 : vector<16xi32>
      %select_n3A_231 = arith.select %le3A_230, %add3A_228, %select_n3A_225 : vector<16xi1>, vector<16xi32>
      %add3A_232 = arith.constant 1024 : i32
      %add3A_233 = vector.broadcast %add3A_232 : i32 to vector<16xi32>
      %add3A_234 = arith.addi %select_n3A_231, %add3A_233 : vector<16xi32>
      %gather3A_235 = tpu.vector_load_idx %arg7[%add3A_234] : memref<16384xi32, #tpu.memory_space<vmem>>[vector<16xi32>], vector<16xi32>,
      %le3A_236 = arith.cmpi sle, %gather3A_235, %add3A_214 : vector<16xi32>
      %select_n3A_237 = arith.select %le3A_236, %add3A_234, %select_n3A_231 : vector<16xi1>, vector<16xi32>
      %add3A_238 = arith.constant 512 : i32
      %add3A_239 = vector.broadcast %add3A_238 : i32 to vector<16xi32>
      %add3A_240 = arith.addi %select_n3A_237, %add3A_239 : vector<16xi32>
      %gather3A_241 = tpu.vector_load_idx %arg7[%add3A_240] : memref<16384xi32, #tpu.memory_space<vmem>>[vector<16xi32>], vector<16xi32>,
      %le3A_242 = arith.cmpi sle, %gather3A_241, %add3A_214 : vector<16xi32>
      %select_n3A_243 = arith.select %le3A_242, %add3A_240, %select_n3A_237 : vector<16xi1>, vector<16xi32>
      %add3A_244 = arith.constant 256 : i32
      %add3A_245 = vector.broadcast %add3A_244 : i32 to vector<16xi32>
      %add3A_246 = arith.addi %select_n3A_243, %add3A_245 : vector<16xi32>
      %gather3A_247 = tpu.vector_load_idx %arg7[%add3A_246] : memref<16384xi32, #tpu.memory_space<vmem>>[vector<16xi32>], vector<16xi32>,
      %le3A_248 = arith.cmpi sle, %gather3A_247, %add3A_214 : vector<16xi32>
      %select_n3A_249 = arith.select %le3A_248, %add3A_246, %select_n3A_243 : vector<16xi1>, vector<16xi32>
      %add3A_250 = arith.constant 128 : i32
      %add3A_251 = vector.broadcast %add3A_250 : i32 to vector<16xi32>
      %add3A_252 = arith.addi %select_n3A_249, %add3A_251 : vector<16xi32>
      %gather3A_253 = tpu.vector_load_idx %arg7[%add3A_252] : memref<16384xi32, #tpu.memory_space<vmem>>[vector<16xi32>], vector<16xi32>,
      %le3A_254 = arith.cmpi sle, %gather3A_253, %add3A_214 : vector<16xi32>
      %select_n3A_255 = arith.select %le3A_254, %add3A_252, %select_n3A_249 : vector<16xi1>, vector<16xi32>
      %add3A_256 = arith.constant 64 : i32
      %add3A_257 = vector.broadcast %add3A_256 : i32 to vector<16xi32>
      %add3A_258 = arith.addi %select_n3A_255, %add3A_257 : vector<16xi32>
      %gather3A_259 = tpu.vector_load_idx %arg7[%add3A_258] : memref<16384xi32, #tpu.memory_space<vmem>>[vector<16xi32>], vector<16xi32>,
      %le3A_260 = arith.cmpi sle, %gather3A_259, %add3A_214 : vector<16xi32>
      %select_n3A_261 = arith.select %le3A_260, %add3A_258, %select_n3A_255 : vector<16xi1>, vector<16xi32>
      %add3A_262 = arith.constant 32 : i32
      %add3A_263 = vector.broadcast %add3A_262 : i32 to vector<16xi32>
      %add3A_264 = arith.addi %select_n3A_261, %add3A_263 : vector<16xi32>
      %gather3A_265 = tpu.vector_load_idx %arg7[%add3A_264] : memref<16384xi32, #tpu.memory_space<vmem>>[vector<16xi32>], vector<16xi32>,
      %le3A_266 = arith.cmpi sle, %gather3A_265, %add3A_214 : vector<16xi32>
      %select_n3A_267 = arith.select %le3A_266, %add3A_264, %select_n3A_261 : vector<16xi1>, vector<16xi32>
      %add3A_268 = arith.constant 16 : i32
      %add3A_269 = vector.broadcast %add3A_268 : i32 to vector<16xi32>
      %add3A_270 = arith.addi %select_n3A_267, %add3A_269 : vector<16xi32>
      %gather3A_271 = tpu.vector_load_idx %arg7[%add3A_270] : memref<16384xi32, #tpu.memory_space<vmem>>[vector<16xi32>], vector<16xi32>,
      %le3A_272 = arith.cmpi sle, %gather3A_271, %add3A_214 : vector<16xi32>
      %select_n3A_273 = arith.select %le3A_272, %add3A_270, %select_n3A_267 : vector<16xi1>, vector<16xi32>
      %add3A_274 = arith.constant 8 : i32
      %add3A_275 = vector.broadcast %add3A_274 : i32 to vector<16xi32>
      %add3A_276 = arith.addi %select_n3A_273, %add3A_275 : vector<16xi32>
      %gather3A_277 = tpu.vector_load_idx %arg7[%add3A_276] : memref<16384xi32, #tpu.memory_space<vmem>>[vector<16xi32>], vector<16xi32>,
      %le3A_278 = arith.cmpi sle, %gather3A_277, %add3A_214 : vector<16xi32>
      %select_n3A_279 = arith.select %le3A_278, %add3A_276, %select_n3A_273 : vector<16xi1>, vector<16xi32>
      %add3A_280 = arith.constant 4 : i32
      %add3A_281 = vector.broadcast %add3A_280 : i32 to vector<16xi32>
      %add3A_282 = arith.addi %select_n3A_279, %add3A_281 : vector<16xi32>
      %gather3A_283 = tpu.vector_load_idx %arg7[%add3A_282] : memref<16384xi32, #tpu.memory_space<vmem>>[vector<16xi32>], vector<16xi32>,
      %le3A_284 = arith.cmpi sle, %gather3A_283, %add3A_214 : vector<16xi32>
      %select_n3A_285 = arith.select %le3A_284, %add3A_282, %select_n3A_279 : vector<16xi1>, vector<16xi32>
      %add3A_286 = arith.constant 2 : i32
      %add3A_287 = vector.broadcast %add3A_286 : i32 to vector<16xi32>
      %add3A_288 = arith.addi %select_n3A_285, %add3A_287 : vector<16xi32>
      %gather3A_289 = tpu.vector_load_idx %arg7[%add3A_288] : memref<16384xi32, #tpu.memory_space<vmem>>[vector<16xi32>], vector<16xi32>,
      %le3A_290 = arith.cmpi sle, %gather3A_289, %add3A_214 : vector<16xi32>
      %select_n3A_291 = arith.select %le3A_290, %add3A_288, %select_n3A_285 : vector<16xi1>, vector<16xi32>
      %add3A_292 = arith.constant 1 : i32
      %add3A_293 = vector.broadcast %add3A_292 : i32 to vector<16xi32>
      %add3A_294 = arith.addi %select_n3A_291, %add3A_293 : vector<16xi32>
      %gather3A_295 = tpu.vector_load_idx %arg7[%add3A_294] : memref<16384xi32, #tpu.memory_space<vmem>>[vector<16xi32>], vector<16xi32>,
      %le3A_296 = arith.cmpi sle, %gather3A_295, %add3A_214 : vector<16xi32>
      %select_n3A_297 = arith.select %le3A_296, %add3A_294, %select_n3A_291 : vector<16xi1>, vector<16xi32>
      %swap3A_298 = arith.index_cast %scan3A_205 : i32 to index
      %swap3A_299 = arith.constant 0 : index
      %swap3A_300 = tpu.vector_load %arg9[%swap3A_298, %swap3A_299] {strides = array<i32>} : memref<32x128xi32, #tpu.memory_space<vmem>>, vector<16xi32>,
      tpu.vector_store %arg9[%swap3A_298, %swap3A_299], %select_n3A_297 {strides = array<i32>} : memref<32x128xi32, #tpu.memory_space<vmem>>, vector<16xi32>,
      %add3A_301 = arith.constant 16 : i32
      %add3A_302 = arith.addi %add3A_210, %add3A_301 : i32
      %add3A_303 = vector.broadcast %add3A_302 : i32 to vector<16xi32>
      %add3A_304 = arith.addi %add3A_303, %iota3A : vector<16xi32>
      %broadcast_in_dim3A_305 = arith.constant 0 : i32
      %broadcast_in_dim3A_306 = vector.broadcast %broadcast_in_dim3A_305 : i32 to vector<16xi32>
      %add3A_307 = arith.constant 8192 : i32
      %add3A_308 = vector.broadcast %add3A_307 : i32 to vector<16xi32>
      %add3A_309 = arith.addi %broadcast_in_dim3A_306, %add3A_308 : vector<16xi32>
      %gather3A_310 = tpu.vector_load_idx %arg7[%add3A_309] : memref<16384xi32, #tpu.memory_space<vmem>>[vector<16xi32>], vector<16xi32>,
      %le3A_311 = arith.cmpi sle, %gather3A_310, %add3A_304 : vector<16xi32>
      %select_n3A_312 = arith.select %le3A_311, %add3A_309, %broadcast_in_dim3A_306 : vector<16xi1>, vector<16xi32>
      %add3A_313 = arith.constant 4096 : i32
      %add3A_314 = vector.broadcast %add3A_313 : i32 to vector<16xi32>
      %add3A_315 = arith.addi %select_n3A_312, %add3A_314 : vector<16xi32>
      %gather3A_316 = tpu.vector_load_idx %arg7[%add3A_315] : memref<16384xi32, #tpu.memory_space<vmem>>[vector<16xi32>], vector<16xi32>,
      %le3A_317 = arith.cmpi sle, %gather3A_316, %add3A_304 : vector<16xi32>
      %select_n3A_318 = arith.select %le3A_317, %add3A_315, %select_n3A_312 : vector<16xi1>, vector<16xi32>
      %add3A_319 = arith.constant 2048 : i32
      %add3A_320 = vector.broadcast %add3A_319 : i32 to vector<16xi32>
      %add3A_321 = arith.addi %select_n3A_318, %add3A_320 : vector<16xi32>
      %gather3A_322 = tpu.vector_load_idx %arg7[%add3A_321] : memref<16384xi32, #tpu.memory_space<vmem>>[vector<16xi32>], vector<16xi32>,
      %le3A_323 = arith.cmpi sle, %gather3A_322, %add3A_304 : vector<16xi32>
      %select_n3A_324 = arith.select %le3A_323, %add3A_321, %select_n3A_318 : vector<16xi1>, vector<16xi32>
      %add3A_325 = arith.constant 1024 : i32
      %add3A_326 = vector.broadcast %add3A_325 : i32 to vector<16xi32>
      %add3A_327 = arith.addi %select_n3A_324, %add3A_326 : vector<16xi32>
      %gather3A_328 = tpu.vector_load_idx %arg7[%add3A_327] : memref<16384xi32, #tpu.memory_space<vmem>>[vector<16xi32>], vector<16xi32>,
      %le3A_329 = arith.cmpi sle, %gather3A_328, %add3A_304 : vector<16xi32>
      %select_n3A_330 = arith.select %le3A_329, %add3A_327, %select_n3A_324 : vector<16xi1>, vector<16xi32>
      %add3A_331 = arith.constant 512 : i32
      %add3A_332 = vector.broadcast %add3A_331 : i32 to vector<16xi32>
      %add3A_333 = arith.addi %select_n3A_330, %add3A_332 : vector<16xi32>
      %gather3A_334 = tpu.vector_load_idx %arg7[%add3A_333] : memref<16384xi32, #tpu.memory_space<vmem>>[vector<16xi32>], vector<16xi32>,
      %le3A_335 = arith.cmpi sle, %gather3A_334, %add3A_304 : vector<16xi32>
      %select_n3A_336 = arith.select %le3A_335, %add3A_333, %select_n3A_330 : vector<16xi1>, vector<16xi32>
      %add3A_337 = arith.constant 256 : i32
      %add3A_338 = vector.broadcast %add3A_337 : i32 to vector<16xi32>
      %add3A_339 = arith.addi %select_n3A_336, %add3A_338 : vector<16xi32>
      %gather3A_340 = tpu.vector_load_idx %arg7[%add3A_339] : memref<16384xi32, #tpu.memory_space<vmem>>[vector<16xi32>], vector<16xi32>,
      %le3A_341 = arith.cmpi sle, %gather3A_340, %add3A_304 : vector<16xi32>
      %select_n3A_342 = arith.select %le3A_341, %add3A_339, %select_n3A_336 : vector<16xi1>, vector<16xi32>
      %add3A_343 = arith.constant 128 : i32
      %add3A_344 = vector.broadcast %add3A_343 : i32 to vector<16xi32>
      %add3A_345 = arith.addi %select_n3A_342, %add3A_344 : vector<16xi32>
      %gather3A_346 = tpu.vector_load_idx %arg7[%add3A_345] : memref<16384xi32, #tpu.memory_space<vmem>>[vector<16xi32>], vector<16xi32>,
      %le3A_347 = arith.cmpi sle, %gather3A_346, %add3A_304 : vector<16xi32>
      %select_n3A_348 = arith.select %le3A_347, %add3A_345, %select_n3A_342 : vector<16xi1>, vector<16xi32>
      %add3A_349 = arith.constant 64 : i32
      %add3A_350 = vector.broadcast %add3A_349 : i32 to vector<16xi32>
      %add3A_351 = arith.addi %select_n3A_348, %add3A_350 : vector<16xi32>
      %gather3A_352 = tpu.vector_load_idx %arg7[%add3A_351] : memref<16384xi32, #tpu.memory_space<vmem>>[vector<16xi32>], vector<16xi32>,
      %le3A_353 = arith.cmpi sle, %gather3A_352, %add3A_304 : vector<16xi32>
      %select_n3A_354 = arith.select %le3A_353, %add3A_351, %select_n3A_348 : vector<16xi1>, vector<16xi32>
      %add3A_355 = arith.constant 32 : i32
      %add3A_356 = vector.broadcast %add3A_355 : i32 to vector<16xi32>
      %add3A_357 = arith.addi %select_n3A_354, %add3A_356 : vector<16xi32>
      %gather3A_358 = tpu.vector_load_idx %arg7[%add3A_357] : memref<16384xi32, #tpu.memory_space<vmem>>[vector<16xi32>], vector<16xi32>,
      %le3A_359 = arith.cmpi sle, %gather3A_358, %add3A_304 : vector<16xi32>
      %select_n3A_360 = arith.select %le3A_359, %add3A_357, %select_n3A_354 : vector<16xi1>, vector<16xi32>
      %add3A_361 = arith.constant 16 : i32
      %add3A_362 = vector.broadcast %add3A_361 : i32 to vector<16xi32>
      %add3A_363 = arith.addi %select_n3A_360, %add3A_362 : vector<16xi32>
      %gather3A_364 = tpu.vector_load_idx %arg7[%add3A_363] : memref<16384xi32, #tpu.memory_space<vmem>>[vector<16xi32>], vector<16xi32>,
      %le3A_365 = arith.cmpi sle, %gather3A_364, %add3A_304 : vector<16xi32>
      %select_n3A_366 = arith.select %le3A_365, %add3A_363, %select_n3A_360 : vector<16xi1>, vector<16xi32>
      %add3A_367 = arith.constant 8 : i32
      %add3A_368 = vector.broadcast %add3A_367 : i32 to vector<16xi32>
      %add3A_369 = arith.addi %select_n3A_366, %add3A_368 : vector<16xi32>
      %gather3A_370 = tpu.vector_load_idx %arg7[%add3A_369] : memref<16384xi32, #tpu.memory_space<vmem>>[vector<16xi32>], vector<16xi32>,
      %le3A_371 = arith.cmpi sle, %gather3A_370, %add3A_304 : vector<16xi32>
      %select_n3A_372 = arith.select %le3A_371, %add3A_369, %select_n3A_366 : vector<16xi1>, vector<16xi32>
      %add3A_373 = arith.constant 4 : i32
      %add3A_374 = vector.broadcast %add3A_373 : i32 to vector<16xi32>
      %add3A_375 = arith.addi %select_n3A_372, %add3A_374 : vector<16xi32>
      %gather3A_376 = tpu.vector_load_idx %arg7[%add3A_375] : memref<16384xi32, #tpu.memory_space<vmem>>[vector<16xi32>], vector<16xi32>,
      %le3A_377 = arith.cmpi sle, %gather3A_376, %add3A_304 : vector<16xi32>
      %select_n3A_378 = arith.select %le3A_377, %add3A_375, %select_n3A_372 : vector<16xi1>, vector<16xi32>
      %add3A_379 = arith.constant 2 : i32
      %add3A_380 = vector.broadcast %add3A_379 : i32 to vector<16xi32>
      %add3A_381 = arith.addi %select_n3A_378, %add3A_380 : vector<16xi32>
      %gather3A_382 = tpu.vector_load_idx %arg7[%add3A_381] : memref<16384xi32, #tpu.memory_space<vmem>>[vector<16xi32>], vector<16xi32>,
      %le3A_383 = arith.cmpi sle, %gather3A_382, %add3A_304 : vector<16xi32>
      %select_n3A_384 = arith.select %le3A_383, %add3A_381, %select_n3A_378 : vector<16xi1>, vector<16xi32>
      %add3A_385 = arith.constant 1 : i32
      %add3A_386 = vector.broadcast %add3A_385 : i32 to vector<16xi32>
      %add3A_387 = arith.addi %select_n3A_384, %add3A_386 : vector<16xi32>
      %gather3A_388 = tpu.vector_load_idx %arg7[%add3A_387] : memref<16384xi32, #tpu.memory_space<vmem>>[vector<16xi32>], vector<16xi32>,
      %le3A_389 = arith.cmpi sle, %gather3A_388, %add3A_304 : vector<16xi32>
      %select_n3A_390 = arith.select %le3A_389, %add3A_387, %select_n3A_384 : vector<16xi1>, vector<16xi32>
      %swap3A_391 = arith.index_cast %scan3A_205 : i32 to index
      %swap3A_392 = arith.constant 16 : index
      %swap3A_393 = tpu.vector_load %arg9[%swap3A_391, %swap3A_392] {strides = array<i32>} : memref<32x128xi32, #tpu.memory_space<vmem>>, vector<16xi32>,
      tpu.vector_store %arg9[%swap3A_391, %swap3A_392], %select_n3A_390 {strides = array<i32>} : memref<32x128xi32, #tpu.memory_space<vmem>>, vector<16xi32>,
      %add3A_394 = arith.constant 32 : i32
      %add3A_395 = arith.addi %add3A_210, %add3A_394 : i32
      %add3A_396 = vector.broadcast %add3A_395 : i32 to vector<16xi32>
      %add3A_397 = arith.addi %add3A_396, %iota3A : vector<16xi32>
      %broadcast_in_dim3A_398 = arith.constant 0 : i32
      %broadcast_in_dim3A_399 = vector.broadcast %broadcast_in_dim3A_398 : i32 to vector<16xi32>
      %add3A_400 = arith.constant 8192 : i32
      %add3A_401 = vector.broadcast %add3A_400 : i32 to vector<16xi32>
      %add3A_402 = arith.addi %broadcast_in_dim3A_399, %add3A_401 : vector<16xi32>
      %gather3A_403 = tpu.vector_load_idx %arg7[%add3A_402] : memref<16384xi32, #tpu.memory_space<vmem>>[vector<16xi32>], vector<16xi32>,
      %le3A_404 = arith.cmpi sle, %gather3A_403, %add3A_397 : vector<16xi32>
      %select_n3A_405 = arith.select %le3A_404, %add3A_402, %broadcast_in_dim3A_399 : vector<16xi1>, vector<16xi32>
      %add3A_406 = arith.constant 4096 : i32
      %add3A_407 = vector.broadcast %add3A_406 : i32 to vector<16xi32>
      %add3A_408 = arith.addi %select_n3A_405, %add3A_407 : vector<16xi32>
      %gather3A_409 = tpu.vector_load_idx %arg7[%add3A_408] : memref<16384xi32, #tpu.memory_space<vmem>>[vector<16xi32>], vector<16xi32>,
      %le3A_410 = arith.cmpi sle, %gather3A_409, %add3A_397 : vector<16xi32>
      %select_n3A_411 = arith.select %le3A_410, %add3A_408, %select_n3A_405 : vector<16xi1>, vector<16xi32>
      %add3A_412 = arith.constant 2048 : i32
      %add3A_413 = vector.broadcast %add3A_412 : i32 to vector<16xi32>
      %add3A_414 = arith.addi %select_n3A_411, %add3A_413 : vector<16xi32>
      %gather3A_415 = tpu.vector_load_idx %arg7[%add3A_414] : memref<16384xi32, #tpu.memory_space<vmem>>[vector<16xi32>], vector<16xi32>,
      %le3A_416 = arith.cmpi sle, %gather3A_415, %add3A_397 : vector<16xi32>
      %select_n3A_417 = arith.select %le3A_416, %add3A_414, %select_n3A_411 : vector<16xi1>, vector<16xi32>
      %add3A_418 = arith.constant 1024 : i32
      %add3A_419 = vector.broadcast %add3A_418 : i32 to vector<16xi32>
      %add3A_420 = arith.addi %select_n3A_417, %add3A_419 : vector<16xi32>
      %gather3A_421 = tpu.vector_load_idx %arg7[%add3A_420] : memref<16384xi32, #tpu.memory_space<vmem>>[vector<16xi32>], vector<16xi32>,
      %le3A_422 = arith.cmpi sle, %gather3A_421, %add3A_397 : vector<16xi32>
      %select_n3A_423 = arith.select %le3A_422, %add3A_420, %select_n3A_417 : vector<16xi1>, vector<16xi32>
      %add3A_424 = arith.constant 512 : i32
      %add3A_425 = vector.broadcast %add3A_424 : i32 to vector<16xi32>
      %add3A_426 = arith.addi %select_n3A_423, %add3A_425 : vector<16xi32>
      %gather3A_427 = tpu.vector_load_idx %arg7[%add3A_426] : memref<16384xi32, #tpu.memory_space<vmem>>[vector<16xi32>], vector<16xi32>,
      %le3A_428 = arith.cmpi sle, %gather3A_427, %add3A_397 : vector<16xi32>
      %select_n3A_429 = arith.select %le3A_428, %add3A_426, %select_n3A_423 : vector<16xi1>, vector<16xi32>
      %add3A_430 = arith.constant 256 : i32
      %add3A_431 = vector.broadcast %add3A_430 : i32 to vector<16xi32>
      %add3A_432 = arith.addi %select_n3A_429, %add3A_431 : vector<16xi32>
      %gather3A_433 = tpu.vector_load_idx %arg7[%add3A_432] : memref<16384xi32, #tpu.memory_space<vmem>>[vector<16xi32>], vector<16xi32>,
      %le3A_434 = arith.cmpi sle, %gather3A_433, %add3A_397 : vector<16xi32>
      %select_n3A_435 = arith.select %le3A_434, %add3A_432, %select_n3A_429 : vector<16xi1>, vector<16xi32>
      %add3A_436 = arith.constant 128 : i32
      %add3A_437 = vector.broadcast %add3A_436 : i32 to vector<16xi32>
      %add3A_438 = arith.addi %select_n3A_435, %add3A_437 : vector<16xi32>
      %gather3A_439 = tpu.vector_load_idx %arg7[%add3A_438] : memref<16384xi32, #tpu.memory_space<vmem>>[vector<16xi32>], vector<16xi32>,
      %le3A_440 = arith.cmpi sle, %gather3A_439, %add3A_397 : vector<16xi32>
      %select_n3A_441 = arith.select %le3A_440, %add3A_438, %select_n3A_435 : vector<16xi1>, vector<16xi32>
      %add3A_442 = arith.constant 64 : i32
      %add3A_443 = vector.broadcast %add3A_442 : i32 to vector<16xi32>
      %add3A_444 = arith.addi %select_n3A_441, %add3A_443 : vector<16xi32>
      %gather3A_445 = tpu.vector_load_idx %arg7[%add3A_444] : memref<16384xi32, #tpu.memory_space<vmem>>[vector<16xi32>], vector<16xi32>,
      %le3A_446 = arith.cmpi sle, %gather3A_445, %add3A_397 : vector<16xi32>
      %select_n3A_447 = arith.select %le3A_446, %add3A_444, %select_n3A_441 : vector<16xi1>, vector<16xi32>
      %add3A_448 = arith.constant 32 : i32
      %add3A_449 = vector.broadcast %add3A_448 : i32 to vector<16xi32>
      %add3A_450 = arith.addi %select_n3A_447, %add3A_449 : vector<16xi32>
      %gather3A_451 = tpu.vector_load_idx %arg7[%add3A_450] : memref<16384xi32, #tpu.memory_space<vmem>>[vector<16xi32>], vector<16xi32>,
      %le3A_452 = arith.cmpi sle, %gather3A_451, %add3A_397 : vector<16xi32>
      %select_n3A_453 = arith.select %le3A_452, %add3A_450, %select_n3A_447 : vector<16xi1>, vector<16xi32>
      %add3A_454 = arith.constant 16 : i32
      %add3A_455 = vector.broadcast %add3A_454 : i32 to vector<16xi32>
      %add3A_456 = arith.addi %select_n3A_453, %add3A_455 : vector<16xi32>
      %gather3A_457 = tpu.vector_load_idx %arg7[%add3A_456] : memref<16384xi32, #tpu.memory_space<vmem>>[vector<16xi32>], vector<16xi32>,
      %le3A_458 = arith.cmpi sle, %gather3A_457, %add3A_397 : vector<16xi32>
      %select_n3A_459 = arith.select %le3A_458, %add3A_456, %select_n3A_453 : vector<16xi1>, vector<16xi32>
      %add3A_460 = arith.constant 8 : i32
      %add3A_461 = vector.broadcast %add3A_460 : i32 to vector<16xi32>
      %add3A_462 = arith.addi %select_n3A_459, %add3A_461 : vector<16xi32>
      %gather3A_463 = tpu.vector_load_idx %arg7[%add3A_462] : memref<16384xi32, #tpu.memory_space<vmem>>[vector<16xi32>], vector<16xi32>,
      %le3A_464 = arith.cmpi sle, %gather3A_463, %add3A_397 : vector<16xi32>
      %select_n3A_465 = arith.select %le3A_464, %add3A_462, %select_n3A_459 : vector<16xi1>, vector<16xi32>
      %add3A_466 = arith.constant 4 : i32
      %add3A_467 = vector.broadcast %add3A_466 : i32 to vector<16xi32>
      %add3A_468 = arith.addi %select_n3A_465, %add3A_467 : vector<16xi32>
      %gather3A_469 = tpu.vector_load_idx %arg7[%add3A_468] : memref<16384xi32, #tpu.memory_space<vmem>>[vector<16xi32>], vector<16xi32>,
      %le3A_470 = arith.cmpi sle, %gather3A_469, %add3A_397 : vector<16xi32>
      %select_n3A_471 = arith.select %le3A_470, %add3A_468, %select_n3A_465 : vector<16xi1>, vector<16xi32>
      %add3A_472 = arith.constant 2 : i32
      %add3A_473 = vector.broadcast %add3A_472 : i32 to vector<16xi32>
      %add3A_474 = arith.addi %select_n3A_471, %add3A_473 : vector<16xi32>
      %gather3A_475 = tpu.vector_load_idx %arg7[%add3A_474] : memref<16384xi32, #tpu.memory_space<vmem>>[vector<16xi32>], vector<16xi32>,
      %le3A_476 = arith.cmpi sle, %gather3A_475, %add3A_397 : vector<16xi32>
      %select_n3A_477 = arith.select %le3A_476, %add3A_474, %select_n3A_471 : vector<16xi1>, vector<16xi32>
      %add3A_478 = arith.constant 1 : i32
      %add3A_479 = vector.broadcast %add3A_478 : i32 to vector<16xi32>
      %add3A_480 = arith.addi %select_n3A_477, %add3A_479 : vector<16xi32>
      %gather3A_481 = tpu.vector_load_idx %arg7[%add3A_480] : memref<16384xi32, #tpu.memory_space<vmem>>[vector<16xi32>], vector<16xi32>,
      %le3A_482 = arith.cmpi sle, %gather3A_481, %add3A_397 : vector<16xi32>
      %select_n3A_483 = arith.select %le3A_482, %add3A_480, %select_n3A_477 : vector<16xi1>, vector<16xi32>
      %swap3A_484 = arith.index_cast %scan3A_205 : i32 to index
      %swap3A_485 = arith.constant 32 : index
      %swap3A_486 = tpu.vector_load %arg9[%swap3A_484, %swap3A_485] {strides = array<i32>} : memref<32x128xi32, #tpu.memory_space<vmem>>, vector<16xi32>,
      tpu.vector_store %arg9[%swap3A_484, %swap3A_485], %select_n3A_483 {strides = array<i32>} : memref<32x128xi32, #tpu.memory_space<vmem>>, vector<16xi32>,
      %add3A_487 = arith.constant 48 : i32
      %add3A_488 = arith.addi %add3A_210, %add3A_487 : i32
      %add3A_489 = vector.broadcast %add3A_488 : i32 to vector<16xi32>
      %add3A_490 = arith.addi %add3A_489, %iota3A : vector<16xi32>
      %broadcast_in_dim3A_491 = arith.constant 0 : i32
      %broadcast_in_dim3A_492 = vector.broadcast %broadcast_in_dim3A_491 : i32 to vector<16xi32>
      %add3A_493 = arith.constant 8192 : i32
      %add3A_494 = vector.broadcast %add3A_493 : i32 to vector<16xi32>
      %add3A_495 = arith.addi %broadcast_in_dim3A_492, %add3A_494 : vector<16xi32>
      %gather3A_496 = tpu.vector_load_idx %arg7[%add3A_495] : memref<16384xi32, #tpu.memory_space<vmem>>[vector<16xi32>], vector<16xi32>,
      %le3A_497 = arith.cmpi sle, %gather3A_496, %add3A_490 : vector<16xi32>
      %select_n3A_498 = arith.select %le3A_497, %add3A_495, %broadcast_in_dim3A_492 : vector<16xi1>, vector<16xi32>
      %add3A_499 = arith.constant 4096 : i32
      %add3A_500 = vector.broadcast %add3A_499 : i32 to vector<16xi32>
      %add3A_501 = arith.addi %select_n3A_498, %add3A_500 : vector<16xi32>
      %gather3A_502 = tpu.vector_load_idx %arg7[%add3A_501] : memref<16384xi32, #tpu.memory_space<vmem>>[vector<16xi32>], vector<16xi32>,
      %le3A_503 = arith.cmpi sle, %gather3A_502, %add3A_490 : vector<16xi32>
      %select_n3A_504 = arith.select %le3A_503, %add3A_501, %select_n3A_498 : vector<16xi1>, vector<16xi32>
      %add3A_505 = arith.constant 2048 : i32
      %add3A_506 = vector.broadcast %add3A_505 : i32 to vector<16xi32>
      %add3A_507 = arith.addi %select_n3A_504, %add3A_506 : vector<16xi32>
      %gather3A_508 = tpu.vector_load_idx %arg7[%add3A_507] : memref<16384xi32, #tpu.memory_space<vmem>>[vector<16xi32>], vector<16xi32>,
      %le3A_509 = arith.cmpi sle, %gather3A_508, %add3A_490 : vector<16xi32>
      %select_n3A_510 = arith.select %le3A_509, %add3A_507, %select_n3A_504 : vector<16xi1>, vector<16xi32>
      %add3A_511 = arith.constant 1024 : i32
      %add3A_512 = vector.broadcast %add3A_511 : i32 to vector<16xi32>
      %add3A_513 = arith.addi %select_n3A_510, %add3A_512 : vector<16xi32>
      %gather3A_514 = tpu.vector_load_idx %arg7[%add3A_513] : memref<16384xi32, #tpu.memory_space<vmem>>[vector<16xi32>], vector<16xi32>,
      %le3A_515 = arith.cmpi sle, %gather3A_514, %add3A_490 : vector<16xi32>
      %select_n3A_516 = arith.select %le3A_515, %add3A_513, %select_n3A_510 : vector<16xi1>, vector<16xi32>
      %add3A_517 = arith.constant 512 : i32
      %add3A_518 = vector.broadcast %add3A_517 : i32 to vector<16xi32>
      %add3A_519 = arith.addi %select_n3A_516, %add3A_518 : vector<16xi32>
      %gather3A_520 = tpu.vector_load_idx %arg7[%add3A_519] : memref<16384xi32, #tpu.memory_space<vmem>>[vector<16xi32>], vector<16xi32>,
      %le3A_521 = arith.cmpi sle, %gather3A_520, %add3A_490 : vector<16xi32>
      %select_n3A_522 = arith.select %le3A_521, %add3A_519, %select_n3A_516 : vector<16xi1>, vector<16xi32>
      %add3A_523 = arith.constant 256 : i32
      %add3A_524 = vector.broadcast %add3A_523 : i32 to vector<16xi32>
      %add3A_525 = arith.addi %select_n3A_522, %add3A_524 : vector<16xi32>
      %gather3A_526 = tpu.vector_load_idx %arg7[%add3A_525] : memref<16384xi32, #tpu.memory_space<vmem>>[vector<16xi32>], vector<16xi32>,
      %le3A_527 = arith.cmpi sle, %gather3A_526, %add3A_490 : vector<16xi32>
      %select_n3A_528 = arith.select %le3A_527, %add3A_525, %select_n3A_522 : vector<16xi1>, vector<16xi32>
      %add3A_529 = arith.constant 128 : i32
      %add3A_530 = vector.broadcast %add3A_529 : i32 to vector<16xi32>
      %add3A_531 = arith.addi %select_n3A_528, %add3A_530 : vector<16xi32>
      %gather3A_532 = tpu.vector_load_idx %arg7[%add3A_531] : memref<16384xi32, #tpu.memory_space<vmem>>[vector<16xi32>], vector<16xi32>,
      %le3A_533 = arith.cmpi sle, %gather3A_532, %add3A_490 : vector<16xi32>
      %select_n3A_534 = arith.select %le3A_533, %add3A_531, %select_n3A_528 : vector<16xi1>, vector<16xi32>
      %add3A_535 = arith.constant 64 : i32
      %add3A_536 = vector.broadcast %add3A_535 : i32 to vector<16xi32>
      %add3A_537 = arith.addi %select_n3A_534, %add3A_536 : vector<16xi32>
      %gather3A_538 = tpu.vector_load_idx %arg7[%add3A_537] : memref<16384xi32, #tpu.memory_space<vmem>>[vector<16xi32>], vector<16xi32>,
      %le3A_539 = arith.cmpi sle, %gather3A_538, %add3A_490 : vector<16xi32>
      %select_n3A_540 = arith.select %le3A_539, %add3A_537, %select_n3A_534 : vector<16xi1>, vector<16xi32>
      %add3A_541 = arith.constant 32 : i32
      %add3A_542 = vector.broadcast %add3A_541 : i32 to vector<16xi32>
      %add3A_543 = arith.addi %select_n3A_540, %add3A_542 : vector<16xi32>
      %gather3A_544 = tpu.vector_load_idx %arg7[%add3A_543] : memref<16384xi32, #tpu.memory_space<vmem>>[vector<16xi32>], vector<16xi32>,
      %le3A_545 = arith.cmpi sle, %gather3A_544, %add3A_490 : vector<16xi32>
      %select_n3A_546 = arith.select %le3A_545, %add3A_543, %select_n3A_540 : vector<16xi1>, vector<16xi32>
      %add3A_547 = arith.constant 16 : i32
      %add3A_548 = vector.broadcast %add3A_547 : i32 to vector<16xi32>
      %add3A_549 = arith.addi %select_n3A_546, %add3A_548 : vector<16xi32>
      %gather3A_550 = tpu.vector_load_idx %arg7[%add3A_549] : memref<16384xi32, #tpu.memory_space<vmem>>[vector<16xi32>], vector<16xi32>,
      %le3A_551 = arith.cmpi sle, %gather3A_550, %add3A_490 : vector<16xi32>
      %select_n3A_552 = arith.select %le3A_551, %add3A_549, %select_n3A_546 : vector<16xi1>, vector<16xi32>
      %add3A_553 = arith.constant 8 : i32
      %add3A_554 = vector.broadcast %add3A_553 : i32 to vector<16xi32>
      %add3A_555 = arith.addi %select_n3A_552, %add3A_554 : vector<16xi32>
      %gather3A_556 = tpu.vector_load_idx %arg7[%add3A_555] : memref<16384xi32, #tpu.memory_space<vmem>>[vector<16xi32>], vector<16xi32>,
      %le3A_557 = arith.cmpi sle, %gather3A_556, %add3A_490 : vector<16xi32>
      %select_n3A_558 = arith.select %le3A_557, %add3A_555, %select_n3A_552 : vector<16xi1>, vector<16xi32>
      %add3A_559 = arith.constant 4 : i32
      %add3A_560 = vector.broadcast %add3A_559 : i32 to vector<16xi32>
      %add3A_561 = arith.addi %select_n3A_558, %add3A_560 : vector<16xi32>
      %gather3A_562 = tpu.vector_load_idx %arg7[%add3A_561] : memref<16384xi32, #tpu.memory_space<vmem>>[vector<16xi32>], vector<16xi32>,
      %le3A_563 = arith.cmpi sle, %gather3A_562, %add3A_490 : vector<16xi32>
      %select_n3A_564 = arith.select %le3A_563, %add3A_561, %select_n3A_558 : vector<16xi1>, vector<16xi32>
      %add3A_565 = arith.constant 2 : i32
      %add3A_566 = vector.broadcast %add3A_565 : i32 to vector<16xi32>
      %add3A_567 = arith.addi %select_n3A_564, %add3A_566 : vector<16xi32>
      %gather3A_568 = tpu.vector_load_idx %arg7[%add3A_567] : memref<16384xi32, #tpu.memory_space<vmem>>[vector<16xi32>], vector<16xi32>,
      %le3A_569 = arith.cmpi sle, %gather3A_568, %add3A_490 : vector<16xi32>
      %select_n3A_570 = arith.select %le3A_569, %add3A_567, %select_n3A_564 : vector<16xi1>, vector<16xi32>
      %add3A_571 = arith.constant 1 : i32
      %add3A_572 = vector.broadcast %add3A_571 : i32 to vector<16xi32>
      %add3A_573 = arith.addi %select_n3A_570, %add3A_572 : vector<16xi32>
      %gather3A_574 = tpu.vector_load_idx %arg7[%add3A_573] : memref<16384xi32, #tpu.memory_space<vmem>>[vector<16xi32>], vector<16xi32>,
      %le3A_575 = arith.cmpi sle, %gather3A_574, %add3A_490 : vector<16xi32>
      %select_n3A_576 = arith.select %le3A_575, %add3A_573, %select_n3A_570 : vector<16xi1>, vector<16xi32>
      %swap3A_577 = arith.index_cast %scan3A_205 : i32 to index
      %swap3A_578 = arith.constant 48 : index
      %swap3A_579 = tpu.vector_load %arg9[%swap3A_577, %swap3A_578] {strides = array<i32>} : memref<32x128xi32, #tpu.memory_space<vmem>>, vector<16xi32>,
      tpu.vector_store %arg9[%swap3A_577, %swap3A_578], %select_n3A_576 {strides = array<i32>} : memref<32x128xi32, #tpu.memory_space<vmem>>, vector<16xi32>,
      %add3A_580 = arith.constant 64 : i32
      %add3A_581 = arith.addi %add3A_210, %add3A_580 : i32
      %add3A_582 = vector.broadcast %add3A_581 : i32 to vector<16xi32>
      %add3A_583 = arith.addi %add3A_582, %iota3A : vector<16xi32>
      %broadcast_in_dim3A_584 = arith.constant 0 : i32
      %broadcast_in_dim3A_585 = vector.broadcast %broadcast_in_dim3A_584 : i32 to vector<16xi32>
      %add3A_586 = arith.constant 8192 : i32
      %add3A_587 = vector.broadcast %add3A_586 : i32 to vector<16xi32>
      %add3A_588 = arith.addi %broadcast_in_dim3A_585, %add3A_587 : vector<16xi32>
      %gather3A_589 = tpu.vector_load_idx %arg7[%add3A_588] : memref<16384xi32, #tpu.memory_space<vmem>>[vector<16xi32>], vector<16xi32>,
      %le3A_590 = arith.cmpi sle, %gather3A_589, %add3A_583 : vector<16xi32>
      %select_n3A_591 = arith.select %le3A_590, %add3A_588, %broadcast_in_dim3A_585 : vector<16xi1>, vector<16xi32>
      %add3A_592 = arith.constant 4096 : i32
      %add3A_593 = vector.broadcast %add3A_592 : i32 to vector<16xi32>
      %add3A_594 = arith.addi %select_n3A_591, %add3A_593 : vector<16xi32>
      %gather3A_595 = tpu.vector_load_idx %arg7[%add3A_594] : memref<16384xi32, #tpu.memory_space<vmem>>[vector<16xi32>], vector<16xi32>,
      %le3A_596 = arith.cmpi sle, %gather3A_595, %add3A_583 : vector<16xi32>
      %select_n3A_597 = arith.select %le3A_596, %add3A_594, %select_n3A_591 : vector<16xi1>, vector<16xi32>
      %add3A_598 = arith.constant 2048 : i32
      %add3A_599 = vector.broadcast %add3A_598 : i32 to vector<16xi32>
      %add3A_600 = arith.addi %select_n3A_597, %add3A_599 : vector<16xi32>
      %gather3A_601 = tpu.vector_load_idx %arg7[%add3A_600] : memref<16384xi32, #tpu.memory_space<vmem>>[vector<16xi32>], vector<16xi32>,
      %le3A_602 = arith.cmpi sle, %gather3A_601, %add3A_583 : vector<16xi32>
      %select_n3A_603 = arith.select %le3A_602, %add3A_600, %select_n3A_597 : vector<16xi1>, vector<16xi32>
      %add3A_604 = arith.constant 1024 : i32
      %add3A_605 = vector.broadcast %add3A_604 : i32 to vector<16xi32>
      %add3A_606 = arith.addi %select_n3A_603, %add3A_605 : vector<16xi32>
      %gather3A_607 = tpu.vector_load_idx %arg7[%add3A_606] : memref<16384xi32, #tpu.memory_space<vmem>>[vector<16xi32>], vector<16xi32>,
      %le3A_608 = arith.cmpi sle, %gather3A_607, %add3A_583 : vector<16xi32>
      %select_n3A_609 = arith.select %le3A_608, %add3A_606, %select_n3A_603 : vector<16xi1>, vector<16xi32>
      %add3A_610 = arith.constant 512 : i32
      %add3A_611 = vector.broadcast %add3A_610 : i32 to vector<16xi32>
      %add3A_612 = arith.addi %select_n3A_609, %add3A_611 : vector<16xi32>
      %gather3A_613 = tpu.vector_load_idx %arg7[%add3A_612] : memref<16384xi32, #tpu.memory_space<vmem>>[vector<16xi32>], vector<16xi32>,
      %le3A_614 = arith.cmpi sle, %gather3A_613, %add3A_583 : vector<16xi32>
      %select_n3A_615 = arith.select %le3A_614, %add3A_612, %select_n3A_609 : vector<16xi1>, vector<16xi32>
      %add3A_616 = arith.constant 256 : i32
      %add3A_617 = vector.broadcast %add3A_616 : i32 to vector<16xi32>
      %add3A_618 = arith.addi %select_n3A_615, %add3A_617 : vector<16xi32>
      %gather3A_619 = tpu.vector_load_idx %arg7[%add3A_618] : memref<16384xi32, #tpu.memory_space<vmem>>[vector<16xi32>], vector<16xi32>,
      %le3A_620 = arith.cmpi sle, %gather3A_619, %add3A_583 : vector<16xi32>
      %select_n3A_621 = arith.select %le3A_620, %add3A_618, %select_n3A_615 : vector<16xi1>, vector<16xi32>
      %add3A_622 = arith.constant 128 : i32
      %add3A_623 = vector.broadcast %add3A_622 : i32 to vector<16xi32>
      %add3A_624 = arith.addi %select_n3A_621, %add3A_623 : vector<16xi32>
      %gather3A_625 = tpu.vector_load_idx %arg7[%add3A_624] : memref<16384xi32, #tpu.memory_space<vmem>>[vector<16xi32>], vector<16xi32>,
      %le3A_626 = arith.cmpi sle, %gather3A_625, %add3A_583 : vector<16xi32>
      %select_n3A_627 = arith.select %le3A_626, %add3A_624, %select_n3A_621 : vector<16xi1>, vector<16xi32>
      %add3A_628 = arith.constant 64 : i32
      %add3A_629 = vector.broadcast %add3A_628 : i32 to vector<16xi32>
      %add3A_630 = arith.addi %select_n3A_627, %add3A_629 : vector<16xi32>
      %gather3A_631 = tpu.vector_load_idx %arg7[%add3A_630] : memref<16384xi32, #tpu.memory_space<vmem>>[vector<16xi32>], vector<16xi32>,
      %le3A_632 = arith.cmpi sle, %gather3A_631, %add3A_583 : vector<16xi32>
      %select_n3A_633 = arith.select %le3A_632, %add3A_630, %select_n3A_627 : vector<16xi1>, vector<16xi32>
      %add3A_634 = arith.constant 32 : i32
      %add3A_635 = vector.broadcast %add3A_634 : i32 to vector<16xi32>
      %add3A_636 = arith.addi %select_n3A_633, %add3A_635 : vector<16xi32>
      %gather3A_637 = tpu.vector_load_idx %arg7[%add3A_636] : memref<16384xi32, #tpu.memory_space<vmem>>[vector<16xi32>], vector<16xi32>,
      %le3A_638 = arith.cmpi sle, %gather3A_637, %add3A_583 : vector<16xi32>
      %select_n3A_639 = arith.select %le3A_638, %add3A_636, %select_n3A_633 : vector<16xi1>, vector<16xi32>
      %add3A_640 = arith.constant 16 : i32
      %add3A_641 = vector.broadcast %add3A_640 : i32 to vector<16xi32>
      %add3A_642 = arith.addi %select_n3A_639, %add3A_641 : vector<16xi32>
      %gather3A_643 = tpu.vector_load_idx %arg7[%add3A_642] : memref<16384xi32, #tpu.memory_space<vmem>>[vector<16xi32>], vector<16xi32>,
      %le3A_644 = arith.cmpi sle, %gather3A_643, %add3A_583 : vector<16xi32>
      %select_n3A_645 = arith.select %le3A_644, %add3A_642, %select_n3A_639 : vector<16xi1>, vector<16xi32>
      %add3A_646 = arith.constant 8 : i32
      %add3A_647 = vector.broadcast %add3A_646 : i32 to vector<16xi32>
      %add3A_648 = arith.addi %select_n3A_645, %add3A_647 : vector<16xi32>
      %gather3A_649 = tpu.vector_load_idx %arg7[%add3A_648] : memref<16384xi32, #tpu.memory_space<vmem>>[vector<16xi32>], vector<16xi32>,
      %le3A_650 = arith.cmpi sle, %gather3A_649, %add3A_583 : vector<16xi32>
      %select_n3A_651 = arith.select %le3A_650, %add3A_648, %select_n3A_645 : vector<16xi1>, vector<16xi32>
      %add3A_652 = arith.constant 4 : i32
      %add3A_653 = vector.broadcast %add3A_652 : i32 to vector<16xi32>
      %add3A_654 = arith.addi %select_n3A_651, %add3A_653 : vector<16xi32>
      %gather3A_655 = tpu.vector_load_idx %arg7[%add3A_654] : memref<16384xi32, #tpu.memory_space<vmem>>[vector<16xi32>], vector<16xi32>,
      %le3A_656 = arith.cmpi sle, %gather3A_655, %add3A_583 : vector<16xi32>
      %select_n3A_657 = arith.select %le3A_656, %add3A_654, %select_n3A_651 : vector<16xi1>, vector<16xi32>
      %add3A_658 = arith.constant 2 : i32
      %add3A_659 = vector.broadcast %add3A_658 : i32 to vector<16xi32>
      %add3A_660 = arith.addi %select_n3A_657, %add3A_659 : vector<16xi32>
      %gather3A_661 = tpu.vector_load_idx %arg7[%add3A_660] : memref<16384xi32, #tpu.memory_space<vmem>>[vector<16xi32>], vector<16xi32>,
      %le3A_662 = arith.cmpi sle, %gather3A_661, %add3A_583 : vector<16xi32>
      %select_n3A_663 = arith.select %le3A_662, %add3A_660, %select_n3A_657 : vector<16xi1>, vector<16xi32>
      %add3A_664 = arith.constant 1 : i32
      %add3A_665 = vector.broadcast %add3A_664 : i32 to vector<16xi32>
      %add3A_666 = arith.addi %select_n3A_663, %add3A_665 : vector<16xi32>
      %gather3A_667 = tpu.vector_load_idx %arg7[%add3A_666] : memref<16384xi32, #tpu.memory_space<vmem>>[vector<16xi32>], vector<16xi32>,
      %le3A_668 = arith.cmpi sle, %gather3A_667, %add3A_583 : vector<16xi32>
      %select_n3A_669 = arith.select %le3A_668, %add3A_666, %select_n3A_663 : vector<16xi1>, vector<16xi32>
      %swap3A_670 = arith.index_cast %scan3A_205 : i32 to index
      %swap3A_671 = arith.constant 64 : index
      %swap3A_672 = tpu.vector_load %arg9[%swap3A_670, %swap3A_671] {strides = array<i32>} : memref<32x128xi32, #tpu.memory_space<vmem>>, vector<16xi32>,
      tpu.vector_store %arg9[%swap3A_670, %swap3A_671], %select_n3A_669 {strides = array<i32>} : memref<32x128xi32, #tpu.memory_space<vmem>>, vector<16xi32>,
      %add3A_673 = arith.constant 80 : i32
      %add3A_674 = arith.addi %add3A_210, %add3A_673 : i32
      %add3A_675 = vector.broadcast %add3A_674 : i32 to vector<16xi32>
      %add3A_676 = arith.addi %add3A_675, %iota3A : vector<16xi32>
      %broadcast_in_dim3A_677 = arith.constant 0 : i32
      %broadcast_in_dim3A_678 = vector.broadcast %broadcast_in_dim3A_677 : i32 to vector<16xi32>
      %add3A_679 = arith.constant 8192 : i32
      %add3A_680 = vector.broadcast %add3A_679 : i32 to vector<16xi32>
      %add3A_681 = arith.addi %broadcast_in_dim3A_678, %add3A_680 : vector<16xi32>
      %gather3A_682 = tpu.vector_load_idx %arg7[%add3A_681] : memref<16384xi32, #tpu.memory_space<vmem>>[vector<16xi32>], vector<16xi32>,
      %le3A_683 = arith.cmpi sle, %gather3A_682, %add3A_676 : vector<16xi32>
      %select_n3A_684 = arith.select %le3A_683, %add3A_681, %broadcast_in_dim3A_678 : vector<16xi1>, vector<16xi32>
      %add3A_685 = arith.constant 4096 : i32
      %add3A_686 = vector.broadcast %add3A_685 : i32 to vector<16xi32>
      %add3A_687 = arith.addi %select_n3A_684, %add3A_686 : vector<16xi32>
      %gather3A_688 = tpu.vector_load_idx %arg7[%add3A_687] : memref<16384xi32, #tpu.memory_space<vmem>>[vector<16xi32>], vector<16xi32>,
      %le3A_689 = arith.cmpi sle, %gather3A_688, %add3A_676 : vector<16xi32>
      %select_n3A_690 = arith.select %le3A_689, %add3A_687, %select_n3A_684 : vector<16xi1>, vector<16xi32>
      %add3A_691 = arith.constant 2048 : i32
      %add3A_692 = vector.broadcast %add3A_691 : i32 to vector<16xi32>
      %add3A_693 = arith.addi %select_n3A_690, %add3A_692 : vector<16xi32>
      %gather3A_694 = tpu.vector_load_idx %arg7[%add3A_693] : memref<16384xi32, #tpu.memory_space<vmem>>[vector<16xi32>], vector<16xi32>,
      %le3A_695 = arith.cmpi sle, %gather3A_694, %add3A_676 : vector<16xi32>
      %select_n3A_696 = arith.select %le3A_695, %add3A_693, %select_n3A_690 : vector<16xi1>, vector<16xi32>
      %add3A_697 = arith.constant 1024 : i32
      %add3A_698 = vector.broadcast %add3A_697 : i32 to vector<16xi32>
      %add3A_699 = arith.addi %select_n3A_696, %add3A_698 : vector<16xi32>
      %gather3A_700 = tpu.vector_load_idx %arg7[%add3A_699] : memref<16384xi32, #tpu.memory_space<vmem>>[vector<16xi32>], vector<16xi32>,
      %le3A_701 = arith.cmpi sle, %gather3A_700, %add3A_676 : vector<16xi32>
      %select_n3A_702 = arith.select %le3A_701, %add3A_699, %select_n3A_696 : vector<16xi1>, vector<16xi32>
      %add3A_703 = arith.constant 512 : i32
      %add3A_704 = vector.broadcast %add3A_703 : i32 to vector<16xi32>
      %add3A_705 = arith.addi %select_n3A_702, %add3A_704 : vector<16xi32>
      %gather3A_706 = tpu.vector_load_idx %arg7[%add3A_705] : memref<16384xi32, #tpu.memory_space<vmem>>[vector<16xi32>], vector<16xi32>,
      %le3A_707 = arith.cmpi sle, %gather3A_706, %add3A_676 : vector<16xi32>
      %select_n3A_708 = arith.select %le3A_707, %add3A_705, %select_n3A_702 : vector<16xi1>, vector<16xi32>
      %add3A_709 = arith.constant 256 : i32
      %add3A_710 = vector.broadcast %add3A_709 : i32 to vector<16xi32>
      %add3A_711 = arith.addi %select_n3A_708, %add3A_710 : vector<16xi32>
      %gather3A_712 = tpu.vector_load_idx %arg7[%add3A_711] : memref<16384xi32, #tpu.memory_space<vmem>>[vector<16xi32>], vector<16xi32>,
      %le3A_713 = arith.cmpi sle, %gather3A_712, %add3A_676 : vector<16xi32>
      %select_n3A_714 = arith.select %le3A_713, %add3A_711, %select_n3A_708 : vector<16xi1>, vector<16xi32>
      %add3A_715 = arith.constant 128 : i32
      %add3A_716 = vector.broadcast %add3A_715 : i32 to vector<16xi32>
      %add3A_717 = arith.addi %select_n3A_714, %add3A_716 : vector<16xi32>
      %gather3A_718 = tpu.vector_load_idx %arg7[%add3A_717] : memref<16384xi32, #tpu.memory_space<vmem>>[vector<16xi32>], vector<16xi32>,
      %le3A_719 = arith.cmpi sle, %gather3A_718, %add3A_676 : vector<16xi32>
      %select_n3A_720 = arith.select %le3A_719, %add3A_717, %select_n3A_714 : vector<16xi1>, vector<16xi32>
      %add3A_721 = arith.constant 64 : i32
      %add3A_722 = vector.broadcast %add3A_721 : i32 to vector<16xi32>
      %add3A_723 = arith.addi %select_n3A_720, %add3A_722 : vector<16xi32>
      %gather3A_724 = tpu.vector_load_idx %arg7[%add3A_723] : memref<16384xi32, #tpu.memory_space<vmem>>[vector<16xi32>], vector<16xi32>,
      %le3A_725 = arith.cmpi sle, %gather3A_724, %add3A_676 : vector<16xi32>
      %select_n3A_726 = arith.select %le3A_725, %add3A_723, %select_n3A_720 : vector<16xi1>, vector<16xi32>
      %add3A_727 = arith.constant 32 : i32
      %add3A_728 = vector.broadcast %add3A_727 : i32 to vector<16xi32>
      %add3A_729 = arith.addi %select_n3A_726, %add3A_728 : vector<16xi32>
      %gather3A_730 = tpu.vector_load_idx %arg7[%add3A_729] : memref<16384xi32, #tpu.memory_space<vmem>>[vector<16xi32>], vector<16xi32>,
      %le3A_731 = arith.cmpi sle, %gather3A_730, %add3A_676 : vector<16xi32>
      %select_n3A_732 = arith.select %le3A_731, %add3A_729, %select_n3A_726 : vector<16xi1>, vector<16xi32>
      %add3A_733 = arith.constant 16 : i32
      %add3A_734 = vector.broadcast %add3A_733 : i32 to vector<16xi32>
      %add3A_735 = arith.addi %select_n3A_732, %add3A_734 : vector<16xi32>
      %gather3A_736 = tpu.vector_load_idx %arg7[%add3A_735] : memref<16384xi32, #tpu.memory_space<vmem>>[vector<16xi32>], vector<16xi32>,
      %le3A_737 = arith.cmpi sle, %gather3A_736, %add3A_676 : vector<16xi32>
      %select_n3A_738 = arith.select %le3A_737, %add3A_735, %select_n3A_732 : vector<16xi1>, vector<16xi32>
      %add3A_739 = arith.constant 8 : i32
      %add3A_740 = vector.broadcast %add3A_739 : i32 to vector<16xi32>
      %add3A_741 = arith.addi %select_n3A_738, %add3A_740 : vector<16xi32>
      %gather3A_742 = tpu.vector_load_idx %arg7[%add3A_741] : memref<16384xi32, #tpu.memory_space<vmem>>[vector<16xi32>], vector<16xi32>,
      %le3A_743 = arith.cmpi sle, %gather3A_742, %add3A_676 : vector<16xi32>
      %select_n3A_744 = arith.select %le3A_743, %add3A_741, %select_n3A_738 : vector<16xi1>, vector<16xi32>
      %add3A_745 = arith.constant 4 : i32
      %add3A_746 = vector.broadcast %add3A_745 : i32 to vector<16xi32>
      %add3A_747 = arith.addi %select_n3A_744, %add3A_746 : vector<16xi32>
      %gather3A_748 = tpu.vector_load_idx %arg7[%add3A_747] : memref<16384xi32, #tpu.memory_space<vmem>>[vector<16xi32>], vector<16xi32>,
      %le3A_749 = arith.cmpi sle, %gather3A_748, %add3A_676 : vector<16xi32>
      %select_n3A_750 = arith.select %le3A_749, %add3A_747, %select_n3A_744 : vector<16xi1>, vector<16xi32>
      %add3A_751 = arith.constant 2 : i32
      %add3A_752 = vector.broadcast %add3A_751 : i32 to vector<16xi32>
      %add3A_753 = arith.addi %select_n3A_750, %add3A_752 : vector<16xi32>
      %gather3A_754 = tpu.vector_load_idx %arg7[%add3A_753] : memref<16384xi32, #tpu.memory_space<vmem>>[vector<16xi32>], vector<16xi32>,
      %le3A_755 = arith.cmpi sle, %gather3A_754, %add3A_676 : vector<16xi32>
      %select_n3A_756 = arith.select %le3A_755, %add3A_753, %select_n3A_750 : vector<16xi1>, vector<16xi32>
      %add3A_757 = arith.constant 1 : i32
      %add3A_758 = vector.broadcast %add3A_757 : i32 to vector<16xi32>
      %add3A_759 = arith.addi %select_n3A_756, %add3A_758 : vector<16xi32>
      %gather3A_760 = tpu.vector_load_idx %arg7[%add3A_759] : memref<16384xi32, #tpu.memory_space<vmem>>[vector<16xi32>], vector<16xi32>,
      %le3A_761 = arith.cmpi sle, %gather3A_760, %add3A_676 : vector<16xi32>
      %select_n3A_762 = arith.select %le3A_761, %add3A_759, %select_n3A_756 : vector<16xi1>, vector<16xi32>
      %swap3A_763 = arith.index_cast %scan3A_205 : i32 to index
      %swap3A_764 = arith.constant 80 : index
      %swap3A_765 = tpu.vector_load %arg9[%swap3A_763, %swap3A_764] {strides = array<i32>} : memref<32x128xi32, #tpu.memory_space<vmem>>, vector<16xi32>,
      tpu.vector_store %arg9[%swap3A_763, %swap3A_764], %select_n3A_762 {strides = array<i32>} : memref<32x128xi32, #tpu.memory_space<vmem>>, vector<16xi32>,
      %add3A_766 = arith.constant 96 : i32
      %add3A_767 = arith.addi %add3A_210, %add3A_766 : i32
      %add3A_768 = vector.broadcast %add3A_767 : i32 to vector<16xi32>
      %add3A_769 = arith.addi %add3A_768, %iota3A : vector<16xi32>
      %broadcast_in_dim3A_770 = arith.constant 0 : i32
      %broadcast_in_dim3A_771 = vector.broadcast %broadcast_in_dim3A_770 : i32 to vector<16xi32>
      %add3A_772 = arith.constant 8192 : i32
      %add3A_773 = vector.broadcast %add3A_772 : i32 to vector<16xi32>
      %add3A_774 = arith.addi %broadcast_in_dim3A_771, %add3A_773 : vector<16xi32>
      %gather3A_775 = tpu.vector_load_idx %arg7[%add3A_774] : memref<16384xi32, #tpu.memory_space<vmem>>[vector<16xi32>], vector<16xi32>,
      %le3A_776 = arith.cmpi sle, %gather3A_775, %add3A_769 : vector<16xi32>
      %select_n3A_777 = arith.select %le3A_776, %add3A_774, %broadcast_in_dim3A_771 : vector<16xi1>, vector<16xi32>
      %add3A_778 = arith.constant 4096 : i32
      %add3A_779 = vector.broadcast %add3A_778 : i32 to vector<16xi32>
      %add3A_780 = arith.addi %select_n3A_777, %add3A_779 : vector<16xi32>
      %gather3A_781 = tpu.vector_load_idx %arg7[%add3A_780] : memref<16384xi32, #tpu.memory_space<vmem>>[vector<16xi32>], vector<16xi32>,
      %le3A_782 = arith.cmpi sle, %gather3A_781, %add3A_769 : vector<16xi32>
      %select_n3A_783 = arith.select %le3A_782, %add3A_780, %select_n3A_777 : vector<16xi1>, vector<16xi32>
      %add3A_784 = arith.constant 2048 : i32
      %add3A_785 = vector.broadcast %add3A_784 : i32 to vector<16xi32>
      %add3A_786 = arith.addi %select_n3A_783, %add3A_785 : vector<16xi32>
      %gather3A_787 = tpu.vector_load_idx %arg7[%add3A_786] : memref<16384xi32, #tpu.memory_space<vmem>>[vector<16xi32>], vector<16xi32>,
      %le3A_788 = arith.cmpi sle, %gather3A_787, %add3A_769 : vector<16xi32>
      %select_n3A_789 = arith.select %le3A_788, %add3A_786, %select_n3A_783 : vector<16xi1>, vector<16xi32>
      %add3A_790 = arith.constant 1024 : i32
      %add3A_791 = vector.broadcast %add3A_790 : i32 to vector<16xi32>
      %add3A_792 = arith.addi %select_n3A_789, %add3A_791 : vector<16xi32>
      %gather3A_793 = tpu.vector_load_idx %arg7[%add3A_792] : memref<16384xi32, #tpu.memory_space<vmem>>[vector<16xi32>], vector<16xi32>,
      %le3A_794 = arith.cmpi sle, %gather3A_793, %add3A_769 : vector<16xi32>
      %select_n3A_795 = arith.select %le3A_794, %add3A_792, %select_n3A_789 : vector<16xi1>, vector<16xi32>
      %add3A_796 = arith.constant 512 : i32
      %add3A_797 = vector.broadcast %add3A_796 : i32 to vector<16xi32>
      %add3A_798 = arith.addi %select_n3A_795, %add3A_797 : vector<16xi32>
      %gather3A_799 = tpu.vector_load_idx %arg7[%add3A_798] : memref<16384xi32, #tpu.memory_space<vmem>>[vector<16xi32>], vector<16xi32>,
      %le3A_800 = arith.cmpi sle, %gather3A_799, %add3A_769 : vector<16xi32>
      %select_n3A_801 = arith.select %le3A_800, %add3A_798, %select_n3A_795 : vector<16xi1>, vector<16xi32>
      %add3A_802 = arith.constant 256 : i32
      %add3A_803 = vector.broadcast %add3A_802 : i32 to vector<16xi32>
      %add3A_804 = arith.addi %select_n3A_801, %add3A_803 : vector<16xi32>
      %gather3A_805 = tpu.vector_load_idx %arg7[%add3A_804] : memref<16384xi32, #tpu.memory_space<vmem>>[vector<16xi32>], vector<16xi32>,
      %le3A_806 = arith.cmpi sle, %gather3A_805, %add3A_769 : vector<16xi32>
      %select_n3A_807 = arith.select %le3A_806, %add3A_804, %select_n3A_801 : vector<16xi1>, vector<16xi32>
      %add3A_808 = arith.constant 128 : i32
      %add3A_809 = vector.broadcast %add3A_808 : i32 to vector<16xi32>
      %add3A_810 = arith.addi %select_n3A_807, %add3A_809 : vector<16xi32>
      %gather3A_811 = tpu.vector_load_idx %arg7[%add3A_810] : memref<16384xi32, #tpu.memory_space<vmem>>[vector<16xi32>], vector<16xi32>,
      %le3A_812 = arith.cmpi sle, %gather3A_811, %add3A_769 : vector<16xi32>
      %select_n3A_813 = arith.select %le3A_812, %add3A_810, %select_n3A_807 : vector<16xi1>, vector<16xi32>
      %add3A_814 = arith.constant 64 : i32
      %add3A_815 = vector.broadcast %add3A_814 : i32 to vector<16xi32>
      %add3A_816 = arith.addi %select_n3A_813, %add3A_815 : vector<16xi32>
      %gather3A_817 = tpu.vector_load_idx %arg7[%add3A_816] : memref<16384xi32, #tpu.memory_space<vmem>>[vector<16xi32>], vector<16xi32>,
      %le3A_818 = arith.cmpi sle, %gather3A_817, %add3A_769 : vector<16xi32>
      %select_n3A_819 = arith.select %le3A_818, %add3A_816, %select_n3A_813 : vector<16xi1>, vector<16xi32>
      %add3A_820 = arith.constant 32 : i32
      %add3A_821 = vector.broadcast %add3A_820 : i32 to vector<16xi32>
      %add3A_822 = arith.addi %select_n3A_819, %add3A_821 : vector<16xi32>
      %gather3A_823 = tpu.vector_load_idx %arg7[%add3A_822] : memref<16384xi32, #tpu.memory_space<vmem>>[vector<16xi32>], vector<16xi32>,
      %le3A_824 = arith.cmpi sle, %gather3A_823, %add3A_769 : vector<16xi32>
      %select_n3A_825 = arith.select %le3A_824, %add3A_822, %select_n3A_819 : vector<16xi1>, vector<16xi32>
      %add3A_826 = arith.constant 16 : i32
      %add3A_827 = vector.broadcast %add3A_826 : i32 to vector<16xi32>
      %add3A_828 = arith.addi %select_n3A_825, %add3A_827 : vector<16xi32>
      %gather3A_829 = tpu.vector_load_idx %arg7[%add3A_828] : memref<16384xi32, #tpu.memory_space<vmem>>[vector<16xi32>], vector<16xi32>,
      %le3A_830 = arith.cmpi sle, %gather3A_829, %add3A_769 : vector<16xi32>
      %select_n3A_831 = arith.select %le3A_830, %add3A_828, %select_n3A_825 : vector<16xi1>, vector<16xi32>
      %add3A_832 = arith.constant 8 : i32
      %add3A_833 = vector.broadcast %add3A_832 : i32 to vector<16xi32>
      %add3A_834 = arith.addi %select_n3A_831, %add3A_833 : vector<16xi32>
      %gather3A_835 = tpu.vector_load_idx %arg7[%add3A_834] : memref<16384xi32, #tpu.memory_space<vmem>>[vector<16xi32>], vector<16xi32>,
      %le3A_836 = arith.cmpi sle, %gather3A_835, %add3A_769 : vector<16xi32>
      %select_n3A_837 = arith.select %le3A_836, %add3A_834, %select_n3A_831 : vector<16xi1>, vector<16xi32>
      %add3A_838 = arith.constant 4 : i32
      %add3A_839 = vector.broadcast %add3A_838 : i32 to vector<16xi32>
      %add3A_840 = arith.addi %select_n3A_837, %add3A_839 : vector<16xi32>
      %gather3A_841 = tpu.vector_load_idx %arg7[%add3A_840] : memref<16384xi32, #tpu.memory_space<vmem>>[vector<16xi32>], vector<16xi32>,
      %le3A_842 = arith.cmpi sle, %gather3A_841, %add3A_769 : vector<16xi32>
      %select_n3A_843 = arith.select %le3A_842, %add3A_840, %select_n3A_837 : vector<16xi1>, vector<16xi32>
      %add3A_844 = arith.constant 2 : i32
      %add3A_845 = vector.broadcast %add3A_844 : i32 to vector<16xi32>
      %add3A_846 = arith.addi %select_n3A_843, %add3A_845 : vector<16xi32>
      %gather3A_847 = tpu.vector_load_idx %arg7[%add3A_846] : memref<16384xi32, #tpu.memory_space<vmem>>[vector<16xi32>], vector<16xi32>,
      %le3A_848 = arith.cmpi sle, %gather3A_847, %add3A_769 : vector<16xi32>
      %select_n3A_849 = arith.select %le3A_848, %add3A_846, %select_n3A_843 : vector<16xi1>, vector<16xi32>
      %add3A_850 = arith.constant 1 : i32
      %add3A_851 = vector.broadcast %add3A_850 : i32 to vector<16xi32>
      %add3A_852 = arith.addi %select_n3A_849, %add3A_851 : vector<16xi32>
      %gather3A_853 = tpu.vector_load_idx %arg7[%add3A_852] : memref<16384xi32, #tpu.memory_space<vmem>>[vector<16xi32>], vector<16xi32>,
      %le3A_854 = arith.cmpi sle, %gather3A_853, %add3A_769 : vector<16xi32>
      %select_n3A_855 = arith.select %le3A_854, %add3A_852, %select_n3A_849 : vector<16xi1>, vector<16xi32>
      %swap3A_856 = arith.index_cast %scan3A_205 : i32 to index
      %swap3A_857 = arith.constant 96 : index
      %swap3A_858 = tpu.vector_load %arg9[%swap3A_856, %swap3A_857] {strides = array<i32>} : memref<32x128xi32, #tpu.memory_space<vmem>>, vector<16xi32>,
      tpu.vector_store %arg9[%swap3A_856, %swap3A_857], %select_n3A_855 {strides = array<i32>} : memref<32x128xi32, #tpu.memory_space<vmem>>, vector<16xi32>,
      %add3A_859 = arith.constant 112 : i32
      %add3A_860 = arith.addi %add3A_210, %add3A_859 : i32
      %add3A_861 = vector.broadcast %add3A_860 : i32 to vector<16xi32>
      %add3A_862 = arith.addi %add3A_861, %iota3A : vector<16xi32>
      %broadcast_in_dim3A_863 = arith.constant 0 : i32
      %broadcast_in_dim3A_864 = vector.broadcast %broadcast_in_dim3A_863 : i32 to vector<16xi32>
      %add3A_865 = arith.constant 8192 : i32
      %add3A_866 = vector.broadcast %add3A_865 : i32 to vector<16xi32>
      %add3A_867 = arith.addi %broadcast_in_dim3A_864, %add3A_866 : vector<16xi32>
      %gather3A_868 = tpu.vector_load_idx %arg7[%add3A_867] : memref<16384xi32, #tpu.memory_space<vmem>>[vector<16xi32>], vector<16xi32>,
      %le3A_869 = arith.cmpi sle, %gather3A_868, %add3A_862 : vector<16xi32>
      %select_n3A_870 = arith.select %le3A_869, %add3A_867, %broadcast_in_dim3A_864 : vector<16xi1>, vector<16xi32>
      %add3A_871 = arith.constant 4096 : i32
      %add3A_872 = vector.broadcast %add3A_871 : i32 to vector<16xi32>
      %add3A_873 = arith.addi %select_n3A_870, %add3A_872 : vector<16xi32>
      %gather3A_874 = tpu.vector_load_idx %arg7[%add3A_873] : memref<16384xi32, #tpu.memory_space<vmem>>[vector<16xi32>], vector<16xi32>,
      %le3A_875 = arith.cmpi sle, %gather3A_874, %add3A_862 : vector<16xi32>
      %select_n3A_876 = arith.select %le3A_875, %add3A_873, %select_n3A_870 : vector<16xi1>, vector<16xi32>
      %add3A_877 = arith.constant 2048 : i32
      %add3A_878 = vector.broadcast %add3A_877 : i32 to vector<16xi32>
      %add3A_879 = arith.addi %select_n3A_876, %add3A_878 : vector<16xi32>
      %gather3A_880 = tpu.vector_load_idx %arg7[%add3A_879] : memref<16384xi32, #tpu.memory_space<vmem>>[vector<16xi32>], vector<16xi32>,
      %le3A_881 = arith.cmpi sle, %gather3A_880, %add3A_862 : vector<16xi32>
      %select_n3A_882 = arith.select %le3A_881, %add3A_879, %select_n3A_876 : vector<16xi1>, vector<16xi32>
      %add3A_883 = arith.constant 1024 : i32
      %add3A_884 = vector.broadcast %add3A_883 : i32 to vector<16xi32>
      %add3A_885 = arith.addi %select_n3A_882, %add3A_884 : vector<16xi32>
      %gather3A_886 = tpu.vector_load_idx %arg7[%add3A_885] : memref<16384xi32, #tpu.memory_space<vmem>>[vector<16xi32>], vector<16xi32>,
      %le3A_887 = arith.cmpi sle, %gather3A_886, %add3A_862 : vector<16xi32>
      %select_n3A_888 = arith.select %le3A_887, %add3A_885, %select_n3A_882 : vector<16xi1>, vector<16xi32>
      %add3A_889 = arith.constant 512 : i32
      %add3A_890 = vector.broadcast %add3A_889 : i32 to vector<16xi32>
      %add3A_891 = arith.addi %select_n3A_888, %add3A_890 : vector<16xi32>
      %gather3A_892 = tpu.vector_load_idx %arg7[%add3A_891] : memref<16384xi32, #tpu.memory_space<vmem>>[vector<16xi32>], vector<16xi32>,
      %le3A_893 = arith.cmpi sle, %gather3A_892, %add3A_862 : vector<16xi32>
      %select_n3A_894 = arith.select %le3A_893, %add3A_891, %select_n3A_888 : vector<16xi1>, vector<16xi32>
      %add3A_895 = arith.constant 256 : i32
      %add3A_896 = vector.broadcast %add3A_895 : i32 to vector<16xi32>
      %add3A_897 = arith.addi %select_n3A_894, %add3A_896 : vector<16xi32>
      %gather3A_898 = tpu.vector_load_idx %arg7[%add3A_897] : memref<16384xi32, #tpu.memory_space<vmem>>[vector<16xi32>], vector<16xi32>,
      %le3A_899 = arith.cmpi sle, %gather3A_898, %add3A_862 : vector<16xi32>
      %select_n3A_900 = arith.select %le3A_899, %add3A_897, %select_n3A_894 : vector<16xi1>, vector<16xi32>
      %add3A_901 = arith.constant 128 : i32
      %add3A_902 = vector.broadcast %add3A_901 : i32 to vector<16xi32>
      %add3A_903 = arith.addi %select_n3A_900, %add3A_902 : vector<16xi32>
      %gather3A_904 = tpu.vector_load_idx %arg7[%add3A_903] : memref<16384xi32, #tpu.memory_space<vmem>>[vector<16xi32>], vector<16xi32>,
      %le3A_905 = arith.cmpi sle, %gather3A_904, %add3A_862 : vector<16xi32>
      %select_n3A_906 = arith.select %le3A_905, %add3A_903, %select_n3A_900 : vector<16xi1>, vector<16xi32>
      %add3A_907 = arith.constant 64 : i32
      %add3A_908 = vector.broadcast %add3A_907 : i32 to vector<16xi32>
      %add3A_909 = arith.addi %select_n3A_906, %add3A_908 : vector<16xi32>
      %gather3A_910 = tpu.vector_load_idx %arg7[%add3A_909] : memref<16384xi32, #tpu.memory_space<vmem>>[vector<16xi32>], vector<16xi32>,
      %le3A_911 = arith.cmpi sle, %gather3A_910, %add3A_862 : vector<16xi32>
      %select_n3A_912 = arith.select %le3A_911, %add3A_909, %select_n3A_906 : vector<16xi1>, vector<16xi32>
      %add3A_913 = arith.constant 32 : i32
      %add3A_914 = vector.broadcast %add3A_913 : i32 to vector<16xi32>
      %add3A_915 = arith.addi %select_n3A_912, %add3A_914 : vector<16xi32>
      %gather3A_916 = tpu.vector_load_idx %arg7[%add3A_915] : memref<16384xi32, #tpu.memory_space<vmem>>[vector<16xi32>], vector<16xi32>,
      %le3A_917 = arith.cmpi sle, %gather3A_916, %add3A_862 : vector<16xi32>
      %select_n3A_918 = arith.select %le3A_917, %add3A_915, %select_n3A_912 : vector<16xi1>, vector<16xi32>
      %add3A_919 = arith.constant 16 : i32
      %add3A_920 = vector.broadcast %add3A_919 : i32 to vector<16xi32>
      %add3A_921 = arith.addi %select_n3A_918, %add3A_920 : vector<16xi32>
      %gather3A_922 = tpu.vector_load_idx %arg7[%add3A_921] : memref<16384xi32, #tpu.memory_space<vmem>>[vector<16xi32>], vector<16xi32>,
      %le3A_923 = arith.cmpi sle, %gather3A_922, %add3A_862 : vector<16xi32>
      %select_n3A_924 = arith.select %le3A_923, %add3A_921, %select_n3A_918 : vector<16xi1>, vector<16xi32>
      %add3A_925 = arith.constant 8 : i32
      %add3A_926 = vector.broadcast %add3A_925 : i32 to vector<16xi32>
      %add3A_927 = arith.addi %select_n3A_924, %add3A_926 : vector<16xi32>
      %gather3A_928 = tpu.vector_load_idx %arg7[%add3A_927] : memref<16384xi32, #tpu.memory_space<vmem>>[vector<16xi32>], vector<16xi32>,
      %le3A_929 = arith.cmpi sle, %gather3A_928, %add3A_862 : vector<16xi32>
      %select_n3A_930 = arith.select %le3A_929, %add3A_927, %select_n3A_924 : vector<16xi1>, vector<16xi32>
      %add3A_931 = arith.constant 4 : i32
      %add3A_932 = vector.broadcast %add3A_931 : i32 to vector<16xi32>
      %add3A_933 = arith.addi %select_n3A_930, %add3A_932 : vector<16xi32>
      %gather3A_934 = tpu.vector_load_idx %arg7[%add3A_933] : memref<16384xi32, #tpu.memory_space<vmem>>[vector<16xi32>], vector<16xi32>,
      %le3A_935 = arith.cmpi sle, %gather3A_934, %add3A_862 : vector<16xi32>
      %select_n3A_936 = arith.select %le3A_935, %add3A_933, %select_n3A_930 : vector<16xi1>, vector<16xi32>
      %add3A_937 = arith.constant 2 : i32
      %add3A_938 = vector.broadcast %add3A_937 : i32 to vector<16xi32>
      %add3A_939 = arith.addi %select_n3A_936, %add3A_938 : vector<16xi32>
      %gather3A_940 = tpu.vector_load_idx %arg7[%add3A_939] : memref<16384xi32, #tpu.memory_space<vmem>>[vector<16xi32>], vector<16xi32>,
      %le3A_941 = arith.cmpi sle, %gather3A_940, %add3A_862 : vector<16xi32>
      %select_n3A_942 = arith.select %le3A_941, %add3A_939, %select_n3A_936 : vector<16xi1>, vector<16xi32>
      %add3A_943 = arith.constant 1 : i32
      %add3A_944 = vector.broadcast %add3A_943 : i32 to vector<16xi32>
      %add3A_945 = arith.addi %select_n3A_942, %add3A_944 : vector<16xi32>
      %gather3A_946 = tpu.vector_load_idx %arg7[%add3A_945] : memref<16384xi32, #tpu.memory_space<vmem>>[vector<16xi32>], vector<16xi32>,
      %le3A_947 = arith.cmpi sle, %gather3A_946, %add3A_862 : vector<16xi32>
      %select_n3A_948 = arith.select %le3A_947, %add3A_945, %select_n3A_942 : vector<16xi1>, vector<16xi32>
      %swap3A_949 = arith.index_cast %scan3A_205 : i32 to index
      %swap3A_950 = arith.constant 112 : index
      %swap3A_951 = tpu.vector_load %arg9[%swap3A_949, %swap3A_950] {strides = array<i32>} : memref<32x128xi32, #tpu.memory_space<vmem>>, vector<16xi32>,
      tpu.vector_store %arg9[%swap3A_949, %swap3A_950], %select_n3A_948 {strides = array<i32>} : memref<32x128xi32, #tpu.memory_space<vmem>>, vector<16xi32>,
    }
    %scan3A_177 = arith.constant 32 : i32
    %barrier3A = arith.constant 0 : index
    tpu.barrier barrier_id(%barrier3A)
    %scan3A_178 = arith.constant 0 : i32
    %scan3A_179 = arith.constant 0 : i32
    %scan3A_180 = arith.constant 32 : i32
    %scan3A_181 = arith.addi %scan3A_179, %scan3A_180 : i32
    %scan3A_182 = arith.constant 1 : i32
    scf.for %scan3A_205 = %scan3A_179 to %scan3A_181 step %scan3A_182  : i32 {
      %dma_start3A = arith.constant 0 : i32
      %dma_start3A_206 = tpu.memref_slice %arg8[%scan3A_205, %dma_start3A] : memref<32x128xi32, #tpu.memory_space<vmem>> -> memref<1x128xi32, #tpu.memory_space<vmem>>
      %dma_start3A_207 = tpu.memref_squeeze %dma_start3A_206 : memref<1x128xi32, #tpu.memory_space<vmem>> -> memref<128xi32, #tpu.memory_space<vmem>>
      %dma_start3A_208 = arith.constant 0 : i32
      %dma_start3A_209 = arith.constant 0 : i32
      %dma_start3A_210 = tpu.memref_slice %arg4[%dma_start3A_208, %dma_start3A_209] : memref<1015808x32xf32, #tpu.memory_space<hbm>> -> memref<1015808x32xf32, #tpu.memory_space<hbm>>
      tpu.enqueue_indirect_dma source(%dma_start3A_210 : memref<1015808x32xf32, #tpu.memory_space<hbm>>) target(%arg10 : memref<128x32xf32, #tpu.memory_space<vmem>>) offsets(%dma_start3A_207 : memref<128xi32, #tpu.memory_space<vmem>>) semaphore(%arg16 : memref<!tpu.dma_semaphore, #tpu.memory_space<semaphore_mem>>)
      %dma_wait3A = arith.constant 0 : i32
      %dma_wait3A_211 = tpu.memref_slice %arg8[%scan3A_205, %dma_wait3A] : memref<32x128xi32, #tpu.memory_space<vmem>> -> memref<1x128xi32, #tpu.memory_space<vmem>>
      %dma_wait3A_212 = tpu.memref_squeeze %dma_wait3A_211 : memref<1x128xi32, #tpu.memory_space<vmem>> -> memref<128xi32, #tpu.memory_space<vmem>>
      %dma_wait3A_213 = arith.constant 0 : i32
      %dma_wait3A_214 = arith.constant 0 : i32
      %dma_wait3A_215 = tpu.memref_slice %arg4[%dma_wait3A_213, %dma_wait3A_214] : memref<1015808x32xf32, #tpu.memory_space<hbm>> -> memref<1015808x32xf32, #tpu.memory_space<hbm>>
      tpu.wait_indirect_dma semaphore(%arg16 : memref<!tpu.dma_semaphore, #tpu.memory_space<semaphore_mem>>) src(%dma_wait3A_215 : memref<1015808x32xf32, #tpu.memory_space<hbm>>) dst(%arg10 : memref<128x32xf32, #tpu.memory_space<vmem>>)
      "tpu.region"() ({
        %run_scoped3A = tpu.sem_alloc : memref<!tpu.dma_semaphore, #tpu.memory_space<semaphore_mem>>
        %dma_start3A_216 = arith.constant 0 : i32
        %dma_start3A_217 = tpu.memref_slice %arg9[%scan3A_205, %dma_start3A_216] : memref<32x128xi32, #tpu.memory_space<vmem>> -> memref<1x128xi32, #tpu.memory_space<vmem>>
        %dma_start3A_218 = tpu.memref_squeeze %dma_start3A_217 : memref<1x128xi32, #tpu.memory_space<vmem>> -> memref<128xi32, #tpu.memory_space<vmem>>
        %dma_start3A_219 = arith.constant 0 : i32
        %dma_start3A_220 = arith.constant 0 : i32
        %dma_start3A_221 = tpu.memref_slice %arg14[%dma_start3A_219, %dma_start3A_220] : memref<16384x32xf32, #tpu.memory_space<vmem_shared>> -> memref<16384x32xf32, #tpu.memory_space<vmem_shared>>
        tpu.enqueue_indirect_dma source(%arg10 : memref<128x32xf32, #tpu.memory_space<vmem>>) target(%dma_start3A_221 : memref<16384x32xf32, #tpu.memory_space<vmem_shared>>) offsets(%dma_start3A_218 : memref<128xi32, #tpu.memory_space<vmem>>) semaphore(%run_scoped3A : memref<!tpu.dma_semaphore, #tpu.memory_space<semaphore_mem>>) {add = true}
        %dma_wait3A_222 = arith.constant 0 : i32
        %dma_wait3A_223 = tpu.memref_slice %arg9[%scan3A_205, %dma_wait3A_222] : memref<32x128xi32, #tpu.memory_space<vmem>> -> memref<1x128xi32, #tpu.memory_space<vmem>>
        %dma_wait3A_224 = tpu.memref_squeeze %dma_wait3A_223 : memref<1x128xi32, #tpu.memory_space<vmem>> -> memref<128xi32, #tpu.memory_space<vmem>>
        %dma_wait3A_225 = arith.constant 0 : i32
        %dma_wait3A_226 = arith.constant 0 : i32
        %dma_wait3A_227 = tpu.memref_slice %arg14[%dma_wait3A_225, %dma_wait3A_226] : memref<16384x32xf32, #tpu.memory_space<vmem_shared>> -> memref<16384x32xf32, #tpu.memory_space<vmem_shared>>
        tpu.wait_indirect_dma semaphore(%run_scoped3A : memref<!tpu.dma_semaphore, #tpu.memory_space<semaphore_mem>>) src(%arg10 : memref<128x32xf32, #tpu.memory_space<vmem>>) dst(%dma_wait3A_227 : memref<16384x32xf32, #tpu.memory_space<vmem_shared>>)
        tpu.yield
      }) : () -> ()
      "tpu.region"() ({
        %run_scoped3A = tpu.sem_alloc : memref<!tpu.dma_semaphore, #tpu.memory_space<semaphore_mem>>
        %dma_start3A_216 = arith.constant 0 : i32
        %dma_start3A_217 = tpu.memref_slice %arg9[%scan3A_205, %dma_start3A_216] : memref<32x128xi32, #tpu.memory_space<vmem>> -> memref<1x128xi32, #tpu.memory_space<vmem>>
        %dma_start3A_218 = tpu.memref_squeeze %dma_start3A_217 : memref<1x128xi32, #tpu.memory_space<vmem>> -> memref<128xi32, #tpu.memory_space<vmem>>
        %dma_start3A_219 = arith.constant 0 : i32
        %dma_start3A_220 = tpu.memref_slice %arg15[%dma_start3A_219] : memref<16384xf32, #tpu.memory_space<vmem_shared>> -> memref<16384xf32, #tpu.memory_space<vmem_shared>>
        tpu.enqueue_indirect_dma source(%arg11 : memref<128xf32, #tpu.memory_space<vmem>>) target(%dma_start3A_220 : memref<16384xf32, #tpu.memory_space<vmem_shared>>) offsets(%dma_start3A_218 : memref<128xi32, #tpu.memory_space<vmem>>) semaphore(%run_scoped3A : memref<!tpu.dma_semaphore, #tpu.memory_space<semaphore_mem>>) {add = true}
        %dma_wait3A_221 = arith.constant 0 : i32
        %dma_wait3A_222 = tpu.memref_slice %arg9[%scan3A_205, %dma_wait3A_221] : memref<32x128xi32, #tpu.memory_space<vmem>> -> memref<1x128xi32, #tpu.memory_space<vmem>>
        %dma_wait3A_223 = tpu.memref_squeeze %dma_wait3A_222 : memref<1x128xi32, #tpu.memory_space<vmem>> -> memref<128xi32, #tpu.memory_space<vmem>>
        %dma_wait3A_224 = arith.constant 0 : i32
        %dma_wait3A_225 = tpu.memref_slice %arg15[%dma_wait3A_224] : memref<16384xf32, #tpu.memory_space<vmem_shared>> -> memref<16384xf32, #tpu.memory_space<vmem_shared>>
        tpu.wait_indirect_dma semaphore(%run_scoped3A : memref<!tpu.dma_semaphore, #tpu.memory_space<semaphore_mem>>) src(%arg11 : memref<128xf32, #tpu.memory_space<vmem>>) dst(%dma_wait3A_225 : memref<16384xf32, #tpu.memory_space<vmem_shared>>)
        tpu.yield
      }) : () -> ()
    }
    %scan3A_183 = arith.constant 32 : i32
    %barrier3A_184 = arith.constant 0 : index
    tpu.barrier barrier_id(%barrier3A_184)
    %mul3A_185 = arith.constant 1024 : i32
    %mul3A_186 = arith.muli %arg1, %mul3A_185 : i32
    "tpu.region"() ({
      %run_scoped3A = tpu.sem_alloc : memref<!tpu.dma_semaphore, #tpu.memory_space<semaphore_mem>>
      %dma_start3A = tpu.memref_slice %arg15[%mul3A_186] : memref<16384xf32, #tpu.memory_space<vmem_shared>> -> memref<1024xf32, #tpu.memory_space<vmem_shared>>
      %dma_start3A_205 = tpu.memref_slice %arg15[%mul3A_186] : memref<16384xf32, #tpu.memory_space<vmem_shared>> -> memref<1024xf32, #tpu.memory_space<vmem_shared>>
      tpu.enqueue_dma source(%dma_start3A_205 : memref<1024xf32, #tpu.memory_space<vmem_shared>>) target(%arg13 : memref<1024xf32, #tpu.memory_space<vmem>>) target_semaphore(%run_scoped3A : memref<!tpu.dma_semaphore, #tpu.memory_space<semaphore_mem>>)
      %dma_wait3A = tpu.memref_slice %arg15[%mul3A_186] : memref<16384xf32, #tpu.memory_space<vmem_shared>> -> memref<1024xf32, #tpu.memory_space<vmem_shared>>
      %dma_wait3A_206 = tpu.memref_slice %arg15[%mul3A_186] : memref<16384xf32, #tpu.memory_space<vmem_shared>> -> memref<1024xf32, #tpu.memory_space<vmem_shared>>
      tpu.wait_dma2 semaphore(%run_scoped3A : memref<!tpu.dma_semaphore, #tpu.memory_space<semaphore_mem>>) src(%dma_wait3A_206 : memref<1024xf32, #tpu.memory_space<vmem_shared>>) dst(%arg13 : memref<1024xf32, #tpu.memory_space<vmem>>)
      tpu.yield
    }) : () -> ()
    %mul3A_187 = arith.constant 1024 : i32
    %mul3A_188 = arith.muli %arg1, %mul3A_187 : i32
    "tpu.region"() ({
      %run_scoped3A = tpu.sem_alloc : memref<!tpu.dma_semaphore, #tpu.memory_space<semaphore_mem>>
      %dma_start3A = tpu.memref_slice %arg6[%arg0, %mul3A_188] : memref<2x16384xf32, #tpu.memory_space<hbm>> -> memref<1x1024xf32, #tpu.memory_space<hbm>>
      %dma_start3A_205 = tpu.memref_squeeze %dma_start3A : memref<1x1024xf32, #tpu.memory_space<hbm>> -> memref<1024xf32, #tpu.memory_space<hbm>>
      %dma_start3A_206 = tpu.memref_slice %arg6[%arg0, %mul3A_188] : memref<2x16384xf32, #tpu.memory_space<hbm>> -> memref<1x1024xf32, #tpu.memory_space<hbm>>
      %dma_start3A_207 = tpu.memref_squeeze %dma_start3A_206 : memref<1x1024xf32, #tpu.memory_space<hbm>> -> memref<1024xf32, #tpu.memory_space<hbm>>
      tpu.enqueue_dma source(%arg13 : memref<1024xf32, #tpu.memory_space<vmem>>) target(%dma_start3A_207 : memref<1024xf32, #tpu.memory_space<hbm>>) target_semaphore(%run_scoped3A : memref<!tpu.dma_semaphore, #tpu.memory_space<semaphore_mem>>)
      %dma_wait3A = tpu.memref_slice %arg6[%arg0, %mul3A_188] : memref<2x16384xf32, #tpu.memory_space<hbm>> -> memref<1x1024xf32, #tpu.memory_space<hbm>>
      %dma_wait3A_208 = tpu.memref_squeeze %dma_wait3A : memref<1x1024xf32, #tpu.memory_space<hbm>> -> memref<1024xf32, #tpu.memory_space<hbm>>
      %dma_wait3A_209 = tpu.memref_slice %arg6[%arg0, %mul3A_188] : memref<2x16384xf32, #tpu.memory_space<hbm>> -> memref<1x1024xf32, #tpu.memory_space<hbm>>
      %dma_wait3A_210 = tpu.memref_squeeze %dma_wait3A_209 : memref<1x1024xf32, #tpu.memory_space<hbm>> -> memref<1024xf32, #tpu.memory_space<hbm>>
      tpu.wait_dma2 semaphore(%run_scoped3A : memref<!tpu.dma_semaphore, #tpu.memory_space<semaphore_mem>>) src(%arg13 : memref<1024xf32, #tpu.memory_space<vmem>>) dst(%dma_wait3A_210 : memref<1024xf32, #tpu.memory_space<hbm>>)
      tpu.yield
    }) : () -> ()
    %mul3A_189 = arith.constant 1024 : i32
    %mul3A_190 = arith.muli %arg1, %mul3A_189 : i32
    %add3A_191 = arith.constant 0 : i32
    %add3A_192 = arith.addi %mul3A_190, %add3A_191 : i32
    "tpu.region"() ({
      %run_scoped3A = tpu.sem_alloc : memref<!tpu.dma_semaphore, #tpu.memory_space<semaphore_mem>>
      %dma_start3A = arith.constant 0 : i32
      %dma_start3A_205 = tpu.memref_slice %arg14[%add3A_192, %dma_start3A] : memref<16384x32xf32, #tpu.memory_space<vmem_shared>> -> memref<256x32xf32, #tpu.memory_space<vmem_shared>>
      %dma_start3A_206 = arith.constant 0 : i32
      %dma_start3A_207 = tpu.memref_slice %arg14[%add3A_192, %dma_start3A_206] : memref<16384x32xf32, #tpu.memory_space<vmem_shared>> -> memref<256x32xf32, #tpu.memory_space<vmem_shared>>
      tpu.enqueue_dma source(%dma_start3A_207 : memref<256x32xf32, #tpu.memory_space<vmem_shared>>) target(%arg12 : memref<256x32xf32, #tpu.memory_space<vmem>>) target_semaphore(%run_scoped3A : memref<!tpu.dma_semaphore, #tpu.memory_space<semaphore_mem>>)
      %dma_wait3A = arith.constant 0 : i32
      %dma_wait3A_208 = tpu.memref_slice %arg14[%add3A_192, %dma_wait3A] : memref<16384x32xf32, #tpu.memory_space<vmem_shared>> -> memref<256x32xf32, #tpu.memory_space<vmem_shared>>
      %dma_wait3A_209 = arith.constant 0 : i32
      %dma_wait3A_210 = tpu.memref_slice %arg14[%add3A_192, %dma_wait3A_209] : memref<16384x32xf32, #tpu.memory_space<vmem_shared>> -> memref<256x32xf32, #tpu.memory_space<vmem_shared>>
      tpu.wait_dma2 semaphore(%run_scoped3A : memref<!tpu.dma_semaphore, #tpu.memory_space<semaphore_mem>>) src(%dma_wait3A_210 : memref<256x32xf32, #tpu.memory_space<vmem_shared>>) dst(%arg12 : memref<256x32xf32, #tpu.memory_space<vmem>>)
      tpu.yield
    }) : () -> ()
    "tpu.region"() ({
      %run_scoped3A = tpu.sem_alloc : memref<!tpu.dma_semaphore, #tpu.memory_space<semaphore_mem>>
      %dma_start3A = arith.constant 0 : i32
      %dma_start3A_205 = tpu.memref_slice %arg5[%arg0, %add3A_192, %dma_start3A] : memref<2x16384x32xf32, #tpu.memory_space<hbm>> -> memref<1x256x32xf32, #tpu.memory_space<hbm>>
      %dma_start3A_206 = tpu.memref_squeeze %dma_start3A_205 : memref<1x256x32xf32, #tpu.memory_space<hbm>> -> memref<256x32xf32, #tpu.memory_space<hbm>>
      %dma_start3A_207 = arith.constant 0 : i32
      %dma_start3A_208 = tpu.memref_slice %arg5[%arg0, %add3A_192, %dma_start3A_207] : memref<2x16384x32xf32, #tpu.memory_space<hbm>> -> memref<1x256x32xf32, #tpu.memory_space<hbm>>
      %dma_start3A_209 = tpu.memref_squeeze %dma_start3A_208 : memref<1x256x32xf32, #tpu.memory_space<hbm>> -> memref<256x32xf32, #tpu.memory_space<hbm>>
      tpu.enqueue_dma source(%arg12 : memref<256x32xf32, #tpu.memory_space<vmem>>) target(%dma_start3A_209 : memref<256x32xf32, #tpu.memory_space<hbm>>) target_semaphore(%run_scoped3A : memref<!tpu.dma_semaphore, #tpu.memory_space<semaphore_mem>>)
      %dma_wait3A = arith.constant 0 : i32
      %dma_wait3A_210 = tpu.memref_slice %arg5[%arg0, %add3A_192, %dma_wait3A] : memref<2x16384x32xf32, #tpu.memory_space<hbm>> -> memref<1x256x32xf32, #tpu.memory_space<hbm>>
      %dma_wait3A_211 = tpu.memref_squeeze %dma_wait3A_210 : memref<1x256x32xf32, #tpu.memory_space<hbm>> -> memref<256x32xf32, #tpu.memory_space<hbm>>
      %dma_wait3A_212 = arith.constant 0 : i32
      %dma_wait3A_213 = tpu.memref_slice %arg5[%arg0, %add3A_192, %dma_wait3A_212] : memref<2x16384x32xf32, #tpu.memory_space<hbm>> -> memref<1x256x32xf32, #tpu.memory_space<hbm>>
      %dma_wait3A_214 = tpu.memref_squeeze %dma_wait3A_213 : memref<1x256x32xf32, #tpu.memory_space<hbm>> -> memref<256x32xf32, #tpu.memory_space<hbm>>
      tpu.wait_dma2 semaphore(%run_scoped3A : memref<!tpu.dma_semaphore, #tpu.memory_space<semaphore_mem>>) src(%arg12 : memref<256x32xf32, #tpu.memory_space<vmem>>) dst(%dma_wait3A_214 : memref<256x32xf32, #tpu.memory_space<hbm>>)
      tpu.yield
    }) : () -> ()
    %mul3A_193 = arith.constant 1024 : i32
    %mul3A_194 = arith.muli %arg1, %mul3A_193 : i32
    %add3A_195 = arith.constant 256 : i32
    %add3A_196 = arith.addi %mul3A_194, %add3A_195 : i32
    "tpu.region"() ({
      %run_scoped3A = tpu.sem_alloc : memref<!tpu.dma_semaphore, #tpu.memory_space<semaphore_mem>>
      %dma_start3A = arith.constant 0 : i32
      %dma_start3A_205 = tpu.memref_slice %arg14[%add3A_196, %dma_start3A] : memref<16384x32xf32, #tpu.memory_space<vmem_shared>> -> memref<256x32xf32, #tpu.memory_space<vmem_shared>>
      %dma_start3A_206 = arith.constant 0 : i32
      %dma_start3A_207 = tpu.memref_slice %arg14[%add3A_196, %dma_start3A_206] : memref<16384x32xf32, #tpu.memory_space<vmem_shared>> -> memref<256x32xf32, #tpu.memory_space<vmem_shared>>
      tpu.enqueue_dma source(%dma_start3A_207 : memref<256x32xf32, #tpu.memory_space<vmem_shared>>) target(%arg12 : memref<256x32xf32, #tpu.memory_space<vmem>>) target_semaphore(%run_scoped3A : memref<!tpu.dma_semaphore, #tpu.memory_space<semaphore_mem>>)
      %dma_wait3A = arith.constant 0 : i32
      %dma_wait3A_208 = tpu.memref_slice %arg14[%add3A_196, %dma_wait3A] : memref<16384x32xf32, #tpu.memory_space<vmem_shared>> -> memref<256x32xf32, #tpu.memory_space<vmem_shared>>
      %dma_wait3A_209 = arith.constant 0 : i32
      %dma_wait3A_210 = tpu.memref_slice %arg14[%add3A_196, %dma_wait3A_209] : memref<16384x32xf32, #tpu.memory_space<vmem_shared>> -> memref<256x32xf32, #tpu.memory_space<vmem_shared>>
      tpu.wait_dma2 semaphore(%run_scoped3A : memref<!tpu.dma_semaphore, #tpu.memory_space<semaphore_mem>>) src(%dma_wait3A_210 : memref<256x32xf32, #tpu.memory_space<vmem_shared>>) dst(%arg12 : memref<256x32xf32, #tpu.memory_space<vmem>>)
      tpu.yield
    }) : () -> ()
    "tpu.region"() ({
      %run_scoped3A = tpu.sem_alloc : memref<!tpu.dma_semaphore, #tpu.memory_space<semaphore_mem>>
      %dma_start3A = arith.constant 0 : i32
      %dma_start3A_205 = tpu.memref_slice %arg5[%arg0, %add3A_196, %dma_start3A] : memref<2x16384x32xf32, #tpu.memory_space<hbm>> -> memref<1x256x32xf32, #tpu.memory_space<hbm>>
      %dma_start3A_206 = tpu.memref_squeeze %dma_start3A_205 : memref<1x256x32xf32, #tpu.memory_space<hbm>> -> memref<256x32xf32, #tpu.memory_space<hbm>>
      %dma_start3A_207 = arith.constant 0 : i32
      %dma_start3A_208 = tpu.memref_slice %arg5[%arg0, %add3A_196, %dma_start3A_207] : memref<2x16384x32xf32, #tpu.memory_space<hbm>> -> memref<1x256x32xf32, #tpu.memory_space<hbm>>
      %dma_start3A_209 = tpu.memref_squeeze %dma_start3A_208 : memref<1x256x32xf32, #tpu.memory_space<hbm>> -> memref<256x32xf32, #tpu.memory_space<hbm>>
      tpu.enqueue_dma source(%arg12 : memref<256x32xf32, #tpu.memory_space<vmem>>) target(%dma_start3A_209 : memref<256x32xf32, #tpu.memory_space<hbm>>) target_semaphore(%run_scoped3A : memref<!tpu.dma_semaphore, #tpu.memory_space<semaphore_mem>>)
      %dma_wait3A = arith.constant 0 : i32
      %dma_wait3A_210 = tpu.memref_slice %arg5[%arg0, %add3A_196, %dma_wait3A] : memref<2x16384x32xf32, #tpu.memory_space<hbm>> -> memref<1x256x32xf32, #tpu.memory_space<hbm>>
      %dma_wait3A_211 = tpu.memref_squeeze %dma_wait3A_210 : memref<1x256x32xf32, #tpu.memory_space<hbm>> -> memref<256x32xf32, #tpu.memory_space<hbm>>
      %dma_wait3A_212 = arith.constant 0 : i32
      %dma_wait3A_213 = tpu.memref_slice %arg5[%arg0, %add3A_196, %dma_wait3A_212] : memref<2x16384x32xf32, #tpu.memory_space<hbm>> -> memref<1x256x32xf32, #tpu.memory_space<hbm>>
      %dma_wait3A_214 = tpu.memref_squeeze %dma_wait3A_213 : memref<1x256x32xf32, #tpu.memory_space<hbm>> -> memref<256x32xf32, #tpu.memory_space<hbm>>
      tpu.wait_dma2 semaphore(%run_scoped3A : memref<!tpu.dma_semaphore, #tpu.memory_space<semaphore_mem>>) src(%arg12 : memref<256x32xf32, #tpu.memory_space<vmem>>) dst(%dma_wait3A_214 : memref<256x32xf32, #tpu.memory_space<hbm>>)
      tpu.yield
    }) : () -> ()
    %mul3A_197 = arith.constant 1024 : i32
    %mul3A_198 = arith.muli %arg1, %mul3A_197 : i32
    %add3A_199 = arith.constant 512 : i32
    %add3A_200 = arith.addi %mul3A_198, %add3A_199 : i32
    "tpu.region"() ({
      %run_scoped3A = tpu.sem_alloc : memref<!tpu.dma_semaphore, #tpu.memory_space<semaphore_mem>>
      %dma_start3A = arith.constant 0 : i32
      %dma_start3A_205 = tpu.memref_slice %arg14[%add3A_200, %dma_start3A] : memref<16384x32xf32, #tpu.memory_space<vmem_shared>> -> memref<256x32xf32, #tpu.memory_space<vmem_shared>>
      %dma_start3A_206 = arith.constant 0 : i32
      %dma_start3A_207 = tpu.memref_slice %arg14[%add3A_200, %dma_start3A_206] : memref<16384x32xf32, #tpu.memory_space<vmem_shared>> -> memref<256x32xf32, #tpu.memory_space<vmem_shared>>
      tpu.enqueue_dma source(%dma_start3A_207 : memref<256x32xf32, #tpu.memory_space<vmem_shared>>) target(%arg12 : memref<256x32xf32, #tpu.memory_space<vmem>>) target_semaphore(%run_scoped3A : memref<!tpu.dma_semaphore, #tpu.memory_space<semaphore_mem>>)
      %dma_wait3A = arith.constant 0 : i32
      %dma_wait3A_208 = tpu.memref_slice %arg14[%add3A_200, %dma_wait3A] : memref<16384x32xf32, #tpu.memory_space<vmem_shared>> -> memref<256x32xf32, #tpu.memory_space<vmem_shared>>
      %dma_wait3A_209 = arith.constant 0 : i32
      %dma_wait3A_210 = tpu.memref_slice %arg14[%add3A_200, %dma_wait3A_209] : memref<16384x32xf32, #tpu.memory_space<vmem_shared>> -> memref<256x32xf32, #tpu.memory_space<vmem_shared>>
      tpu.wait_dma2 semaphore(%run_scoped3A : memref<!tpu.dma_semaphore, #tpu.memory_space<semaphore_mem>>) src(%dma_wait3A_210 : memref<256x32xf32, #tpu.memory_space<vmem_shared>>) dst(%arg12 : memref<256x32xf32, #tpu.memory_space<vmem>>)
      tpu.yield
    }) : () -> ()
    "tpu.region"() ({
      %run_scoped3A = tpu.sem_alloc : memref<!tpu.dma_semaphore, #tpu.memory_space<semaphore_mem>>
      %dma_start3A = arith.constant 0 : i32
      %dma_start3A_205 = tpu.memref_slice %arg5[%arg0, %add3A_200, %dma_start3A] : memref<2x16384x32xf32, #tpu.memory_space<hbm>> -> memref<1x256x32xf32, #tpu.memory_space<hbm>>
      %dma_start3A_206 = tpu.memref_squeeze %dma_start3A_205 : memref<1x256x32xf32, #tpu.memory_space<hbm>> -> memref<256x32xf32, #tpu.memory_space<hbm>>
      %dma_start3A_207 = arith.constant 0 : i32
      %dma_start3A_208 = tpu.memref_slice %arg5[%arg0, %add3A_200, %dma_start3A_207] : memref<2x16384x32xf32, #tpu.memory_space<hbm>> -> memref<1x256x32xf32, #tpu.memory_space<hbm>>
      %dma_start3A_209 = tpu.memref_squeeze %dma_start3A_208 : memref<1x256x32xf32, #tpu.memory_space<hbm>> -> memref<256x32xf32, #tpu.memory_space<hbm>>
      tpu.enqueue_dma source(%arg12 : memref<256x32xf32, #tpu.memory_space<vmem>>) target(%dma_start3A_209 : memref<256x32xf32, #tpu.memory_space<hbm>>) target_semaphore(%run_scoped3A : memref<!tpu.dma_semaphore, #tpu.memory_space<semaphore_mem>>)
      %dma_wait3A = arith.constant 0 : i32
      %dma_wait3A_210 = tpu.memref_slice %arg5[%arg0, %add3A_200, %dma_wait3A] : memref<2x16384x32xf32, #tpu.memory_space<hbm>> -> memref<1x256x32xf32, #tpu.memory_space<hbm>>
      %dma_wait3A_211 = tpu.memref_squeeze %dma_wait3A_210 : memref<1x256x32xf32, #tpu.memory_space<hbm>> -> memref<256x32xf32, #tpu.memory_space<hbm>>
      %dma_wait3A_212 = arith.constant 0 : i32
      %dma_wait3A_213 = tpu.memref_slice %arg5[%arg0, %add3A_200, %dma_wait3A_212] : memref<2x16384x32xf32, #tpu.memory_space<hbm>> -> memref<1x256x32xf32, #tpu.memory_space<hbm>>
      %dma_wait3A_214 = tpu.memref_squeeze %dma_wait3A_213 : memref<1x256x32xf32, #tpu.memory_space<hbm>> -> memref<256x32xf32, #tpu.memory_space<hbm>>
      tpu.wait_dma2 semaphore(%run_scoped3A : memref<!tpu.dma_semaphore, #tpu.memory_space<semaphore_mem>>) src(%arg12 : memref<256x32xf32, #tpu.memory_space<vmem>>) dst(%dma_wait3A_214 : memref<256x32xf32, #tpu.memory_space<hbm>>)
      tpu.yield
    }) : () -> ()
    %mul3A_201 = arith.constant 1024 : i32
    %mul3A_202 = arith.muli %arg1, %mul3A_201 : i32
    %add3A_203 = arith.constant 768 : i32
    %add3A_204 = arith.addi %mul3A_202, %add3A_203 : i32
    "tpu.region"() ({
      %run_scoped3A = tpu.sem_alloc : memref<!tpu.dma_semaphore, #tpu.memory_space<semaphore_mem>>
      %dma_start3A = arith.constant 0 : i32
      %dma_start3A_205 = tpu.memref_slice %arg14[%add3A_204, %dma_start3A] : memref<16384x32xf32, #tpu.memory_space<vmem_shared>> -> memref<256x32xf32, #tpu.memory_space<vmem_shared>>
      %dma_start3A_206 = arith.constant 0 : i32
      %dma_start3A_207 = tpu.memref_slice %arg14[%add3A_204, %dma_start3A_206] : memref<16384x32xf32, #tpu.memory_space<vmem_shared>> -> memref<256x32xf32, #tpu.memory_space<vmem_shared>>
      tpu.enqueue_dma source(%dma_start3A_207 : memref<256x32xf32, #tpu.memory_space<vmem_shared>>) target(%arg12 : memref<256x32xf32, #tpu.memory_space<vmem>>) target_semaphore(%run_scoped3A : memref<!tpu.dma_semaphore, #tpu.memory_space<semaphore_mem>>)
      %dma_wait3A = arith.constant 0 : i32
      %dma_wait3A_208 = tpu.memref_slice %arg14[%add3A_204, %dma_wait3A] : memref<16384x32xf32, #tpu.memory_space<vmem_shared>> -> memref<256x32xf32, #tpu.memory_space<vmem_shared>>
      %dma_wait3A_209 = arith.constant 0 : i32
      %dma_wait3A_210 = tpu.memref_slice %arg14[%add3A_204, %dma_wait3A_209] : memref<16384x32xf32, #tpu.memory_space<vmem_shared>> -> memref<256x32xf32, #tpu.memory_space<vmem_shared>>
      tpu.wait_dma2 semaphore(%run_scoped3A : memref<!tpu.dma_semaphore, #tpu.memory_space<semaphore_mem>>) src(%dma_wait3A_210 : memref<256x32xf32, #tpu.memory_space<vmem_shared>>) dst(%arg12 : memref<256x32xf32, #tpu.memory_space<vmem>>)
      tpu.yield
    }) : () -> ()
    "tpu.region"() ({
      %run_scoped3A = tpu.sem_alloc : memref<!tpu.dma_semaphore, #tpu.memory_space<semaphore_mem>>
      %dma_start3A = arith.constant 0 : i32
      %dma_start3A_205 = tpu.memref_slice %arg5[%arg0, %add3A_204, %dma_start3A] : memref<2x16384x32xf32, #tpu.memory_space<hbm>> -> memref<1x256x32xf32, #tpu.memory_space<hbm>>
      %dma_start3A_206 = tpu.memref_squeeze %dma_start3A_205 : memref<1x256x32xf32, #tpu.memory_space<hbm>> -> memref<256x32xf32, #tpu.memory_space<hbm>>
      %dma_start3A_207 = arith.constant 0 : i32
      %dma_start3A_208 = tpu.memref_slice %arg5[%arg0, %add3A_204, %dma_start3A_207] : memref<2x16384x32xf32, #tpu.memory_space<hbm>> -> memref<1x256x32xf32, #tpu.memory_space<hbm>>
      %dma_start3A_209 = tpu.memref_squeeze %dma_start3A_208 : memref<1x256x32xf32, #tpu.memory_space<hbm>> -> memref<256x32xf32, #tpu.memory_space<hbm>>
      tpu.enqueue_dma source(%arg12 : memref<256x32xf32, #tpu.memory_space<vmem>>) target(%dma_start3A_209 : memref<256x32xf32, #tpu.memory_space<hbm>>) target_semaphore(%run_scoped3A : memref<!tpu.dma_semaphore, #tpu.memory_space<semaphore_mem>>)
      %dma_wait3A = arith.constant 0 : i32
      %dma_wait3A_210 = tpu.memref_slice %arg5[%arg0, %add3A_204, %dma_wait3A] : memref<2x16384x32xf32, #tpu.memory_space<hbm>> -> memref<1x256x32xf32, #tpu.memory_space<hbm>>
      %dma_wait3A_211 = tpu.memref_squeeze %dma_wait3A_210 : memref<1x256x32xf32, #tpu.memory_space<hbm>> -> memref<256x32xf32, #tpu.memory_space<hbm>>
      %dma_wait3A_212 = arith.constant 0 : i32
      %dma_wait3A_213 = tpu.memref_slice %arg5[%arg0, %add3A_204, %dma_wait3A_212] : memref<2x16384x32xf32, #tpu.memory_space<hbm>> -> memref<1x256x32xf32, #tpu.memory_space<hbm>>
      %dma_wait3A_214 = tpu.memref_squeeze %dma_wait3A_213 : memref<1x256x32xf32, #tpu.memory_space<hbm>> -> memref<256x32xf32, #tpu.memory_space<hbm>>
      tpu.wait_dma2 semaphore(%run_scoped3A : memref<!tpu.dma_semaphore, #tpu.memory_space<semaphore_mem>>) src(%arg12 : memref<256x32xf32, #tpu.memory_space<vmem>>) dst(%dma_wait3A_214 : memref<256x32xf32, #tpu.memory_space<hbm>>)
      tpu.yield
    }) : () -> ()
    return
  }
}

#map = affine_map<(d0, d1) -> (0, 0)>
module attributes {stable_mosaic.version = 14 : i64} {
  func.func @body(%arg0: i32, %arg1: i32, %arg2: memref<768x128xi32, #tpu.memory_space<hbm>>, %arg3: memref<768x128xi32, #tpu.memory_space<hbm>>, %arg4: memref<1015808x32xf32, #tpu.memory_space<hbm>>, %arg5: memref<393216x32xf32, #tpu.memory_space<hbm>>, %arg6: memref<24x128xi32, #tpu.memory_space<vmem>>, %arg7: memref<24x128xi32, #tpu.memory_space<vmem>>, %arg8: memref<2x128x32xf32, #tpu.memory_space<vmem>>, %arg9: memref<!tpu.dma_semaphore, #tpu.memory_space<semaphore_mem>>, %arg10: memref<!tpu.dma_semaphore, #tpu.memory_space<semaphore_mem>>) attributes {dimension_semantics = [#tpu.dimension_semantics<core_parallel>, #tpu.dimension_semantics<subcore_parallel>], iteration_bounds = array<i64: 2, 16>, scalar_prefetch = 0 : i64, scratch_operands = 5 : i64, tpu.core_type = #tpu.core_type<sc_vector_subcore>, window_params = [{transform_indices = #map}, {transform_indices = #map}, {transform_indices = #map}, {transform_indices = #map}]} {
    %mul3A = arith.constant 2 : i32
    %mul3A_0 = arith.muli %arg1, %mul3A : i32
    %add3A = arith.addi %mul3A_0, %arg0 : i32
    %mul3A_1 = arith.constant 24 : i32
    %mul3A_2 = arith.muli %add3A, %mul3A_1 : i32
    "tpu.region"() ({
      %run_scoped3A = tpu.sem_alloc : memref<!tpu.dma_semaphore, #tpu.memory_space<semaphore_mem>>
      %dma_start3A_32 = arith.constant 0 : i32
      %dma_start3A_33 = tpu.memref_slice %arg2[%mul3A_2, %dma_start3A_32] : memref<768x128xi32, #tpu.memory_space<hbm>> -> memref<24x128xi32, #tpu.memory_space<hbm>>
      %dma_start3A_34 = arith.constant 0 : i32
      %dma_start3A_35 = tpu.memref_slice %arg2[%mul3A_2, %dma_start3A_34] : memref<768x128xi32, #tpu.memory_space<hbm>> -> memref<24x128xi32, #tpu.memory_space<hbm>>
      tpu.enqueue_dma source(%dma_start3A_35 : memref<24x128xi32, #tpu.memory_space<hbm>>) target(%arg6 : memref<24x128xi32, #tpu.memory_space<vmem>>) target_semaphore(%run_scoped3A : memref<!tpu.dma_semaphore, #tpu.memory_space<semaphore_mem>>)
      %dma_wait3A_36 = arith.constant 0 : i32
      %dma_wait3A_37 = tpu.memref_slice %arg2[%mul3A_2, %dma_wait3A_36] : memref<768x128xi32, #tpu.memory_space<hbm>> -> memref<24x128xi32, #tpu.memory_space<hbm>>
      %dma_wait3A_38 = arith.constant 0 : i32
      %dma_wait3A_39 = tpu.memref_slice %arg2[%mul3A_2, %dma_wait3A_38] : memref<768x128xi32, #tpu.memory_space<hbm>> -> memref<24x128xi32, #tpu.memory_space<hbm>>
      tpu.wait_dma2 semaphore(%run_scoped3A : memref<!tpu.dma_semaphore, #tpu.memory_space<semaphore_mem>>) src(%dma_wait3A_39 : memref<24x128xi32, #tpu.memory_space<hbm>>) dst(%arg6 : memref<24x128xi32, #tpu.memory_space<vmem>>)
      tpu.yield
    }) : () -> ()
    %mul3A_3 = arith.constant 24 : i32
    %mul3A_4 = arith.muli %add3A, %mul3A_3 : i32
    "tpu.region"() ({
      %run_scoped3A = tpu.sem_alloc : memref<!tpu.dma_semaphore, #tpu.memory_space<semaphore_mem>>
      %dma_start3A_32 = arith.constant 0 : i32
      %dma_start3A_33 = tpu.memref_slice %arg3[%mul3A_4, %dma_start3A_32] : memref<768x128xi32, #tpu.memory_space<hbm>> -> memref<24x128xi32, #tpu.memory_space<hbm>>
      %dma_start3A_34 = arith.constant 0 : i32
      %dma_start3A_35 = tpu.memref_slice %arg3[%mul3A_4, %dma_start3A_34] : memref<768x128xi32, #tpu.memory_space<hbm>> -> memref<24x128xi32, #tpu.memory_space<hbm>>
      tpu.enqueue_dma source(%dma_start3A_35 : memref<24x128xi32, #tpu.memory_space<hbm>>) target(%arg7 : memref<24x128xi32, #tpu.memory_space<vmem>>) target_semaphore(%run_scoped3A : memref<!tpu.dma_semaphore, #tpu.memory_space<semaphore_mem>>)
      %dma_wait3A_36 = arith.constant 0 : i32
      %dma_wait3A_37 = tpu.memref_slice %arg3[%mul3A_4, %dma_wait3A_36] : memref<768x128xi32, #tpu.memory_space<hbm>> -> memref<24x128xi32, #tpu.memory_space<hbm>>
      %dma_wait3A_38 = arith.constant 0 : i32
      %dma_wait3A_39 = tpu.memref_slice %arg3[%mul3A_4, %dma_wait3A_38] : memref<768x128xi32, #tpu.memory_space<hbm>> -> memref<24x128xi32, #tpu.memory_space<hbm>>
      tpu.wait_dma2 semaphore(%run_scoped3A : memref<!tpu.dma_semaphore, #tpu.memory_space<semaphore_mem>>) src(%dma_wait3A_39 : memref<24x128xi32, #tpu.memory_space<hbm>>) dst(%arg7 : memref<24x128xi32, #tpu.memory_space<vmem>>)
      tpu.yield
    }) : () -> ()
    %dma_start3A = arith.constant 0 : i32
    %dma_start3A_5 = arith.constant 0 : i32
    %dma_start3A_6 = arith.constant 0 : i32
    %dma_start3A_7 = arith.constant 0 : i32
    %dma_start3A_8 = tpu.memref_slice %arg8[%dma_start3A_5, %dma_start3A_6, %dma_start3A_7] : memref<2x128x32xf32, #tpu.memory_space<vmem>> -> memref<1x128x32xf32, #tpu.memory_space<vmem>>
    %dma_start3A_9 = tpu.memref_squeeze %dma_start3A_8 : memref<1x128x32xf32, #tpu.memory_space<vmem>> -> memref<128x32xf32, #tpu.memory_space<vmem>>
    %dma_start3A_10 = arith.constant 0 : i32
    %dma_start3A_11 = tpu.memref_slice %arg6[%dma_start3A, %dma_start3A_10] : memref<24x128xi32, #tpu.memory_space<vmem>> -> memref<1x128xi32, #tpu.memory_space<vmem>>
    %dma_start3A_12 = tpu.memref_squeeze %dma_start3A_11 : memref<1x128xi32, #tpu.memory_space<vmem>> -> memref<128xi32, #tpu.memory_space<vmem>>
    %dma_start3A_13 = arith.constant 0 : i32
    %dma_start3A_14 = arith.constant 0 : i32
    %dma_start3A_15 = tpu.memref_slice %arg4[%dma_start3A_13, %dma_start3A_14] : memref<1015808x32xf32, #tpu.memory_space<hbm>> -> memref<1015808x32xf32, #tpu.memory_space<hbm>>
    tpu.enqueue_indirect_dma source(%dma_start3A_15 : memref<1015808x32xf32, #tpu.memory_space<hbm>>) target(%dma_start3A_9 : memref<128x32xf32, #tpu.memory_space<vmem>>) offsets(%dma_start3A_12 : memref<128xi32, #tpu.memory_space<vmem>>) semaphore(%arg9 : memref<!tpu.dma_semaphore, #tpu.memory_space<semaphore_mem>>)
    %scan3A = arith.constant 0 : i32
    %scan3A_16 = arith.constant 0 : i32
    %scan3A_17 = arith.constant 24 : i32
    %scan3A_18 = arith.addi %scan3A_16, %scan3A_17 : i32
    %scan3A_19 = arith.constant 1 : i32
    scf.for %scan3A_32 = %scan3A_16 to %scan3A_18 step %scan3A_19  : i32 {
      %jit3A = arith.constant 2 : i32
      %eq3A = arith.constant 0 : i32
      %eq3A_33 = arith.cmpi eq, %jit3A, %eq3A : i32
      %jit3A_34 = arith.constant 1 : i32
      %select_n3A = arith.select %eq3A_33, %jit3A_34, %jit3A : i32
      %rem3A = arith.remsi %scan3A_32, %select_n3A : i32
      %ne3A = arith.constant 0 : i32
      %ne3A_35 = arith.cmpi ne, %rem3A, %ne3A : i32
      %lt3A = arith.constant 0 : i32
      %lt3A_36 = arith.cmpi slt, %rem3A, %lt3A : i32
      %lt3A_37 = arith.constant 0 : i32
      %lt3A_38 = arith.cmpi slt, %select_n3A, %lt3A_37 : i32
      %ne3A_39 = arith.xori %lt3A_36, %lt3A_38 : i1
      %and3A = arith.andi %ne3A_39, %ne3A_35 : i1
      %add3A_40 = arith.addi %rem3A, %select_n3A : i32
      %select_n3A_41 = arith.select %and3A, %add3A_40, %rem3A : i32
      %dma_wait3A_42 = arith.constant 0 : i32
      %dma_wait3A_43 = arith.constant 0 : i32
      %dma_wait3A_44 = tpu.memref_slice %arg8[%select_n3A_41, %dma_wait3A_42, %dma_wait3A_43] : memref<2x128x32xf32, #tpu.memory_space<vmem>> -> memref<1x128x32xf32, #tpu.memory_space<vmem>>
      %dma_wait3A_45 = tpu.memref_squeeze %dma_wait3A_44 : memref<1x128x32xf32, #tpu.memory_space<vmem>> -> memref<128x32xf32, #tpu.memory_space<vmem>>
      %dma_wait3A_46 = arith.constant 0 : i32
      %dma_wait3A_47 = tpu.memref_slice %arg6[%scan3A_32, %dma_wait3A_46] : memref<24x128xi32, #tpu.memory_space<vmem>> -> memref<1x128xi32, #tpu.memory_space<vmem>>
      %dma_wait3A_48 = tpu.memref_squeeze %dma_wait3A_47 : memref<1x128xi32, #tpu.memory_space<vmem>> -> memref<128xi32, #tpu.memory_space<vmem>>
      %dma_wait3A_49 = arith.constant 0 : i32
      %dma_wait3A_50 = arith.constant 0 : i32
      %dma_wait3A_51 = tpu.memref_slice %arg4[%dma_wait3A_49, %dma_wait3A_50] : memref<1015808x32xf32, #tpu.memory_space<hbm>> -> memref<1015808x32xf32, #tpu.memory_space<hbm>>
      tpu.wait_indirect_dma semaphore(%arg9 : memref<!tpu.dma_semaphore, #tpu.memory_space<semaphore_mem>>) src(%dma_wait3A_51 : memref<1015808x32xf32, #tpu.memory_space<hbm>>) dst(%dma_wait3A_45 : memref<128x32xf32, #tpu.memory_space<vmem>>)
      %gt3A = arith.constant 0 : i32
      %gt3A_52 = arith.cmpi sgt, %scan3A_32, %gt3A : i32
      %convert_element_type3A = arith.extui %gt3A_52 : i1 to i32
      %cond3A = arith.constant 0 : i32
      %cond3A_53 = arith.cmpi ne, %convert_element_type3A, %cond3A : i32
      scf.if %cond3A_53 {
        %sub3A = arith.constant 1 : i32
        %sub3A_85 = arith.subi %scan3A_32, %sub3A : i32
        %jit3A_86 = arith.constant 2 : i32
        %eq3A_87 = arith.constant 0 : i32
        %eq3A_88 = arith.cmpi eq, %jit3A_86, %eq3A_87 : i32
        %jit3A_89 = arith.constant 1 : i32
        %select_n3A_90 = arith.select %eq3A_88, %jit3A_89, %jit3A_86 : i32
        %rem3A_91 = arith.remsi %sub3A_85, %select_n3A_90 : i32
        %ne3A_92 = arith.constant 0 : i32
        %ne3A_93 = arith.cmpi ne, %rem3A_91, %ne3A_92 : i32
        %lt3A_94 = arith.constant 0 : i32
        %lt3A_95 = arith.cmpi slt, %rem3A_91, %lt3A_94 : i32
        %lt3A_96 = arith.constant 0 : i32
        %lt3A_97 = arith.cmpi slt, %select_n3A_90, %lt3A_96 : i32
        %ne3A_98 = arith.xori %lt3A_95, %lt3A_97 : i1
        %and3A_99 = arith.andi %ne3A_98, %ne3A_93 : i1
        %add3A_100 = arith.addi %rem3A_91, %select_n3A_90 : i32
        %select_n3A_101 = arith.select %and3A_99, %add3A_100, %rem3A_91 : i32
        %sub3A_102 = arith.constant 1 : i32
        %sub3A_103 = arith.subi %scan3A_32, %sub3A_102 : i32
        %dma_wait3A_104 = arith.constant 0 : i32
        %dma_wait3A_105 = arith.constant 0 : i32
        %dma_wait3A_106 = tpu.memref_slice %arg8[%select_n3A_101, %dma_wait3A_104, %dma_wait3A_105] : memref<2x128x32xf32, #tpu.memory_space<vmem>> -> memref<1x128x32xf32, #tpu.memory_space<vmem>>
        %dma_wait3A_107 = tpu.memref_squeeze %dma_wait3A_106 : memref<1x128x32xf32, #tpu.memory_space<vmem>> -> memref<128x32xf32, #tpu.memory_space<vmem>>
        %dma_wait3A_108 = arith.constant 0 : i32
        %dma_wait3A_109 = tpu.memref_slice %arg7[%sub3A_103, %dma_wait3A_108] : memref<24x128xi32, #tpu.memory_space<vmem>> -> memref<1x128xi32, #tpu.memory_space<vmem>>
        %dma_wait3A_110 = tpu.memref_squeeze %dma_wait3A_109 : memref<1x128xi32, #tpu.memory_space<vmem>> -> memref<128xi32, #tpu.memory_space<vmem>>
        %dma_wait3A_111 = arith.constant 0 : i32
        %dma_wait3A_112 = arith.constant 0 : i32
        %dma_wait3A_113 = tpu.memref_slice %arg5[%dma_wait3A_111, %dma_wait3A_112] : memref<393216x32xf32, #tpu.memory_space<hbm>> -> memref<393216x32xf32, #tpu.memory_space<hbm>>
        tpu.wait_indirect_dma semaphore(%arg10 : memref<!tpu.dma_semaphore, #tpu.memory_space<semaphore_mem>>) src(%dma_wait3A_107 : memref<128x32xf32, #tpu.memory_space<vmem>>) dst(%dma_wait3A_113 : memref<393216x32xf32, #tpu.memory_space<hbm>>)
      } else {
      }
      %lt3A_54 = arith.constant 23 : i32
      %lt3A_55 = arith.cmpi slt, %scan3A_32, %lt3A_54 : i32
      %convert_element_type3A_56 = arith.extui %lt3A_55 : i1 to i32
      %cond3A_57 = arith.constant 0 : i32
      %cond3A_58 = arith.cmpi ne, %convert_element_type3A_56, %cond3A_57 : i32
      scf.if %cond3A_58 {
        %add3A_85 = arith.constant 1 : i32
        %add3A_86 = arith.addi %scan3A_32, %add3A_85 : i32
        %add3A_87 = arith.constant 1 : i32
        %add3A_88 = arith.addi %scan3A_32, %add3A_87 : i32
        %jit3A_89 = arith.constant 2 : i32
        %eq3A_90 = arith.constant 0 : i32
        %eq3A_91 = arith.cmpi eq, %jit3A_89, %eq3A_90 : i32
        %jit3A_92 = arith.constant 1 : i32
        %select_n3A_93 = arith.select %eq3A_91, %jit3A_92, %jit3A_89 : i32
        %rem3A_94 = arith.remsi %add3A_88, %select_n3A_93 : i32
        %ne3A_95 = arith.constant 0 : i32
        %ne3A_96 = arith.cmpi ne, %rem3A_94, %ne3A_95 : i32
        %lt3A_97 = arith.constant 0 : i32
        %lt3A_98 = arith.cmpi slt, %rem3A_94, %lt3A_97 : i32
        %lt3A_99 = arith.constant 0 : i32
        %lt3A_100 = arith.cmpi slt, %select_n3A_93, %lt3A_99 : i32
        %ne3A_101 = arith.xori %lt3A_98, %lt3A_100 : i1
        %and3A_102 = arith.andi %ne3A_101, %ne3A_96 : i1
        %add3A_103 = arith.addi %rem3A_94, %select_n3A_93 : i32
        %select_n3A_104 = arith.select %and3A_102, %add3A_103, %rem3A_94 : i32
        %dma_start3A_105 = arith.constant 0 : i32
        %dma_start3A_106 = arith.constant 0 : i32
        %dma_start3A_107 = tpu.memref_slice %arg8[%select_n3A_104, %dma_start3A_105, %dma_start3A_106] : memref<2x128x32xf32, #tpu.memory_space<vmem>> -> memref<1x128x32xf32, #tpu.memory_space<vmem>>
        %dma_start3A_108 = tpu.memref_squeeze %dma_start3A_107 : memref<1x128x32xf32, #tpu.memory_space<vmem>> -> memref<128x32xf32, #tpu.memory_space<vmem>>
        %dma_start3A_109 = arith.constant 0 : i32
        %dma_start3A_110 = tpu.memref_slice %arg6[%add3A_86, %dma_start3A_109] : memref<24x128xi32, #tpu.memory_space<vmem>> -> memref<1x128xi32, #tpu.memory_space<vmem>>
        %dma_start3A_111 = tpu.memref_squeeze %dma_start3A_110 : memref<1x128xi32, #tpu.memory_space<vmem>> -> memref<128xi32, #tpu.memory_space<vmem>>
        %dma_start3A_112 = arith.constant 0 : i32
        %dma_start3A_113 = arith.constant 0 : i32
        %dma_start3A_114 = tpu.memref_slice %arg4[%dma_start3A_112, %dma_start3A_113] : memref<1015808x32xf32, #tpu.memory_space<hbm>> -> memref<1015808x32xf32, #tpu.memory_space<hbm>>
        tpu.enqueue_indirect_dma source(%dma_start3A_114 : memref<1015808x32xf32, #tpu.memory_space<hbm>>) target(%dma_start3A_108 : memref<128x32xf32, #tpu.memory_space<vmem>>) offsets(%dma_start3A_111 : memref<128xi32, #tpu.memory_space<vmem>>) semaphore(%arg9 : memref<!tpu.dma_semaphore, #tpu.memory_space<semaphore_mem>>)
      } else {
      }
      %jit3A_59 = arith.constant 2 : i32
      %eq3A_60 = arith.constant 0 : i32
      %eq3A_61 = arith.cmpi eq, %jit3A_59, %eq3A_60 : i32
      %jit3A_62 = arith.constant 1 : i32
      %select_n3A_63 = arith.select %eq3A_61, %jit3A_62, %jit3A_59 : i32
      %rem3A_64 = arith.remsi %scan3A_32, %select_n3A_63 : i32
      %ne3A_65 = arith.constant 0 : i32
      %ne3A_66 = arith.cmpi ne, %rem3A_64, %ne3A_65 : i32
      %lt3A_67 = arith.constant 0 : i32
      %lt3A_68 = arith.cmpi slt, %rem3A_64, %lt3A_67 : i32
      %lt3A_69 = arith.constant 0 : i32
      %lt3A_70 = arith.cmpi slt, %select_n3A_63, %lt3A_69 : i32
      %ne3A_71 = arith.xori %lt3A_68, %lt3A_70 : i1
      %and3A_72 = arith.andi %ne3A_71, %ne3A_66 : i1
      %add3A_73 = arith.addi %rem3A_64, %select_n3A_63 : i32
      %select_n3A_74 = arith.select %and3A_72, %add3A_73, %rem3A_64 : i32
      %dma_start3A_75 = arith.constant 0 : i32
      %dma_start3A_76 = arith.constant 0 : i32
      %dma_start3A_77 = tpu.memref_slice %arg8[%select_n3A_74, %dma_start3A_75, %dma_start3A_76] : memref<2x128x32xf32, #tpu.memory_space<vmem>> -> memref<1x128x32xf32, #tpu.memory_space<vmem>>
      %dma_start3A_78 = tpu.memref_squeeze %dma_start3A_77 : memref<1x128x32xf32, #tpu.memory_space<vmem>> -> memref<128x32xf32, #tpu.memory_space<vmem>>
      %dma_start3A_79 = arith.constant 0 : i32
      %dma_start3A_80 = tpu.memref_slice %arg7[%scan3A_32, %dma_start3A_79] : memref<24x128xi32, #tpu.memory_space<vmem>> -> memref<1x128xi32, #tpu.memory_space<vmem>>
      %dma_start3A_81 = tpu.memref_squeeze %dma_start3A_80 : memref<1x128xi32, #tpu.memory_space<vmem>> -> memref<128xi32, #tpu.memory_space<vmem>>
      %dma_start3A_82 = arith.constant 0 : i32
      %dma_start3A_83 = arith.constant 0 : i32
      %dma_start3A_84 = tpu.memref_slice %arg5[%dma_start3A_82, %dma_start3A_83] : memref<393216x32xf32, #tpu.memory_space<hbm>> -> memref<393216x32xf32, #tpu.memory_space<hbm>>
      tpu.enqueue_indirect_dma source(%dma_start3A_78 : memref<128x32xf32, #tpu.memory_space<vmem>>) target(%dma_start3A_84 : memref<393216x32xf32, #tpu.memory_space<hbm>>) offsets(%dma_start3A_81 : memref<128xi32, #tpu.memory_space<vmem>>) semaphore(%arg10 : memref<!tpu.dma_semaphore, #tpu.memory_space<semaphore_mem>>)
    }
    %scan3A_20 = arith.constant 24 : i32
    %dma_wait3A = arith.constant 1 : i32
    %dma_wait3A_21 = arith.constant 23 : i32
    %dma_wait3A_22 = arith.constant 0 : i32
    %dma_wait3A_23 = arith.constant 0 : i32
    %dma_wait3A_24 = tpu.memref_slice %arg8[%dma_wait3A, %dma_wait3A_22, %dma_wait3A_23] : memref<2x128x32xf32, #tpu.memory_space<vmem>> -> memref<1x128x32xf32, #tpu.memory_space<vmem>>
    %dma_wait3A_25 = tpu.memref_squeeze %dma_wait3A_24 : memref<1x128x32xf32, #tpu.memory_space<vmem>> -> memref<128x32xf32, #tpu.memory_space<vmem>>
    %dma_wait3A_26 = arith.constant 0 : i32
    %dma_wait3A_27 = tpu.memref_slice %arg7[%dma_wait3A_21, %dma_wait3A_26] : memref<24x128xi32, #tpu.memory_space<vmem>> -> memref<1x128xi32, #tpu.memory_space<vmem>>
    %dma_wait3A_28 = tpu.memref_squeeze %dma_wait3A_27 : memref<1x128xi32, #tpu.memory_space<vmem>> -> memref<128xi32, #tpu.memory_space<vmem>>
    %dma_wait3A_29 = arith.constant 0 : i32
    %dma_wait3A_30 = arith.constant 0 : i32
    %dma_wait3A_31 = tpu.memref_slice %arg5[%dma_wait3A_29, %dma_wait3A_30] : memref<393216x32xf32, #tpu.memory_space<hbm>> -> memref<393216x32xf32, #tpu.memory_space<hbm>>
    tpu.wait_indirect_dma semaphore(%arg10 : memref<!tpu.dma_semaphore, #tpu.memory_space<semaphore_mem>>) src(%dma_wait3A_25 : memref<128x32xf32, #tpu.memory_space<vmem>>) dst(%dma_wait3A_31 : memref<393216x32xf32, #tpu.memory_space<hbm>>)
    return
  }
}

module attributes {stable_mosaic.version = 14 : i64} {
  func.func @_tr_body(%arg0: i32, %arg1: memref<32x16384xf32, #tpu.memory_space<vmem>>, %arg2: memref<4096x128xf32, #tpu.memory_space<vmem>>) attributes {dimension_semantics = [#tpu.dimension_semantics<arbitrary>], iteration_bounds = array<i64: 62>, scalar_prefetch = 0 : i64, scratch_operands = 0 : i64, tpu.core_type = #tpu.core_type<tc>, window_params = [{transform_indices = @transform_0, window_bounds = array<i64: 32, 16384>}, {transform_indices = @transform_1, window_bounds = array<i64: 4096, 128>}]} {
    %get3A = arith.constant 0 : index
    %get3A_0 = arith.constant 0 : index
    %get3A_1 = vector.load %arg1[%get3A, %get3A_0] : memref<32x16384xf32, #tpu.memory_space<vmem>>, vector<32x16384xf32>
    %slice3A = vector.extract_strided_slice %get3A_1 {offsets = [0, 0], sizes = [32, 4096], strides = [1, 1]} : vector<32x16384xf32> to vector<32x4096xf32>
    %slice3A_2 = vector.extract_strided_slice %get3A_1 {offsets = [0, 4096], sizes = [32, 4096], strides = [1, 1]} : vector<32x16384xf32> to vector<32x4096xf32>
    %slice3A_3 = vector.extract_strided_slice %get3A_1 {offsets = [0, 8192], sizes = [32, 4096], strides = [1, 1]} : vector<32x16384xf32> to vector<32x4096xf32>
    %slice3A_4 = vector.extract_strided_slice %get3A_1 {offsets = [0, 12288], sizes = [32, 4096], strides = [1, 1]} : vector<32x16384xf32> to vector<32x4096xf32>
    %concatenate3A = tpu.concatenate %slice3A, %slice3A_2, %slice3A_3, %slice3A_4 in 0 : vector<32x4096xf32>, vector<32x4096xf32>, vector<32x4096xf32>, vector<32x4096xf32> -> vector<128x4096xf32>
    %transpose3A = tpu.transpose %concatenate3A, [1, 0] : vector<128x4096xf32> -> vector<4096x128xf32>
    %swap3A = arith.constant 0 : index
    %swap3A_5 = arith.constant 0 : index
    %swap3A_6 = vector.load %arg2[%swap3A, %swap3A_5] : memref<4096x128xf32, #tpu.memory_space<vmem>>, vector<4096x128xf32>
    tpu.vector_store %arg2[%swap3A, %swap3A_5], %transpose3A {strides = array<i32>} : memref<4096x128xf32, #tpu.memory_space<vmem>>, vector<4096x128xf32>,
    return
  }
  func.func @transform_0(%arg0: i32) -> (i32, i32) {
    %c0_i32 = arith.constant 0 : i32
    %c0_i32_0 = arith.constant 0 : i32
    return %c0_i32, %arg0 : i32, i32
  }
  func.func @transform_1(%arg0: i32) -> (i32, i32) {
    %c0_i32 = arith.constant 0 : i32
    %c0_i32_0 = arith.constant 0 : i32
    return %arg0, %c0_i32 : i32, i32
  }
}

module attributes {stable_mosaic.version = 14 : i64} {
  func.func @_tc_body(%arg0: i32, %arg1: memref<2x1024x32xf32, #tpu.memory_space<vmem>>, %arg2: memref<2x1024xf32, #tpu.memory_space<vmem>>, %arg3: memref<6x1024x128xf32, #tpu.memory_space<vmem>>, %arg4: memref<6x1024xf32, #tpu.memory_space<vmem>>) attributes {dimension_semantics = [#tpu.dimension_semantics<arbitrary>], iteration_bounds = array<i64: 16>, scalar_prefetch = 0 : i64, scratch_operands = 0 : i64, tpu.core_type = #tpu.core_type<tc>, window_params = [{transform_indices = @transform_0, window_bounds = array<i64: 2, 1024, 32>}, {transform_indices = @transform_1, window_bounds = array<i64: 2, 1024>}, {transform_indices = @transform_2, window_bounds = array<i64: 6, 1024, 128>}, {transform_indices = @transform_3, window_bounds = array<i64: 6, 1024>}]} {
    %get3A = arith.constant 0 : index
    %get3A_0 = arith.constant 0 : index
    %get3A_1 = arith.constant 0 : index
    %get3A_2 = vector.load %arg1[%get3A, %get3A_0, %get3A_1] : memref<2x1024x32xf32, #tpu.memory_space<vmem>>, vector<2x1024x32xf32>
    %get3A_3 = arith.constant 0 : index
    %get3A_4 = arith.constant 0 : index
    %get3A_5 = vector.load %arg2[%get3A_3, %get3A_4] : memref<2x1024xf32, #tpu.memory_space<vmem>>, vector<2x1024xf32>
    %get3A_6 = arith.constant 0 : index
    %get3A_7 = arith.constant 0 : index
    %get3A_8 = arith.constant 0 : index
    %get3A_9 = vector.load %arg3[%get3A_6, %get3A_7, %get3A_8] : memref<6x1024x128xf32, #tpu.memory_space<vmem>>, vector<6x1024x128xf32>
    %slice3A = vector.extract_strided_slice %get3A_9 {offsets = [0, 0, 0], sizes = [6, 1024, 32], strides = [1, 1, 1]} : vector<6x1024x128xf32> to vector<6x1024x32xf32>
    %slice3A_10 = vector.extract_strided_slice %get3A_2 {offsets = [0, 0, 0], sizes = [1, 1024, 32], strides = [1, 1, 1]} : vector<2x1024x32xf32> to vector<1x1024x32xf32>
    %squeeze3A = vector.shape_cast %slice3A_10 : vector<1x1024x32xf32> to vector<1024x32xf32>
    %slice3A_11 = vector.extract_strided_slice %get3A_2 {offsets = [1, 0, 0], sizes = [1, 1024, 32], strides = [1, 1, 1]} : vector<2x1024x32xf32> to vector<1x1024x32xf32>
    %squeeze3A_12 = vector.shape_cast %slice3A_11 : vector<1x1024x32xf32> to vector<1024x32xf32>
    %add3A = arith.addf %squeeze3A, %squeeze3A_12 : vector<1024x32xf32>
    %slice3A_13 = vector.extract_strided_slice %get3A_5 {offsets = [0, 0], sizes = [1, 1024], strides = [1, 1]} : vector<2x1024xf32> to vector<1x1024xf32>
    %squeeze3A_14 = vector.shape_cast %slice3A_13 : vector<1x1024xf32> to vector<1024xf32>
    %slice3A_15 = vector.extract_strided_slice %get3A_5 {offsets = [1, 0], sizes = [1, 1024], strides = [1, 1]} : vector<2x1024xf32> to vector<1x1024xf32>
    %squeeze3A_16 = vector.shape_cast %slice3A_15 : vector<1x1024xf32> to vector<1024xf32>
    %add3A_17 = arith.addf %squeeze3A_14, %squeeze3A_16 : vector<1024xf32>
    %max3A = arith.constant 1.000000e+00 : f32
    %max3A_18 = vector.broadcast %max3A : f32 to vector<1024xf32>
    %max3A_19 = arith.maximumf %add3A_17, %max3A_18 : vector<1024xf32>
    %broadcast_in_dim3A = vector.shape_cast %max3A_19 : vector<1024xf32> to vector<1024x1xf32>
    %div3A = vector.broadcast %broadcast_in_dim3A : vector<1024x1xf32> to vector<1024x32xf32>
    %div3A_20 = arith.divf %add3A, %div3A : vector<1024x32xf32>
    %broadcast_in_dim3A_21 = vector.shape_cast %div3A_20 : vector<1024x32xf32> to vector<1x1024x32xf32>
    %mul3A = vector.broadcast %broadcast_in_dim3A_21 : vector<1x1024x32xf32> to vector<6x1024x32xf32>
    %mul3A_22 = arith.mulf %mul3A, %slice3A : vector<6x1024x32xf32>
    %reduce_sum3A = arith.constant dense<0.000000e+00> : vector<6x1024xf32>
    %reduce_sum3A_23 = vector.multi_reduction <add>, %mul3A_22, %reduce_sum3A [2] : vector<6x1024x32xf32> to vector<6x1024xf32>
    %swap3A = arith.constant 0 : index
    %swap3A_24 = arith.constant 0 : index
    %swap3A_25 = vector.load %arg4[%swap3A, %swap3A_24] : memref<6x1024xf32, #tpu.memory_space<vmem>>, vector<6x1024xf32>
    tpu.vector_store %arg4[%swap3A, %swap3A_24], %reduce_sum3A_23 {strides = array<i32>} : memref<6x1024xf32, #tpu.memory_space<vmem>>, vector<6x1024xf32>,
    return
  }
  func.func @transform_0(%arg0: i32) -> (i32, i32, i32) {
    %c0_i32 = arith.constant 0 : i32
    %c0_i32_0 = arith.constant 0 : i32
    %c0_i32_1 = arith.constant 0 : i32
    return %c0_i32, %arg0, %c0_i32_0 : i32, i32, i32
  }
  func.func @transform_1(%arg0: i32) -> (i32, i32) {
    %c0_i32 = arith.constant 0 : i32
    %c0_i32_0 = arith.constant 0 : i32
    return %c0_i32, %arg0 : i32, i32
  }
  func.func @transform_2(%arg0: i32) -> (i32, i32, i32) {
    %c0_i32 = arith.constant 0 : i32
    %c0_i32_0 = arith.constant 0 : i32
    %c0_i32_1 = arith.constant 0 : i32
    return %c0_i32, %arg0, %c0_i32_0 : i32, i32, i32
  }
  func.func @transform_3(%arg0: i32) -> (i32, i32) {
    %c0_i32 = arith.constant 0 : i32
    %c0_i32_0 = arith.constant 0 : i32
    return %c0_i32, %arg0 : i32, i32
  }
}

</mosaic_0001>

<sc_bundles>
// kernel: kernel.10.cloned.1.call-start
scs
__scs_entry_jumppad:
0x0: {  	(pc) =	sbr.rel $0x88, $3  }
0x1: {  	(tag) =	ssettag $0x0;
	lr =	simm.s32 $0x1  }
0x2: {  	[smem:$0x3F9C] =	sst lr;
	_ =	strace $0xD0000000  }
0x3: {  	_ = 	snop  }
0x4: {  	_ = 	snop  }
0x5: {  	_ = 	snop  }
0x6: {  	_ = 	snop  }
0x7: {  	_ = 	snop  }
__scs_overlays_trampoline_lowered:
0x8: {  	[smem:$0x3FAB] =	sst s0  }
0x9: {  	[smem:$0x3FAC] =	sst s1  }
0xa: {  	[smem:$0x3FAD] =	sst s2  }
0xb: {  	[smem:$0x3FAE] =	sst s3  }
0xc: {  	[smem:$0x3FAF] =	sst s4  }
0xd: {  	[smem:$0x3FB0] =	sst s5  }
0xe: {  	[smem:$0x3FB1] =	sst s6  }
0xf: {  	[smem:$0x3FB2] =	sst s7  }
0x10: {  	[smem:$0x3FB3] =	sst s8  }
0x11: {  	[smem:$0x3FB4] =	sst s9;
	s0 =	simm.s32 @!p0 $0x0  }
0x12: {  	s1 =	sld [smem:$0x3F9A];
	s0 =	simm.s32 @p0 $0x1  }
0x13: {  	[smem:$0x3FB5] =	sst s0;
	s0 =	simm.s32 @!p1 $0x0  }
0x14: {  	s2 =	sld [smem:$0x3F99];
	s0 =	simm.s32 @p1 $0x1  }
0x15: {  	[smem:$0x3FB6] =	sst s0;
	s0 =	simm.s32 @!p2 $0x0  }
0x16: {  	s3 =	sld [smem:$0x3FDB];
	s0 =	simm.s32 @p2 $0x1  }
0x17: {  	s4 =	simm.s32 $0x1BF5;
	[smem:$0x3FB8] =	sst s0  }
0x18: {  	s0 =	sld [smem:$0x3F9B];
	_ =	swait.ge [sflag:s4], $0x0  }
0x19: {  	s7 =	sld [smem:$0x3F9C]  }
0x1a: {  	s8 =	sadd.s32 $0xFFFFE003, lr  }
0x1b: {  	s9 =	sadd.s32 $0xFFFFFEF7, lr;
	s5 =	simm.s32 $0xFFFFFFFF;
	p2 =	slt.u32 s8, $0xFFFFF086  }
0x1c: {  	p1 =	slt.u32 s9, $0xF7A;
	s5 =	simm.s32 @!p2 $0x0  }
0x1d: {  	s5 =	simm.s32 @p1 $0x1;
	p0 =	seq.s32 s7, s2  }
0x1e: {  	s7 =	smul.u32 @!p0 $0xF7A, s2;
	p2 =	seq.s32 @!p0 s5, $0x0  }
0x1f: {  	s9 =	smul.u32 $0xF7A, s1;
	s8 =	simm.s32 @!p0 $0x1BF5;
	p2 =	por !p2, p0  }
0x20: {  	[sflag:s8] =	ssyncset.s32 @!p0 $0xFFFFF086;
	s6 =	sadd.s32 @!p0 s3, s7;
	s7 =	simm.s32 @!p0 $0x108  }
0x21: {  	s3 =	sadd.s32 s3, s9;
	s6 =	sadd.s32 @!p0 $0x88, s6;
	s7 =	simm.s32 @p2 $0x1082  }
0x22: {  	[simem:s7], [sflag:s8] =	dma.local @!p0 [hbm:s6], $0xF7A  }
0x23: {  	s9 =	sor.u32 $0xD0000000, s2;
	s6 =	simm.s32 $0x108;
	_ =	swait.ge @!p0 [sflag:s8], $0x0  }
0x24: {  	s3 =	sadd.s32 $0x88, s3;
	s6 =	simm.s32 @!p1 $0x1082;
	[sflag:s4] =	ssyncset.s32 $0xFFFFF086  }
0x25: {  	[simem:s6], [sflag:s4] =	dma.local [hbm:s3], $0xF7A  }
0x26: {  	[smem:$0x3F9C] =	sst s1;
	(tag) =	ssettag s2;
	_ =	strace s9  }
0x27: {  	s1 =	sld [smem:$0x3FAC]  }
0x28: {  	s2 =	sld [smem:$0x3FAD]  }
0x29: {  	s4 =	sld [smem:$0x3FAF]  }
0x2a: {  	p0 =	seq.s32 s5, $0x0;
	s5 =	sld [smem:$0x3FB0]  }
0x2b: {  	s6 =	sld [smem:$0x3FB1]  }
0x2c: {  	s7 =	sld [smem:$0x3FB2]  }
0x2d: {  	s3 =	simm.s32 $0x108;
	s8 =	sld [smem:$0x3FB3]  }
0x2e: {  	s3 =	simm.s32 @!p0 $0x1082;
	s9 =	sld [smem:$0x3FB4]  }
0x2f: {  	lr =	sadd.s32 s0, s3;
	s0 =	sld [smem:$0x3FAB]  }
0x30: {  	s3 =	sld [smem:$0x3FAE]  }
0x31: {  	[smem:$0x3FB7] =	sst s10  }
0x32: {  	s10 =	sld [smem:$0x3FB5];
	_ =	sdelay $0x3  }
0x33: {  	p0 =	seq.s32 s10, $0x1;
	s10 =	sld [smem:$0x3FB7];
	_ =	sdelay $0x3  }
0x34: {  	[smem:$0x3FB7] =	sst s10  }
0x35: {  	s10 =	sld [smem:$0x3FB6];
	_ =	sdelay $0x3  }
0x36: {  	p1 =	seq.s32 s10, $0x1;
	s10 =	sld [smem:$0x3FB7];
	_ =	sdelay $0x3  }
0x37: {  	[smem:$0x3FB7] =	sst s10  }
0x38: {  	s10 =	sld [smem:$0x3FB8]  }
0x39: {  	_ = 	snop;
	(pc) =	sbr.ind lr, $3  }
0x3a: {  	_ = 	snop  }
0x3b: {  	_ = 	snop  }
0x3c: {  	p2 =	seq.s32 s10, $0x1;
	s10 =	sld [smem:$0x3FB7]  }
0x3d: {  	_ =	shalt  }
0x3e: {  	_ =	shalt  }
0x3f: {  	_ =	shalt  }
0x40: {  	_ =	shalt  }
0x41: {  	_ =	shalt  }
0x42: {  	_ =	shalt  }
0x43: {  	_ =	shalt  }
0x44: {  	_ =	shalt  }
0x45: {  	_ =	shalt  }
0x46: {  	_ =	shalt  }
0x47: {  	_ =	shalt  }
0x48: {  	_ =	shalt  }
0x49: {  	_ =	shalt  }
0x4a: {  	_ =	shalt  }
0x4b: {  	_ =	shalt  }
0x4c: {  	_ =	shalt  }
0x4d: {  	_ =	shalt  }
0x4e: {  	_ =	shalt  }
0x4f: {  	_ =	shalt  }
0x50: {  	_ =	shalt  }
0x51: {  	_ =	shalt  }
0x52: {  	_ =	shalt  }
0x53: {  	_ =	shalt  }
0x54: {  	_ =	shalt  }
0x55: {  	_ =	shalt  }
0x56: {  	_ =	shalt  }
0x57: {  	_ =	shalt  }
0x58: {  	_ =	shalt  }
0x59: {  	_ =	shalt  }
0x5a: {  	_ =	shalt  }
0x5b: {  	_ =	shalt  }
0x5c: {  	_ =	shalt  }
0x5d: {  	_ =	shalt  }
0x5e: {  	_ =	shalt  }
0x5f: {  	_ =	shalt  }
0x60: {  	_ =	shalt  }
0x61: {  	_ =	shalt  }
0x62: {  	_ =	shalt  }
0x63: {  	_ =	shalt  }
0x64: {  	_ =	shalt  }
0x65: {  	_ =	shalt  }
0x66: {  	_ =	shalt  }
0x67: {  	_ =	shalt  }
0x68: {  	_ =	shalt  }
0x69: {  	_ =	shalt  }
0x6a: {  	_ =	shalt  }
0x6b: {  	_ =	shalt  }
0x6c: {  	_ =	shalt  }
0x6d: {  	_ =	shalt  }
0x6e: {  	_ =	shalt  }
0x6f: {  	_ =	shalt  }
0x70: {  	_ =	shalt  }
0x71: {  	_ =	shalt  }
0x72: {  	_ =	shalt  }
0x73: {  	_ =	shalt  }
0x74: {  	_ =	shalt  }
0x75: {  	_ =	shalt  }
0x76: {  	_ =	shalt  }
0x77: {  	_ =	shalt  }
0x78: {  	_ =	shalt  }
0x79: {  	_ =	shalt  }
0x7a: {  	_ =	shalt  }
0x7b: {  	_ =	shalt  }
0x7c: {  	_ =	shalt  }
0x7d: {  	_ =	shalt  }
0x7e: {  	_ =	shalt  }
0x7f: {  	_ =	shalt  }
0x80: {  	_ =	shalt  }
0x81: {  	_ =	shalt  }
0x82: {  	_ =	shalt  }
0x83: {  	_ =	shalt  }
0x84: {  	_ =	shalt  }
0x85: {  	_ =	shalt  }
0x86: {  	_ =	shalt  }
0x87: {  	_ =	shalt  }
.Lfunc_end0:
.L_simem_size_0:
called_computation.1_lowered:
.L_overlay_start_0:
0x88: {  	s2 =	sld [smem:$0x3FD9]  }
0x89: {  	s3 =	sld [smem:$0x3FFE];
	_ =	sdelay $0x1  }
0x8a: {  	s1 =	srdreg.scid  }
0x8b: {  	s0 =	sand.u32 $0x1, s1  }
0x8c: {  	s17 =	sshll.u32 s0, $0xA;
	s2 =	sadd.s32 s3, s2  }
0x8d: {  	s2 =	sadd.s32 s2, s17  }
0x8e: {  	[smem:$0x3FC3] =	sst s2  }
0x8f: {  	_ = 	snop  }
0x90: {  	(tm) =	ssettm $0x1  }
0x91: {  	s18 =	sld [smem:$0x3FFB];
	_ =	sdelay $0x3  }
0x92: {  	_ =	strace s18  }
0x93: {  	s2 =	sld [smem:$0x3FFC];
	_ =	sdelay $0x3  }
0x94: {  	_ =	strace s2  }
0x95: {  	s2 =	sld [smem:$0x3FFD];
	_ =	sdelay $0x3  }
0x96: {  	_ =	strace s2  }
0x97: {  	_ =	strace $0x8FFFFFFF  }
0x98: {  	s19 =	sld [smem:$0x3FDB];
	_ =	sdelay $0x1  }
0x99: {  	s20 =	simm.s32 $_scs_section_size  }
0x9a: {  	s4 =	simm.s32 $_size__tile_overlayer_lowered;
	s5 =	simm.s32 $_tile_overlayer_lowered  }
0x9b: {  	s6 =	simm.s32 $0x1BFF;
	s21 =	sshll.u32 s5, $0x1;
	s3 =	sadd.s32 s20, s19  }
0x9c: {  	s22 =	simm.s32 $0x0;
	s4 =	sshll.u32 s4, $0x1;
	s5 =	sadd.s32 s21, s3  }
0x9d: {  	[timem:s22], [sflag:s6] =	dma.local [hbm:s5], s4  }
0x9e: {  	_ =	swait.ge [sflag:s6], s4  }
0x9f: {  	s4 =	ssub.s32 $0x0, s4;
	[sflag:s6] =	ssyncset.done $0x0  }
0xa0: {  	[sflag:s6] =	ssyncadd.s32 s4;
	_ =	sdelay $0x1  }
0xa1: {  	s23 =	simm.s32 $0x1B8B  }
0xa2: {  	_ =	swait.ge [sflag:s23], $0x1  }
0xa3: {  	[sflag:s23] =	ssyncset.done $0x0  }
0xa4: {  	[sflag:s23] =	ssyncadd.s32 $0xFFFFFFFF  }
0xa5: {  	s4 =	sld [smem:$0x0]  }
0xa6: {  	s5 =	sand.u32 $0xFFFFFFFE, s1  }
0xa7: {  	p0 =	sne.s32 s1, s5  }
0xa8: {  	s5 =	sshll.u32 @p0 s5, $0xE  }
0xa9: {  	s5 =	sadd.s32 @p0 $0x11B8D, s5;
	s6 =	sshll.u32 @p0 s4, $0x11  }
0xaa: {  	s5 =	sor.u32 @p0 s6, s5  }
0xab: {  	[sflag:s5] =	ssyncadd.remote.s32 @p0 $0x1;
	_ =	sdelay $0x1  }
0xac: {  	s5 =	simm.s32 @p0 $0x1B8D  }
0xad: {  	_ =	swait.eq @p0 [sflag:s5], $0x1  }
0xae: {  	[sflag:s5] =	ssyncadd.s32 @p0 $0xFFFFFFFF  }
0xaf: {  	s6 =	sshll.u32 @!p0 s1, $0xE  }
0xb0: {  	s6 =	sor.u32 @!p0 $0x4000, s6;
	s5 =	simm.s32 @!p0 $0x1B8D  }
0xb1: {  	s4 =	sshll.u32 @!p0 s4, $0x11;
	s6 =	sadd.s32 @!p0 $0x11B8D, s6;
	_ =	swait.eq @!p0 [sflag:s5], $0x1  }
0xb2: {  	s4 =	sor.u32 @!p0 s4, s6;
	[sflag:s5] =	ssyncadd.s32 @!p0 $0xFFFFFFFF  }
0xb3: {  	s25 =	simm.s32 $0x1B8E;
	s24 =	sld [smem:$0x3FFE];
	[sflag:s4] =	ssyncadd.remote.s32 @!p0 $0x1  }
0xb4: {  	s26 =	simm.s32 $execute0_lowered;
	[smem:$0x3FD2] =	sst s25  }
0xb5: {  	s5 =	sshll.u32 s26, $0x1;
	_ =	strace $0x80000049;
	[dreg:$0x1] =	wrdreg $0xFFFFFFFF  }
0xb6: {  	s28 =	simm.s32 $_size_execute0_lowered;
	s3 =	sadd.s32 s3, s5;
	[dreg:$0x0] =	wrdreg $0x0  }
0xb7: {  	s5 =	sshll.u32 s28, $0x1;
	[dreg:$0x2] =	wrdreg s3  }
0xb8: {  	[dreg:$0x3] =	wrdreg s5  }
0xb9: {  	[dreg:$0x4] =	wrdreg $0xC0  }
0xba: {  	_ =	task [dreg:s22], $0x5FFFF  }
0xbb: {  	[dreg:$0x1] =	wrdreg $0xFFFFFFFF  }
0xbc: {  	[dreg:$0x0] =	wrdreg $0x60  }
0xbd: {  	[dreg:$0x2] =	wrdreg s24  }
0xbe: {  	[dreg:$0x3] =	wrdreg $0xA  }
0xbf: {  	_ =	task.clear_ibuf [dreg:s22], $0x4FFFF;
	_ =	strace $0x90000049  }
0xc0: {  	s29 =	simm.s32 $0xA;
	_ =	strace $0x8000004B  }
0xc1: {  	_ =	swait.ge [sflag:s29], $0x1  }
0xc2: {  	[sflag:s29] =	ssyncadd.s32 $0xFFFFFFFF  }
0xc3: {  	_ =	strace $0x9000004B  }
0xc4: {  	_ =	sfence  }
0xc5: {  	s30 =	sld [smem:$0x0];
	_ =	sdelay $0x2  }
0xc6: {  	s31 =	sshll.u32 s1, $0xD;
	s1 =	sshrl.u32 s1, $0x2  }
0xc7: {  	s4 =	sand.u32 $0x4000, s31;
	s1 =	sadd.s32 s1, s30  }
0xc8: {  	s0 =	sor.u32 s4, s0;
	s1 =	sshll.u32 s1, $0x11  }
0xc9: {  	s0 =	sor.u32 s1, s0  }
0xca: {  	s0 =	sadd.s32 $0x8F2B, s0  }
0xcb: {  	[sflag:s0] =	ssyncadd.remote.s32 $0x1  }
0xcc: {  	_ =	sfence.sel $0xFFFF  }
0xcd: {  	[dreg:$0x0] =	wrdreg $0xFFFFFFFF;
	(pc) =	sbr.abs _section_cstart, $3  }
0xce: {  	[dreg:$0x1] =	wrdreg $0xFFFFFFFF  }
0xcf: {  	_ =	task.clear_ibuf [dreg:s22], $0x2FFFF;
	_ =	strace $0x9FFFFFFF  }
0xd0: {  	(tm) =	ssettm $0x7FFFFFFF  }
0xd1: {  	_ =	shalt  }
tec
execute0_lowered:
.L_overlay_start_1:
0x0: {  	(tag) =	ssettag $0x1  }
0x1: {  	s1 =	srdreg.scid  }
0x2: {  	s0 =	stileid.u32;
	s4 =	rddreg [dreg:$0x0];
	s2 =	simm.s32 $0x0  }
0x3: {  	s8 =	simm.s32 $0x3;
	s9 =	simm.s32 $0xC00;
	s10 =	simm.s32 $0x80  }
0x4: {  	s11 =	simm.s32 $0x1800;
	s12 =	simm.s32 $0x2800;
	s13 =	simm.s32 $0x1  }
0x5: {  	s14 =	simm.s32 $0x2;
	s3 =	sand.u32 $0x1, s1;
	s30 =	sshll.u32 s0, $0x1  }
0x6: {  	s15 =	simm.s32 $0x0;
	s1 =	rddreg [dreg:$0x1];
	s5 =	sor.u32 s3, s30  }
0x7: {  	[smem:$0x7FF] =	sst s2;
	s31 =	ssub.s32 $0x2, s3;
	s5 =	smul.u32 $0x180, s5  }
0x8: {  	_ =	strace $0x8000004A;
	s3 =	sadd.s32 $0x404E00, s4;
	s7 =	sshrl.u32 s31, $0x1  }
0x9: {  	s7 =	ssub.s32 s31, s7;
	s6 =	sadd.s32 s5, s4;
	s4 =	sadd.s32 $0x7E7E00, s4  }
0xa: {  	s7 =	smax.u32 s7, $0x1;
	s5 =	sadd.s32 $0x401E00, s6;
	s6 =	sadd.s32 $0x7E4E00, s6  }
.LBB2_1:
0xb: {  	[tilespmem:s2], [sflag:$0x3] =	stream.linear.gather [hbm4b:s5+s2], $0xC00, $0x38;
	[tilespmem:$0x3800] =	vst v63  }
0xc: {  	_ =	swait.ge [sflag:s8], $0xC00  }
0xd: {  	[sflag:s8] =	ssyncset.done $0x0  }
0xe: {  	[sflag:s8] =	ssyncadd.s32 $0xFFFFF400  }
0xf: {  	[tilespmem:s9], [sflag:$0x3] =	stream.linear.gather [hbm4b:s6+s2], $0xC00, $0x38;
	[tilespmem:$0x3800] =	vst v63  }
0x10: {  	_ =	swait.ge [sflag:s8], $0xC00  }
0x11: {  	[sflag:s8] =	ssyncset.done $0x0  }
0x12: {  	[sflag:s8] =	ssyncadd.s32 $0xFFFFF400  }
0x13: {  	[tilespmem:s11], [sflag:$0x1] =	stream.indirect.gather [hbm4b:s3+s10], $0x20, s2, s10, $0xb8;
	[tilespmem:$0x3800] =	vst v63  }
0x14: {  	_ =	swait.ge [sflag:s13], $0x1000  }
0x15: {  	[sflag:s13] =	ssyncset.done $0x0  }
0x16: {  	[sflag:s13] =	ssyncadd.s32 $0xFFFFF000  }
0x17: {  	[tilespmem:s12], [sflag:$0x1] =	stream.indirect.gather [hbm4b:s3+s10], $0x20, s10, s10, $0xb8;
	[tilespmem:$0x3800] =	vst v63  }
0x18: {  	s16 =	simm.s32 $0x1  }
0x19: {  	[hbm4b:s4+s10] =	stream.indirect.scatter [tilespmem:s11], [sflag:$0x2], $0x20, s9, s10, $0xb8;
	[tilespmem:$0x3800] =	vst v63  }
.LBB2_2:
0x1a: {  	_ =	swait.ge [sflag:s13], $0x1000  }
0x1b: {  	s17 =	smov.u32 s16;
	p0 =	seq.s32 s16, $0x17;
	[sflag:s13] =	ssyncset.done $0x0  }
0x1c: {  	s16 =	sadd.s32 @!p0 $0x1, s16;
	s20 =	simm.s32 @!p0 $0x80;
	[sflag:s13] =	ssyncadd.s32 $0xFFFFF000  }
0x1d: {  	s18 =	sshll.u32 @!p0 s16, $0xC;
	s19 =	sshll.u32 @!p0 s16, $0x7;
	_ =	swait.ge [sflag:s14], $0x1000  }
0x1e: {  	s16 =	simm.s32 @p0 $0x18;
	s18 =	sand.u32 @!p0 $0x1000, s18;
	[sflag:s14] =	ssyncset.done $0x0  }
0x1f: {  	s19 =	sand.u32 @!p0 $0x3FFFFF80, s19;
	s18 =	sadd.s32 @!p0 $0x1800, s18;
	[sflag:s14] =	ssyncadd.s32 $0xFFFFF000  }
0x20: {  	[tilespmem:s18], [sflag:$0x1] =	stream.indirect.gather @!p0 [hbm4b:s3+s20], $0x20, s19, s20, $0xb8;
	[tilespmem:$0x3800] =	vst v63  }
0x21: {  	p0 =	sne.s32 s16, $0x18  }
.Ltmp0:
0x22: {  	_ = 	snop;
	(pc) =	sbr.rel @p0 .LBB2_2-.Ltmp0, $4  }
0x23: {  	s31 =	sshll.u32 s17, $0xC;
	s17 =	sshll.u32 s17, $0x7  }
0x24: {  	s17 =	sand.u32 $0x3FFFFF80, s17;
	s18 =	sand.u32 $0x1000, s31  }
0x25: {  	s17 =	sadd.s32 $0xC00, s17;
	s18 =	sadd.s32 $0x1800, s18  }
0x26: {  	[hbm4b:s4+s10] =	stream.indirect.scatter [tilespmem:s18], [sflag:$0x2], $0x20, s17, s10, $0xb8;
	[tilespmem:$0x3800] =	vst v63  }
0x27: {  	s15 =	sadd.s32 $0x1, s15  }
0x28: {  	p0 =	sne.s32 s15, s7  }
.Ltmp1:
0x29: {  	_ = 	snop;
	(pc) =	sbr.rel @p0 .LBB2_1-.Ltmp1, $4  }
0x2a: {  	_ = 	snop  }
0x2b: {  	_ =	swait.ge [sflag:s14], $0x1000  }
0x2c: {  	[sflag:s14] =	ssyncset.done $0x0  }
0x2d: {  	[sflag:s14] =	ssyncadd.s32 $0xFFFFF000  }
0x2e: {  	_ =	sfence.sel $0x180000  }
0x2f: {  	[bflag:$0x0] =	sbarrier.arrive $0xFFFF  }
0x30: {  	p0 =	sne.s32 s0, $0x0;
	_ =	strace $0x9000004A  }
0x31: {  	s0 =	sadd.s32 @!p0 $0x100000, s1;
	[bflag:$0x2] =	sbarrier.arrive $0xFFFF  }
0x32: {  	[sflag:s0] =	ssyncadd.tile.s32 @!p0 $0x1;
	_ =	shalt  }
.Lfunc_end2:
_tile_overlayer_lowered:
.L_overlay_start_2:
0x33: {  	(tag) =	ssettag $0x2  }
0x34: {  	s0 =	rddreg [dreg:$0x0];
	s2 =	stileid.u32  }
0x35: {  	s1 =	rddreg [dreg:$0x1];
	p0 =	sne.s32 s2, $0x0  }
0x36: {  	s3 =	rddreg [dreg:$0x2];
	[bflag:$0x3] =	sbarrier.arrive $0xFFFF;
	s2 =	simm.s32 @!p0 $0x1C03  }
0x37: {  	[timem:s3], [sflag:s2] =	dma.local @!p0 [hbm:s0], s1  }
0x38: {  	s0 =	simm.s32 @!p0 $0x3  }
0x39: {  	_ =	swait.ge @!p0 [sflag:s0], s1  }
0x3a: {  	s1 =	ssub.s32 @!p0 $0x0, s1;
	[sflag:s0] =	ssyncset.done @!p0 $0x0  }
0x3b: {  	[sflag:s0] =	ssyncadd.s32 @!p0 s1  }
0x3c: {  	[bflag:$0x3] =	sbarrier.arrive $0xFFFF  }
0x3d: {  	_ =	shalt  }

// kernel: kernel.7.cloned.1.call-start
scs
__scs_entry_jumppad:
0x0: {  	(pc) =	sbr.rel $0x88, $3  }
0x1: {  	(tag) =	ssettag $0x0;
	lr =	simm.s32 $0x1  }
0x2: {  	[smem:$0x3F9C] =	sst lr;
	_ =	strace $0xD0000000  }
0x3: {  	_ = 	snop  }
0x4: {  	_ = 	snop  }
0x5: {  	_ = 	snop  }
0x6: {  	_ = 	snop  }
0x7: {  	_ = 	snop  }
__scs_overlays_trampoline_lowered:
0x8: {  	[smem:$0x3FAB] =	sst s0  }
0x9: {  	[smem:$0x3FAC] =	sst s1  }
0xa: {  	[smem:$0x3FAD] =	sst s2  }
0xb: {  	[smem:$0x3FAE] =	sst s3  }
0xc: {  	[smem:$0x3FAF] =	sst s4  }
0xd: {  	[smem:$0x3FB0] =	sst s5  }
0xe: {  	[smem:$0x3FB1] =	sst s6  }
0xf: {  	[smem:$0x3FB2] =	sst s7  }
0x10: {  	[smem:$0x3FB3] =	sst s8  }
0x11: {  	[smem:$0x3FB4] =	sst s9;
	s0 =	simm.s32 @!p0 $0x0  }
0x12: {  	s1 =	sld [smem:$0x3F9A];
	s0 =	simm.s32 @p0 $0x1  }
0x13: {  	[smem:$0x3FB5] =	sst s0;
	s0 =	simm.s32 @!p1 $0x0  }
0x14: {  	s2 =	sld [smem:$0x3F99];
	s0 =	simm.s32 @p1 $0x1  }
0x15: {  	[smem:$0x3FB6] =	sst s0;
	s0 =	simm.s32 @!p2 $0x0  }
0x16: {  	s3 =	sld [smem:$0x3FDB];
	s0 =	simm.s32 @p2 $0x1  }
0x17: {  	s4 =	simm.s32 $0x1BF5;
	[smem:$0x3FB8] =	sst s0  }
0x18: {  	s0 =	sld [smem:$0x3F9B];
	_ =	swait.ge [sflag:s4], $0x0  }
0x19: {  	s7 =	sld [smem:$0x3F9C]  }
0x1a: {  	s8 =	sadd.s32 $0xFFFFE003, lr  }
0x1b: {  	s9 =	sadd.s32 $0xFFFFFEF7, lr;
	s5 =	simm.s32 $0xFFFFFFFF;
	p2 =	slt.u32 s8, $0xFFFFF086  }
0x1c: {  	p1 =	slt.u32 s9, $0xF7A;
	s5 =	simm.s32 @!p2 $0x0  }
0x1d: {  	s5 =	simm.s32 @p1 $0x1;
	p0 =	seq.s32 s7, s2  }
0x1e: {  	s7 =	smul.u32 @!p0 $0xF7A, s2;
	p2 =	seq.s32 @!p0 s5, $0x0  }
0x1f: {  	s9 =	smul.u32 $0xF7A, s1;
	s8 =	simm.s32 @!p0 $0x1BF5;
	p2 =	por !p2, p0  }
0x20: {  	[sflag:s8] =	ssyncset.s32 @!p0 $0xFFFFF086;
	s6 =	sadd.s32 @!p0 s3, s7;
	s7 =	simm.s32 @!p0 $0x108  }
0x21: {  	s3 =	sadd.s32 s3, s9;
	s6 =	sadd.s32 @!p0 $0x88, s6;
	s7 =	simm.s32 @p2 $0x1082  }
0x22: {  	[simem:s7], [sflag:s8] =	dma.local @!p0 [hbm:s6], $0xF7A  }
0x23: {  	s9 =	sor.u32 $0xD0000000, s2;
	s6 =	simm.s32 $0x108;
	_ =	swait.ge @!p0 [sflag:s8], $0x0  }
0x24: {  	s3 =	sadd.s32 $0x88, s3;
	s6 =	simm.s32 @!p1 $0x1082;
	[sflag:s4] =	ssyncset.s32 $0xFFFFF086  }
0x25: {  	[simem:s6], [sflag:s4] =	dma.local [hbm:s3], $0xF7A  }
0x26: {  	[smem:$0x3F9C] =	sst s1;
	(tag) =	ssettag s2;
	_ =	strace s9  }
0x27: {  	s1 =	sld [smem:$0x3FAC]  }
0x28: {  	s2 =	sld [smem:$0x3FAD]  }
0x29: {  	s4 =	sld [smem:$0x3FAF]  }
0x2a: {  	p0 =	seq.s32 s5, $0x0;
	s5 =	sld [smem:$0x3FB0]  }
0x2b: {  	s6 =	sld [smem:$0x3FB1]  }
0x2c: {  	s7 =	sld [smem:$0x3FB2]  }
0x2d: {  	s3 =	simm.s32 $0x108;
	s8 =	sld [smem:$0x3FB3]  }
0x2e: {  	s3 =	simm.s32 @!p0 $0x1082;
	s9 =	sld [smem:$0x3FB4]  }
0x2f: {  	lr =	sadd.s32 s0, s3;
	s0 =	sld [smem:$0x3FAB]  }
0x30: {  	s3 =	sld [smem:$0x3FAE]  }
0x31: {  	[smem:$0x3FB7] =	sst s10  }
0x32: {  	s10 =	sld [smem:$0x3FB5];
	_ =	sdelay $0x3  }
0x33: {  	p0 =	seq.s32 s10, $0x1;
	s10 =	sld [smem:$0x3FB7];
	_ =	sdelay $0x3  }
0x34: {  	[smem:$0x3FB7] =	sst s10  }
0x35: {  	s10 =	sld [smem:$0x3FB6];
	_ =	sdelay $0x3  }
0x36: {  	p1 =	seq.s32 s10, $0x1;
	s10 =	sld [smem:$0x3FB7];
	_ =	sdelay $0x3  }
0x37: {  	[smem:$0x3FB7] =	sst s10  }
0x38: {  	s10 =	sld [smem:$0x3FB8]  }
0x39: {  	_ = 	snop;
	(pc) =	sbr.ind lr, $3  }
0x3a: {  	_ = 	snop  }
0x3b: {  	_ = 	snop  }
0x3c: {  	p2 =	seq.s32 s10, $0x1;
	s10 =	sld [smem:$0x3FB7]  }
0x3d: {  	_ =	shalt  }
0x3e: {  	_ =	shalt  }
0x3f: {  	_ =	shalt  }
0x40: {  	_ =	shalt  }
0x41: {  	_ =	shalt  }
0x42: {  	_ =	shalt  }
0x43: {  	_ =	shalt  }
0x44: {  	_ =	shalt  }
0x45: {  	_ =	shalt  }
0x46: {  	_ =	shalt  }
0x47: {  	_ =	shalt  }
0x48: {  	_ =	shalt  }
0x49: {  	_ =	shalt  }
0x4a: {  	_ =	shalt  }
0x4b: {  	_ =	shalt  }
0x4c: {  	_ =	shalt  }
0x4d: {  	_ =	shalt  }
0x4e: {  	_ =	shalt  }
0x4f: {  	_ =	shalt  }
0x50: {  	_ =	shalt  }
0x51: {  	_ =	shalt  }
0x52: {  	_ =	shalt  }
0x53: {  	_ =	shalt  }
0x54: {  	_ =	shalt  }
0x55: {  	_ =	shalt  }
0x56: {  	_ =	shalt  }
0x57: {  	_ =	shalt  }
0x58: {  	_ =	shalt  }
0x59: {  	_ =	shalt  }
0x5a: {  	_ =	shalt  }
0x5b: {  	_ =	shalt  }
0x5c: {  	_ =	shalt  }
0x5d: {  	_ =	shalt  }
0x5e: {  	_ =	shalt  }
0x5f: {  	_ =	shalt  }
0x60: {  	_ =	shalt  }
0x61: {  	_ =	shalt  }
0x62: {  	_ =	shalt  }
0x63: {  	_ =	shalt  }
0x64: {  	_ =	shalt  }
0x65: {  	_ =	shalt  }
0x66: {  	_ =	shalt  }
0x67: {  	_ =	shalt  }
0x68: {  	_ =	shalt  }
0x69: {  	_ =	shalt  }
0x6a: {  	_ =	shalt  }
0x6b: {  	_ =	shalt  }
0x6c: {  	_ =	shalt  }
0x6d: {  	_ =	shalt  }
0x6e: {  	_ =	shalt  }
0x6f: {  	_ =	shalt  }
0x70: {  	_ =	shalt  }
0x71: {  	_ =	shalt  }
0x72: {  	_ =	shalt  }
0x73: {  	_ =	shalt  }
0x74: {  	_ =	shalt  }
0x75: {  	_ =	shalt  }
0x76: {  	_ =	shalt  }
0x77: {  	_ =	shalt  }
0x78: {  	_ =	shalt  }
0x79: {  	_ =	shalt  }
0x7a: {  	_ =	shalt  }
0x7b: {  	_ =	shalt  }
0x7c: {  	_ =	shalt  }
0x7d: {  	_ =	shalt  }
0x7e: {  	_ =	shalt  }
0x7f: {  	_ =	shalt  }
0x80: {  	_ =	shalt  }
0x81: {  	_ =	shalt  }
0x82: {  	_ =	shalt  }
0x83: {  	_ =	shalt  }
0x84: {  	_ =	shalt  }
0x85: {  	_ =	shalt  }
0x86: {  	_ =	shalt  }
0x87: {  	_ =	shalt  }
.Lfunc_end0:
.L_simem_size_0:
called_computation_lowered:
.L_overlay_start_0:
0x88: {  	s2 =	sld [smem:$0x3FD9]  }
0x89: {  	s3 =	sld [smem:$0x3FFE];
	_ =	sdelay $0x1  }
0x8a: {  	s1 =	srdreg.scid  }
0x8b: {  	s0 =	sand.u32 $0x1, s1  }
0x8c: {  	s17 =	sshll.u32 s0, $0xA;
	s2 =	sadd.s32 s3, s2  }
0x8d: {  	s2 =	sadd.s32 s2, s17  }
0x8e: {  	[smem:$0x3FC3] =	sst s2  }
0x8f: {  	_ = 	snop  }
0x90: {  	s2 =	sld [smem:$0x3FC8]  }
0x91: {  	s18 =	sld [smem:$0x3FD0];
	(tm) =	ssettm $0x1  }
0x92: {  	s4 =	sld [smem:$0x3FFB];
	_ =	sdelay $0x3  }
0x93: {  	_ =	strace s4  }
0x94: {  	s4 =	sld [smem:$0x3FFC];
	_ =	sdelay $0x3  }
0x95: {  	_ =	strace s4  }
0x96: {  	s4 =	sld [smem:$0x3FFD];
	_ =	sdelay $0x3  }
0x97: {  	_ =	strace s4  }
0x98: {  	_ =	strace $0x8FFFFFFF  }
0x99: {  	s19 =	sld [smem:$0x3FDB];
	_ =	sdelay $0x1  }
0x9a: {  	s5 =	simm.s32 $_scs_section_size  }
0x9b: {  	s6 =	simm.s32 $_size__tile_overlayer_lowered;
	s7 =	simm.s32 $_tile_overlayer_lowered  }
0x9c: {  	s22 =	simm.s32 $0x1BFF;
	s21 =	sshll.u32 s7, $0x1;
	s4 =	sadd.s32 s5, s19  }
0x9d: {  	s8 =	simm.s32 $0x0;
	s20 =	sshll.u32 s6, $0x1;
	s6 =	sadd.s32 s21, s4  }
0x9e: {  	[timem:s8], [sflag:s22] =	dma.local [hbm:s6], s20  }
0x9f: {  	_ =	swait.ge [sflag:s22], s20  }
0xa0: {  	s5 =	ssub.s32 $0x0, s20;
	[sflag:s22] =	ssyncset.done $0x0  }
0xa1: {  	[sflag:s22] =	ssyncadd.s32 s5;
	_ =	sdelay $0x1  }
0xa2: {  	s23 =	simm.s32 $0x1B8B  }
0xa3: {  	_ =	swait.ge [sflag:s23], $0x1  }
0xa4: {  	[sflag:s23] =	ssyncset.done $0x0  }
0xa5: {  	s25 =	simm.s32 $0x1B8E;
	s24 =	sld [smem:$0x3FFE];
	[sflag:s23] =	ssyncadd.s32 $0xFFFFFFFF  }
0xa6: {  	s26 =	simm.s32 $execute0_lowered;
	[smem:$0x3FD2] =	sst s25  }
0xa7: {  	s6 =	sshll.u32 s26, $0x1;
	_ =	strace $0x80000046;
	[dreg:$0x1] =	wrdreg $0xFFFFFFFF  }
0xa8: {  	s28 =	simm.s32 $_size_execute0_lowered;
	s4 =	sadd.s32 s4, s6;
	[dreg:$0x0] =	wrdreg $0x0  }
0xa9: {  	s6 =	sshll.u32 s28, $0x1;
	[dreg:$0x2] =	wrdreg s4  }
0xaa: {  	[dreg:$0x3] =	wrdreg s6  }
0xab: {  	[dreg:$0x4] =	wrdreg $0xC0  }
0xac: {  	_ =	task [dreg:s8], $0x5FFFF  }
0xad: {  	[dreg:$0x1] =	wrdreg $0xFFFFFFFF  }
0xae: {  	[dreg:$0x0] =	wrdreg $0x60  }
0xaf: {  	[dreg:$0x2] =	wrdreg s18  }
0xb0: {  	[dreg:$0x3] =	wrdreg s2  }
0xb1: {  	[dreg:$0x4] =	wrdreg s24  }
0xb2: {  	[dreg:$0x5] =	wrdreg $0x114800  }
0xb3: {  	[dreg:$0x6] =	wrdreg $0x94800  }
0xb4: {  	[dreg:$0x7] =	wrdreg $0x9  }
0xb5: {  	_ =	task.clear_ibuf [dreg:s8], $0x8FFFF;
	_ =	strace $0x90000046  }
0xb6: {  	s29 =	simm.s32 $0x9;
	_ =	strace $0x80000048  }
0xb7: {  	_ =	swait.ge [sflag:s29], $0x1  }
0xb8: {  	[sflag:s29] =	ssyncadd.s32 $0xFFFFFFFF  }
0xb9: {  	_ =	strace $0x90000048  }
0xba: {  	_ =	sfence  }
0xbb: {  	s30 =	sld [smem:$0x0];
	_ =	sdelay $0x2  }
0xbc: {  	s31 =	sshll.u32 s1, $0xD;
	s1 =	sshrl.u32 s1, $0x2  }
0xbd: {  	s3 =	sand.u32 $0x4000, s31;
	s1 =	sadd.s32 s1, s30  }
0xbe: {  	s0 =	sor.u32 s3, s0;
	s1 =	sshll.u32 s1, $0x11  }
0xbf: {  	s0 =	sor.u32 s1, s0  }
0xc0: {  	s0 =	sadd.s32 $0x8F2B, s0  }
0xc1: {  	[sflag:s0] =	ssyncadd.remote.s32 $0x1  }
0xc2: {  	_ =	sfence.sel $0xFFFF  }
0xc3: {  	[dreg:$0x0] =	wrdreg $0xFFFFFFFF;
	(pc) =	sbr.abs _section_cstart, $3  }
0xc4: {  	[dreg:$0x1] =	wrdreg $0xFFFFFFFF  }
0xc5: {  	_ =	task.clear_ibuf [dreg:s8], $0x2FFFF;
	_ =	strace $0x9FFFFFFF  }
0xc6: {  	(tm) =	ssettm $0x7FFFFFFF  }
0xc7: {  	_ =	shalt  }
tec
execute0_lowered:
.L_overlay_start_1:
0x0: {  	(tag) =	ssettag $0x1  }
0x1: {  	s0 =	rddreg [dreg:$0x0]  }
0x2: {  	s7 =	rddreg [dreg:$0x2]  }
0x3: {  	s2 =	rddreg [dreg:$0x3]  }
0x4: {  	s4 =	rddreg [dreg:$0x4];
	s6 =	srdreg.scid  }
0x5: {  	s5 =	simm.s32 $0x0;
	s1 =	stileid.u32;
	s28 =	simm.s32 $0x7000  }
0x6: {  	s29 =	simm.s32 $0x0;
	s17 =	sand.u32 $0x1, s6;
	[smem:$0x7FF] =	sst s5  }
0x7: {  	s8 =	sshll.u32 s1, $0xA;
	s6 =	sadd.s32 $0xE00, s7;
	s18 =	sadd.s32 $0x3E1E00, s7  }
0x8: {  	s14 =	sshll.u32 s1, $0xF;
	s30 =	sshll.u32 s1, $0xD;
	s9 =	sshll.u32 s17, $0xE  }
0x9: {  	_ =	strace $0x80000047;
	s10 =	ssub.s32 $0x2, s17;
	s23 =	sshll.u32 s17, $0x9  }
0xa: {  	s25 =	sor.u32 $0x2000, s14;
	s15 =	sor.u32 $0x4000, s14;
	s20 =	sor.u32 $0x6000, s14  }
0xb: {  	s21 =	sshll.u32 s17, $0x13;
	s31 =	sshll.u32 s17, $0xC;
	s9 =	sor.u32 s8, s9  }
0xc: {  	s22 =	sshrl.u32 s10, $0x1;
	s24 =	sor.u32 s23, s8;
	s8 =	sadd.s32 s8, s2  }
0xd: {  	s11 =	sadd.s32 s15, s4;
	s12 =	sadd.s32 s20, s4;
	s15 =	sor.u32 s21, s15  }
0xe: {  	s26 =	sor.u32 s21, s20;
	s20 =	simm.s32 $0x2;
	s23 =	simm.s32 $0x7080  }
0xf: {  	s9 =	sshrl.u32 s9, $0x3;
	s19 =	ssub.s32 s10, s22;
	s10 =	sadd.s32 s25, s4  }
0x10: {  	s16 =	sshrl.u32 s15, $0x3;
	s22 =	simm.s32 $0x9080;
	s13 =	sadd.s32 s9, s7  }
0x11: {  	s7 =	sadd.s32 s0, s24;
	s9 =	sadd.s32 s14, s4;
	s14 =	sor.u32 s14, s21  }
0x12: {  	v3 =	vimm.s32 $0x2000;
	s0 =	sor.u32 s21, s25;
	s16 =	sadd.s32 s18, s16;
	s21 =	simm.s32 $0x4000  }
0x13: {  	s24 =	simm.s32 $0x80;
	s25 =	simm.s32 $0x6000;
	s14 =	sshrl.u32 s14, $0x3  }
0x14: {  	s13 =	sadd.s32 $0x3E0E00, s13;
	s0 =	sshrl.u32 s0, $0x3;
	s14 =	sadd.s32 s18, s14  }
0x15: {  	s15 =	sadd.s32 s18, s0;
	s0 =	sshrl.u32 s26, $0x3;
	s26 =	simm.s32 $0x1  }
0x16: {  	v0 =	vimm.f32 $0.0e+00;
	v1 =	vimm.f32 $1.000000000e+00;
	v2 =	vlaneseq.u32;
	s17 =	sadd.s32 s18, s0;
	s18 =	smax.u32 s19, $0x1;
	s19 =	sor.u32 s31, s30  }
.LBB2_1:
0x17: {  	s0 =	rddreg [dreg:$0x1]  }
0x18: {  	[tilespmem:s5], [sflag:$0x2] =	stream.linear.gather [hbm4b:s0+s5], $0x4000, $0x38;
	[tilespmem:$0x11880] =	vst v63  }
0x19: {  	_ =	swait.ge [sflag:s20], $0x4000  }
0x1a: {  	[sflag:s20] =	ssyncset.done $0x0  }
0x1b: {  	[sflag:s20] =	ssyncadd.s32 $0xFFFFC000  }
0x1c: {  	[tilespmem:s21], [sflag:$0x2] =	stream.linear.gather [hbm4b:s7+s5], $0x1000, $0x38;
	[tilespmem:$0x11880] =	vst v63  }
0x1d: {  	_ =	swait.ge [sflag:s20], $0x1000  }
0x1e: {  	[sflag:s20] =	ssyncset.done $0x0  }
0x1f: {  	[sflag:s20] =	ssyncadd.s32 $0xFFFFF000  }
0x20: {  	[tilespmem:$0x9080] =	vst v0  }
0x21: {  	[tilespmem:$0x9090] =	vst v0  }
0x22: {  	[tilespmem:$0x90A0] =	vst v0  }
0x23: {  	[tilespmem:$0x90B0] =	vst v0  }
0x24: {  	[tilespmem:$0x90C0] =	vst v0  }
0x25: {  	[tilespmem:$0x90D0] =	vst v0  }
0x26: {  	[tilespmem:$0x90E0] =	vst v0  }
0x27: {  	[tilespmem:$0x90F0] =	vst v0  }
0x28: {  	[tilespmem:$0x9100] =	vst v0  }
0x29: {  	[tilespmem:$0x9110] =	vst v0  }
0x2a: {  	[tilespmem:$0x9120] =	vst v0  }
0x2b: {  	[tilespmem:$0x9130] =	vst v0  }
0x2c: {  	[tilespmem:$0x9140] =	vst v0  }
0x2d: {  	[tilespmem:$0x9150] =	vst v0  }
0x2e: {  	[tilespmem:$0x9160] =	vst v0  }
0x2f: {  	[tilespmem:$0x9170] =	vst v0  }
0x30: {  	[tilespmem:$0x9180] =	vst v0  }
0x31: {  	[tilespmem:$0x9190] =	vst v0  }
0x32: {  	[tilespmem:$0x91A0] =	vst v0  }
0x33: {  	[tilespmem:$0x91B0] =	vst v0  }
0x34: {  	[tilespmem:$0x91C0] =	vst v0  }
0x35: {  	[tilespmem:$0x91D0] =	vst v0  }
0x36: {  	[tilespmem:$0x91E0] =	vst v0  }
0x37: {  	[tilespmem:$0x91F0] =	vst v0  }
0x38: {  	[tilespmem:$0x9200] =	vst v0  }
0x39: {  	[tilespmem:$0x9210] =	vst v0  }
0x3a: {  	[tilespmem:$0x9220] =	vst v0  }
0x3b: {  	[tilespmem:$0x9230] =	vst v0  }
0x3c: {  	[tilespmem:$0x9240] =	vst v0  }
0x3d: {  	[tilespmem:$0x9250] =	vst v0  }
0x3e: {  	[tilespmem:$0x9260] =	vst v0  }
0x3f: {  	[tilespmem:$0x9270] =	vst v0  }
0x40: {  	[tilespmem:$0x9280] =	vst v0  }
0x41: {  	[tilespmem:$0x9290] =	vst v0  }
0x42: {  	[tilespmem:$0x92A0] =	vst v0  }
0x43: {  	[tilespmem:$0x92B0] =	vst v0  }
0x44: {  	[tilespmem:$0x92C0] =	vst v0  }
0x45: {  	[tilespmem:$0x92D0] =	vst v0  }
0x46: {  	[tilespmem:$0x92E0] =	vst v0  }
0x47: {  	[tilespmem:$0x92F0] =	vst v0  }
0x48: {  	[tilespmem:$0x9300] =	vst v0  }
0x49: {  	[tilespmem:$0x9310] =	vst v0  }
0x4a: {  	[tilespmem:$0x9320] =	vst v0  }
0x4b: {  	[tilespmem:$0x9330] =	vst v0  }
0x4c: {  	[tilespmem:$0x9340] =	vst v0  }
0x4d: {  	[tilespmem:$0x9350] =	vst v0  }
0x4e: {  	[tilespmem:$0x9360] =	vst v0  }
0x4f: {  	[tilespmem:$0x9370] =	vst v0  }
0x50: {  	[tilespmem:$0x9380] =	vst v0  }
0x51: {  	[tilespmem:$0x9390] =	vst v0  }
0x52: {  	[tilespmem:$0x93A0] =	vst v0  }
0x53: {  	[tilespmem:$0x93B0] =	vst v0  }
0x54: {  	[tilespmem:$0x93C0] =	vst v0  }
0x55: {  	[tilespmem:$0x93D0] =	vst v0  }
0x56: {  	[tilespmem:$0x93E0] =	vst v0  }
0x57: {  	[tilespmem:$0x93F0] =	vst v0  }
0x58: {  	[tilespmem:$0x9400] =	vst v0  }
0x59: {  	[tilespmem:$0x9410] =	vst v0  }
0x5a: {  	[tilespmem:$0x9420] =	vst v0  }
0x5b: {  	[tilespmem:$0x9430] =	vst v0  }
0x5c: {  	[tilespmem:$0x9440] =	vst v0  }
0x5d: {  	[tilespmem:$0x9450] =	vst v0  }
0x5e: {  	[tilespmem:$0x9460] =	vst v0  }
0x5f: {  	s30 =	simm.s32 $0x0;
	s0 =	simm.s32 $0x80;
	[tilespmem:$0x9470] =	vst v0  }
.LBB2_2:
0x60: {  	p0 =	sne.s32 s0, $0x7F80;
	[tilespmem:s30+$0x7080] =	vst v0;
	s31 =	smov.u32 s0;
	s0 =	sadd.s32 $0x80, s0  }
.Ltmp0:
0x61: {  	[tilespmem:s30+$0x7090] =	vst v0;
	(pc) =	sbr.rel @p0 .LBB2_2-.Ltmp0, $2  }
0x62: {  	_ =	sdelay $0x2  }
0x63: {  	s30 =	sshra.s32 s31, $0x2  }
0x64: {  	[tilespmem:s30+$0x7080] =	vst v0  }
0x65: {  	[tilespmem:s30+$0x7090] =	vst v0  }
0x66: {  	[tilespmem:$0x7000] =	vst v1  }
0x67: {  	[tilespmem:$0x7010] =	vst v1  }
0x68: {  	[tilespmem:$0x7020] =	vst v1  }
0x69: {  	[tilespmem:$0x7030] =	vst v1  }
0x6a: {  	[tilespmem:$0x7040] =	vst v1  }
0x6b: {  	[tilespmem:$0x7050] =	vst v1  }
0x6c: {  	[tilespmem:$0x7060] =	vst v1  }
0x6d: {  	[tilespmem:$0x7070] =	vst v1  }
0x6e: {  	[spmem:s8] =	stream.linear.scatter [tilespmem:s22], [sflag:$0x2], $0x400, $0x38;
	[tilespmem:$0x11880] =	vst v63  }
0x6f: {  	_ =	swait.ge [sflag:s20], $0x400  }
0x70: {  	[sflag:s20] =	ssyncset.done $0x0  }
0x71: {  	[sflag:s20] =	ssyncadd.s32 $0xFFFFFC00  }
0x72: {  	[spmem:s9] =	stream.linear.scatter [tilespmem:s23], [sflag:$0x2], $0x2000, $0x38;
	[tilespmem:$0x11880] =	vst v63  }
0x73: {  	_ =	swait.ge [sflag:s20], $0x2000  }
0x74: {  	[sflag:s20] =	ssyncset.done $0x0  }
0x75: {  	[sflag:s20] =	ssyncadd.s32 $0xFFFFE000  }
0x76: {  	[spmem:s10] =	stream.linear.scatter [tilespmem:s23], [sflag:$0x2], $0x2000, $0x38;
	[tilespmem:$0x11880] =	vst v63  }
0x77: {  	_ =	swait.ge [sflag:s20], $0x2000  }
0x78: {  	[sflag:s20] =	ssyncset.done $0x0  }
0x79: {  	[sflag:s20] =	ssyncadd.s32 $0xFFFFE000  }
0x7a: {  	[spmem:s11] =	stream.linear.scatter [tilespmem:s23], [sflag:$0x2], $0x2000, $0x38;
	[tilespmem:$0x11880] =	vst v63  }
0x7b: {  	_ =	swait.ge [sflag:s20], $0x2000  }
0x7c: {  	[sflag:s20] =	ssyncset.done $0x0  }
0x7d: {  	[sflag:s20] =	ssyncadd.s32 $0xFFFFE000  }
0x7e: {  	[spmem:s12] =	stream.linear.scatter [tilespmem:s23], [sflag:$0x2], $0x2000, $0x38;
	[tilespmem:$0x11880] =	vst v63  }
0x7f: {  	_ =	swait.ge [sflag:s20], $0x2000  }
0x80: {  	[sflag:s20] =	ssyncset.done $0x0  }
0x81: {  	s30 =	simm.s32 $0x0;
	s31 =	simm.s32 $0x5040;
	[sflag:s20] =	ssyncadd.s32 $0xFFFFE000  }
.LBB2_4:
0x82: {  	v4 =	vld.idx.msk [tilespmem:v3+s5+$0x0], $0xffff;
	_ =	sdelay $0x2  }
0x83: {  	s0 =	sadd.s32 s30, s19  }
0x84: {  	v5 =	vor.u32 s0, v2  }
0x85: {  	vm0 =	vgt.s32 v4, v5  }
0x86: {  	v4 =	vsel vm0, $0x0, v3  }
0x87: {  	v6 =	vor.u32 $0x1000, v4;
	_ =	sdelay $0x4  }
0x88: {  	v7 =	vld.idx.msk [tilespmem:v6+s5+$0x0], $0xffff;
	_ =	sdelay $0x4  }
0x89: {  	vm13 =	vgt.s32 v7, v5  }
0x8a: {  	v4 =	vsel vm13, v4, v6  }
0x8b: {  	v6 =	vor.u32 $0x800, v4;
	_ =	sdelay $0x4  }
0x8c: {  	v9 =	vld.idx.msk [tilespmem:v6+s5+$0x0], $0xffff;
	_ =	sdelay $0x4  }
0x8d: {  	vm14 =	vgt.s32 v9, v5  }
0x8e: {  	v4 =	vsel vm14, v4, v6  }
0x8f: {  	v6 =	vor.u32 $0x400, v4;
	_ =	sdelay $0x4  }
0x90: {  	v10 =	vld.idx.msk [tilespmem:v6+s5+$0x0], $0xffff;
	_ =	sdelay $0x4  }
0x91: {  	vm15 =	vgt.s32 v10, v5  }
0x92: {  	v4 =	vsel vm15, v4, v6  }
0x93: {  	v6 =	vadd.s32 $0x200, v4;
	_ =	sdelay $0x4  }
0x94: {  	v11 =	vld.idx.msk [tilespmem:v6+s5+$0x0], $0xffff;
	_ =	sdelay $0x4  }
0x95: {  	vm4 =	vgt.s32 v11, v5  }
0x96: {  	v4 =	vsel vm4, v4, v6  }
0x97: {  	v6 =	vadd.s32 $0x100, v4;
	_ =	sdelay $0x4  }
0x98: {  	v12 =	vld.idx.msk [tilespmem:v6+s5+$0x0], $0xffff;
	_ =	sdelay $0x4  }
0x99: {  	vm5 =	vgt.s32 v12, v5  }
0x9a: {  	v4 =	vsel vm5, v4, v6  }
0x9b: {  	v6 =	vadd.s32 $0x80, v4;
	_ =	sdelay $0x4  }
0x9c: {  	v13 =	vld.idx.msk [tilespmem:v6+s5+$0x0], $0xffff;
	_ =	sdelay $0x4  }
0x9d: {  	vm6 =	vgt.s32 v13, v5  }
0x9e: {  	v4 =	vsel vm6, v4, v6  }
0x9f: {  	v6 =	vadd.s32 $0x40, v4;
	_ =	sdelay $0x4  }
0xa0: {  	v14 =	vld.idx.msk [tilespmem:v6+s5+$0x0], $0xffff;
	_ =	sdelay $0x4  }
0xa1: {  	vm7 =	vgt.s32 v14, v5  }
0xa2: {  	v4 =	vsel vm7, v4, v6  }
0xa3: {  	v6 =	vadd.s32 $0x20, v4;
	_ =	sdelay $0x4  }
0xa4: {  	v15 =	vld.idx.msk [tilespmem:v6+s5+$0x0], $0xffff;
	_ =	sdelay $0x4  }
0xa5: {  	vm8 =	vgt.s32 v15, v5  }
0xa6: {  	v4 =	vsel vm8, v4, v6  }
0xa7: {  	v6 =	vadd.s32 $0x10, v4;
	_ =	sdelay $0x4  }
0xa8: {  	v16 =	vld.idx.msk [tilespmem:v6+s5+$0x0], $0xffff;
	_ =	sdelay $0x4  }
0xa9: {  	vm9 =	vgt.s32 v16, v5  }
0xaa: {  	v4 =	vsel vm9, v4, v6  }
0xab: {  	v6 =	vadd.s32 $0x8, v4;
	_ =	sdelay $0x4  }
0xac: {  	v17 =	vld.idx.msk [tilespmem:v6+s5+$0x0], $0xffff;
	_ =	sdelay $0x4  }
0xad: {  	vm10 =	vgt.s32 v17, v5  }
0xae: {  	v4 =	vsel vm10, v4, v6  }
0xaf: {  	v6 =	vadd.s32 $0x4, v4;
	_ =	sdelay $0x4  }
0xb0: {  	v18 =	vld.idx.msk [tilespmem:v6+s5+$0x0], $0xffff;
	_ =	sdelay $0x4  }
0xb1: {  	vm11 =	vgt.s32 v18, v5  }
0xb2: {  	v4 =	vsel vm11, v4, v6  }
0xb3: {  	v6 =	vadd.s32 $0x2, v4;
	_ =	sdelay $0x4  }
0xb4: {  	v19 =	vld.idx.msk [tilespmem:v6+s5+$0x0], $0xffff;
	_ =	sdelay $0x4  }
0xb5: {  	vm12 =	vgt.s32 v19, v5  }
0xb6: {  	v4 =	vsel vm12, v4, v6  }
0xb7: {  	v6 =	vadd.s32 $0x1, v4;
	_ =	sdelay $0x4  }
0xb8: {  	v20 =	vld.idx.msk [tilespmem:v6+s5+$0x0], $0xffff;
	_ =	sdelay $0x4  }
0xb9: {  	vm13 =	vgt.s32 v20, v5  }
0xba: {  	v4 =	vsel vm13, v4, v6  }
0xbb: {  	[tilespmem:s31+$0xFFFFFFC0] =	vst v4  }
0xbc: {  	v4 =	vld.idx.msk [tilespmem:v3+s5+$0x0], $0xffff;
	_ =	sdelay $0x2  }
0xbd: {  	s3 =	sadd.s32 $0x10, s0  }
0xbe: {  	v5 =	vor.u32 s3, v2  }
0xbf: {  	vm14 =	vgt.s32 v4, v5  }
0xc0: {  	v4 =	vsel vm14, $0x0, v3  }
0xc1: {  	v21 =	vor.u32 $0x1000, v4;
	_ =	sdelay $0x4  }
0xc2: {  	v22 =	vld.idx.msk [tilespmem:v21+s5+$0x0], $0xffff;
	_ =	sdelay $0x4  }
0xc3: {  	vm15 =	vgt.s32 v22, v5  }
0xc4: {  	v4 =	vsel vm15, v4, v21  }
0xc5: {  	v6 =	vor.u32 $0x800, v4;
	_ =	sdelay $0x4  }
0xc6: {  	v23 =	vld.idx.msk [tilespmem:v6+s5+$0x0], $0xffff;
	_ =	sdelay $0x4  }
0xc7: {  	vm4 =	vgt.s32 v23, v5  }
0xc8: {  	v4 =	vsel vm4, v4, v6  }
0xc9: {  	v6 =	vor.u32 $0x400, v4;
	_ =	sdelay $0x4  }
0xca: {  	v24 =	vld.idx.msk [tilespmem:v6+s5+$0x0], $0xffff;
	_ =	sdelay $0x4  }
0xcb: {  	vm5 =	vgt.s32 v24, v5  }
0xcc: {  	v4 =	vsel vm5, v4, v6  }
0xcd: {  	v6 =	vadd.s32 $0x200, v4;
	_ =	sdelay $0x4  }
0xce: {  	v25 =	vld.idx.msk [tilespmem:v6+s5+$0x0], $0xffff;
	_ =	sdelay $0x4  }
0xcf: {  	vm6 =	vgt.s32 v25, v5  }
0xd0: {  	v4 =	vsel vm6, v4, v6  }
0xd1: {  	v6 =	vadd.s32 $0x100, v4;
	_ =	sdelay $0x4  }
0xd2: {  	v26 =	vld.idx.msk [tilespmem:v6+s5+$0x0], $0xffff;
	_ =	sdelay $0x4  }
0xd3: {  	vm7 =	vgt.s32 v26, v5  }
0xd4: {  	v4 =	vsel vm7, v4, v6  }
0xd5: {  	v6 =	vadd.s32 $0x80, v4;
	_ =	sdelay $0x4  }
0xd6: {  	v27 =	vld.idx.msk [tilespmem:v6+s5+$0x0], $0xffff;
	_ =	sdelay $0x4  }
0xd7: {  	vm8 =	vgt.s32 v27, v5  }
0xd8: {  	v4 =	vsel vm8, v4, v6  }
0xd9: {  	v6 =	vadd.s32 $0x40, v4;
	_ =	sdelay $0x4  }
0xda: {  	v28 =	vld.idx.msk [tilespmem:v6+s5+$0x0], $0xffff;
	_ =	sdelay $0x4  }
0xdb: {  	vm9 =	vgt.s32 v28, v5  }
0xdc: {  	v4 =	vsel vm9, v4, v6  }
0xdd: {  	v6 =	vadd.s32 $0x20, v4;
	_ =	sdelay $0x4  }
0xde: {  	v29 =	vld.idx.msk [tilespmem:v6+s5+$0x0], $0xffff;
	_ =	sdelay $0x4  }
0xdf: {  	vm10 =	vgt.s32 v29, v5  }
0xe0: {  	v4 =	vsel vm10, v4, v6  }
0xe1: {  	v6 =	vadd.s32 $0x10, v4;
	_ =	sdelay $0x4  }
0xe2: {  	v30 =	vld.idx.msk [tilespmem:v6+s5+$0x0], $0xffff;
	_ =	sdelay $0x4  }
0xe3: {  	vm11 =	vgt.s32 v30, v5  }
0xe4: {  	v4 =	vsel vm11, v4, v6  }
0xe5: {  	v6 =	vadd.s32 $0x8, v4;
	_ =	sdelay $0x4  }
0xe6: {  	v31 =	vld.idx.msk [tilespmem:v6+s5+$0x0], $0xffff;
	_ =	sdelay $0x4  }
0xe7: {  	vm12 =	vgt.s32 v31, v5  }
0xe8: {  	v4 =	vsel vm12, v4, v6  }
0xe9: {  	v6 =	vadd.s32 $0x4, v4;
	_ =	sdelay $0x4  }
0xea: {  	v32 =	vld.idx.msk [tilespmem:v6+s5+$0x0], $0xffff;
	_ =	sdelay $0x4  }
0xeb: {  	vm13 =	vgt.s32 v32, v5  }
0xec: {  	v4 =	vsel vm13, v4, v6  }
0xed: {  	v6 =	vadd.s32 $0x2, v4;
	_ =	sdelay $0x4  }
0xee: {  	v33 =	vld.idx.msk [tilespmem:v6+s5+$0x0], $0xffff;
	_ =	sdelay $0x4  }
0xef: {  	vm14 =	vgt.s32 v33, v5  }
0xf0: {  	v4 =	vsel vm14, v4, v6  }
0xf1: {  	v6 =	vadd.s32 $0x1, v4;
	_ =	sdelay $0x4  }
0xf2: {  	v34 =	vld.idx.msk [tilespmem:v6+s5+$0x0], $0xffff;
	_ =	sdelay $0x4  }
0xf3: {  	vm15 =	vgt.s32 v34, v5  }
0xf4: {  	v4 =	vsel vm15, v4, v6  }
0xf5: {  	[tilespmem:s31+$0xFFFFFFD0] =	vst v4  }
0xf6: {  	v4 =	vld.idx.msk [tilespmem:v3+s5+$0x0], $0xffff;
	_ =	sdelay $0x2  }
0xf7: {  	s1 =	sadd.s32 $0x20, s0  }
0xf8: {  	v5 =	vor.u32 s1, v2  }
0xf9: {  	vm4 =	vgt.s32 v4, v5  }
0xfa: {  	v4 =	vsel vm4, $0x0, v3  }
0xfb: {  	v35 =	vor.u32 $0x1000, v4;
	_ =	sdelay $0x4  }
0xfc: {  	v36 =	vld.idx.msk [tilespmem:v35+s5+$0x0], $0xffff;
	_ =	sdelay $0x4  }
0xfd: {  	vm5 =	vgt.s32 v36, v5  }
0xfe: {  	v4 =	vsel vm5, v4, v35  }
0xff: {  	v6 =	vor.u32 $0x800, v4;
	_ =	sdelay $0x4  }
0x100: {  	v37 =	vld.idx.msk [tilespmem:v6+s5+$0x0], $0xffff;
	_ =	sdelay $0x4  }
0x101: {  	vm6 =	vgt.s32 v37, v5  }
0x102: {  	v4 =	vsel vm6, v4, v6  }
0x103: {  	v6 =	vor.u32 $0x400, v4;
	_ =	sdelay $0x4  }
0x104: {  	v38 =	vld.idx.msk [tilespmem:v6+s5+$0x0], $0xffff;
	_ =	sdelay $0x4  }
0x105: {  	vm7 =	vgt.s32 v38, v5  }
0x106: {  	v4 =	vsel vm7, v4, v6  }
0x107: {  	v6 =	vadd.s32 $0x200, v4;
	_ =	sdelay $0x4  }
0x108: {  	v39 =	vld.idx.msk [tilespmem:v6+s5+$0x0], $0xffff;
	_ =	sdelay $0x4  }
0x109: {  	vm8 =	vgt.s32 v39, v5  }
0x10a: {  	v4 =	vsel vm8, v4, v6  }
0x10b: {  	v6 =	vadd.s32 $0x100, v4;
	_ =	sdelay $0x4  }
0x10c: {  	v40 =	vld.idx.msk [tilespmem:v6+s5+$0x0], $0xffff;
	_ =	sdelay $0x4  }
0x10d: {  	vm9 =	vgt.s32 v40, v5  }
0x10e: {  	v4 =	vsel vm9, v4, v6  }
0x10f: {  	v6 =	vadd.s32 $0x80, v4;
	_ =	sdelay $0x4  }
0x110: {  	v41 =	vld.idx.msk [tilespmem:v6+s5+$0x0], $0xffff;
	_ =	sdelay $0x4  }
0x111: {  	vm10 =	vgt.s32 v41, v5  }
0x112: {  	v4 =	vsel vm10, v4, v6  }
0x113: {  	v6 =	vadd.s32 $0x40, v4;
	_ =	sdelay $0x4  }
0x114: {  	v42 =	vld.idx.msk [tilespmem:v6+s5+$0x0], $0xffff;
	_ =	sdelay $0x4  }
0x115: {  	vm11 =	vgt.s32 v42, v5  }
0x116: {  	v4 =	vsel vm11, v4, v6  }
0x117: {  	v6 =	vadd.s32 $0x20, v4;
	_ =	sdelay $0x4  }
0x118: {  	v43 =	vld.idx.msk [tilespmem:v6+s5+$0x0], $0xffff;
	_ =	sdelay $0x4  }
0x119: {  	vm12 =	vgt.s32 v43, v5  }
0x11a: {  	v4 =	vsel vm12, v4, v6  }
0x11b: {  	v6 =	vadd.s32 $0x10, v4;
	_ =	sdelay $0x4  }
0x11c: {  	v44 =	vld.idx.msk [tilespmem:v6+s5+$0x0], $0xffff;
	_ =	sdelay $0x4  }
0x11d: {  	vm13 =	vgt.s32 v44, v5  }
0x11e: {  	v4 =	vsel vm13, v4, v6  }
0x11f: {  	v6 =	vadd.s32 $0x8, v4;
	_ =	sdelay $0x4  }
0x120: {  	v45 =	vld.idx.msk [tilespmem:v6+s5+$0x0], $0xffff;
	_ =	sdelay $0x4  }
0x121: {  	vm14 =	vgt.s32 v45, v5  }
0x122: {  	v4 =	vsel vm14, v4, v6  }
0x123: {  	v6 =	vadd.s32 $0x4, v4;
	_ =	sdelay $0x4  }
0x124: {  	v46 =	vld.idx.msk [tilespmem:v6+s5+$0x0], $0xffff;
	_ =	sdelay $0x4  }
0x125: {  	vm15 =	vgt.s32 v46, v5  }
0x126: {  	v4 =	vsel vm15, v4, v6  }
0x127: {  	v6 =	vadd.s32 $0x2, v4;
	_ =	sdelay $0x4  }
0x128: {  	v47 =	vld.idx.msk [tilespmem:v6+s5+$0x0], $0xffff;
	_ =	sdelay $0x4  }
0x129: {  	vm4 =	vgt.s32 v47, v5  }
0x12a: {  	v4 =	vsel vm4, v4, v6  }
0x12b: {  	v6 =	vadd.s32 $0x1, v4;
	_ =	sdelay $0x4  }
0x12c: {  	v48 =	vld.idx.msk [tilespmem:v6+s5+$0x0], $0xffff;
	_ =	sdelay $0x4  }
0x12d: {  	vm5 =	vgt.s32 v48, v5  }
0x12e: {  	v4 =	vsel vm5, v4, v6  }
0x12f: {  	[tilespmem:s31+$0xFFFFFFE0] =	vst v4  }
0x130: {  	v4 =	vld.idx.msk [tilespmem:v3+s5+$0x0], $0xffff;
	_ =	sdelay $0x2  }
0x131: {  	s1 =	sadd.s32 $0x30, s0  }
0x132: {  	v5 =	vor.u32 s1, v2  }
0x133: {  	vm6 =	vgt.s32 v4, v5  }
0x134: {  	v4 =	vsel vm6, $0x0, v3  }
0x135: {  	v49 =	vor.u32 $0x1000, v4;
	_ =	sdelay $0x4  }
0x136: {  	v50 =	vld.idx.msk [tilespmem:v49+s5+$0x0], $0xffff;
	_ =	sdelay $0x4  }
0x137: {  	vm7 =	vgt.s32 v50, v5  }
0x138: {  	v4 =	vsel vm7, v4, v49  }
0x139: {  	v6 =	vor.u32 $0x800, v4;
	_ =	sdelay $0x4  }
0x13a: {  	v51 =	vld.idx.msk [tilespmem:v6+s5+$0x0], $0xffff;
	_ =	sdelay $0x4  }
0x13b: {  	vm8 =	vgt.s32 v51, v5  }
0x13c: {  	v4 =	vsel vm8, v4, v6  }
0x13d: {  	v6 =	vor.u32 $0x400, v4;
	_ =	sdelay $0x4  }
0x13e: {  	v52 =	vld.idx.msk [tilespmem:v6+s5+$0x0], $0xffff;
	_ =	sdelay $0x4  }
0x13f: {  	vm9 =	vgt.s32 v52, v5  }
0x140: {  	v4 =	vsel vm9, v4, v6  }
0x141: {  	v6 =	vadd.s32 $0x200, v4;
	_ =	sdelay $0x4  }
0x142: {  	v53 =	vld.idx.msk [tilespmem:v6+s5+$0x0], $0xffff;
	_ =	sdelay $0x4  }
0x143: {  	vm10 =	vgt.s32 v53, v5  }
0x144: {  	v4 =	vsel vm10, v4, v6  }
0x145: {  	v6 =	vadd.s32 $0x100, v4;
	_ =	sdelay $0x4  }
0x146: {  	v54 =	vld.idx.msk [tilespmem:v6+s5+$0x0], $0xffff;
	_ =	sdelay $0x4  }
0x147: {  	vm11 =	vgt.s32 v54, v5  }
0x148: {  	v4 =	vsel vm11, v4, v6  }
0x149: {  	v6 =	vadd.s32 $0x80, v4;
	_ =	sdelay $0x4  }
0x14a: {  	v55 =	vld.idx.msk [tilespmem:v6+s5+$0x0], $0xffff;
	_ =	sdelay $0x4  }
0x14b: {  	vm12 =	vgt.s32 v55, v5  }
0x14c: {  	v4 =	vsel vm12, v4, v6  }
0x14d: {  	v6 =	vadd.s32 $0x40, v4;
	_ =	sdelay $0x4  }
0x14e: {  	v56 =	vld.idx.msk [tilespmem:v6+s5+$0x0], $0xffff;
	_ =	sdelay $0x4  }
0x14f: {  	vm13 =	vgt.s32 v56, v5  }
0x150: {  	v4 =	vsel vm13, v4, v6  }
0x151: {  	v6 =	vadd.s32 $0x20, v4;
	_ =	sdelay $0x4  }
0x152: {  	v57 =	vld.idx.msk [tilespmem:v6+s5+$0x0], $0xffff;
	_ =	sdelay $0x4  }
0x153: {  	vm14 =	vgt.s32 v57, v5  }
0x154: {  	v4 =	vsel vm14, v4, v6  }
0x155: {  	v6 =	vadd.s32 $0x10, v4;
	_ =	sdelay $0x4  }
0x156: {  	v58 =	vld.idx.msk [tilespmem:v6+s5+$0x0], $0xffff;
	_ =	sdelay $0x4  }
0x157: {  	vm15 =	vgt.s32 v58, v5  }
0x158: {  	v4 =	vsel vm15, v4, v6  }
0x159: {  	v6 =	vadd.s32 $0x8, v4;
	_ =	sdelay $0x4  }
0x15a: {  	v59 =	vld.idx.msk [tilespmem:v6+s5+$0x0], $0xffff;
	_ =	sdelay $0x4  }
0x15b: {  	vm4 =	vgt.s32 v59, v5  }
0x15c: {  	v4 =	vsel vm4, v4, v6  }
0x15d: {  	v6 =	vadd.s32 $0x4, v4;
	_ =	sdelay $0x4  }
0x15e: {  	v60 =	vld.idx.msk [tilespmem:v6+s5+$0x0], $0xffff;
	_ =	sdelay $0x4  }
0x15f: {  	vm5 =	vgt.s32 v60, v5  }
0x160: {  	v4 =	vsel vm5, v4, v6  }
0x161: {  	v6 =	vadd.s32 $0x2, v4;
	_ =	sdelay $0x4  }
0x162: {  	v61 =	vld.idx.msk [tilespmem:v6+s5+$0x0], $0xffff;
	_ =	sdelay $0x4  }
0x163: {  	vm6 =	vgt.s32 v61, v5  }
0x164: {  	v4 =	vsel vm6, v4, v6  }
0x165: {  	v6 =	vadd.s32 $0x1, v4;
	_ =	sdelay $0x4  }
0x166: {  	v62 =	vld.idx.msk [tilespmem:v6+s5+$0x0], $0xffff;
	_ =	sdelay $0x4  }
0x167: {  	vm7 =	vgt.s32 v62, v5  }
0x168: {  	v4 =	vsel vm7, v4, v6  }
0x169: {  	[tilespmem:s31+$0xFFFFFFF0] =	vst v4  }
0x16a: {  	v4 =	vld.idx.msk [tilespmem:v3+s5+$0x0], $0xffff;
	_ =	sdelay $0x2  }
0x16b: {  	s1 =	sadd.s32 $0x40, s0  }
0x16c: {  	v5 =	vor.u32 s1, v2  }
0x16d: {  	vm8 =	vgt.s32 v4, v5  }
0x16e: {  	v4 =	vsel vm8, $0x0, v3  }
0x16f: {  	v63 =	vor.u32 $0x1000, v4;
	_ =	sdelay $0x4  }
0x170: {  	v9 =	vld.idx.msk [tilespmem:v63+s5+$0x0], $0xffff;
	_ =	sdelay $0x4  }
0x171: {  	vm9 =	vgt.s32 v9, v5  }
0x172: {  	v4 =	vsel vm9, v4, v63  }
0x173: {  	v6 =	vor.u32 $0x800, v4;
	_ =	sdelay $0x4  }
0x174: {  	v10 =	vld.idx.msk [tilespmem:v6+s5+$0x0], $0xffff;
	_ =	sdelay $0x4  }
0x175: {  	vm10 =	vgt.s32 v10, v5  }
0x176: {  	v4 =	vsel vm10, v4, v6  }
0x177: {  	v6 =	vor.u32 $0x400, v4;
	_ =	sdelay $0x4  }
0x178: {  	v11 =	vld.idx.msk [tilespmem:v6+s5+$0x0], $0xffff;
	_ =	sdelay $0x4  }
0x179: {  	vm11 =	vgt.s32 v11, v5  }
0x17a: {  	v4 =	vsel vm11, v4, v6  }
0x17b: {  	v6 =	vadd.s32 $0x200, v4;
	_ =	sdelay $0x4  }
0x17c: {  	v12 =	vld.idx.msk [tilespmem:v6+s5+$0x0], $0xffff;
	_ =	sdelay $0x4  }
0x17d: {  	vm12 =	vgt.s32 v12, v5  }
0x17e: {  	v4 =	vsel vm12, v4, v6  }
0x17f: {  	v6 =	vadd.s32 $0x100, v4;
	_ =	sdelay $0x4  }
0x180: {  	v13 =	vld.idx.msk [tilespmem:v6+s5+$0x0], $0xffff;
	_ =	sdelay $0x4  }
0x181: {  	vm13 =	vgt.s32 v13, v5  }
0x182: {  	v4 =	vsel vm13, v4, v6  }
0x183: {  	v6 =	vadd.s32 $0x80, v4;
	_ =	sdelay $0x4  }
0x184: {  	v14 =	vld.idx.msk [tilespmem:v6+s5+$0x0], $0xffff;
	_ =	sdelay $0x4  }
0x185: {  	vm14 =	vgt.s32 v14, v5  }
0x186: {  	v4 =	vsel vm14, v4, v6  }
0x187: {  	v6 =	vadd.s32 $0x40, v4;
	_ =	sdelay $0x4  }
0x188: {  	v15 =	vld.idx.msk [tilespmem:v6+s5+$0x0], $0xffff;
	_ =	sdelay $0x4  }
0x189: {  	vm15 =	vgt.s32 v15, v5  }
0x18a: {  	v4 =	vsel vm15, v4, v6  }
0x18b: {  	v6 =	vadd.s32 $0x20, v4;
	_ =	sdelay $0x4  }
0x18c: {  	v16 =	vld.idx.msk [tilespmem:v6+s5+$0x0], $0xffff;
	_ =	sdelay $0x4  }
0x18d: {  	vm4 =	vgt.s32 v16, v5  }
0x18e: {  	v4 =	vsel vm4, v4, v6  }
0x18f: {  	v6 =	vadd.s32 $0x10, v4;
	_ =	sdelay $0x4  }
0x190: {  	v17 =	vld.idx.msk [tilespmem:v6+s5+$0x0], $0xffff;
	_ =	sdelay $0x4  }
0x191: {  	vm5 =	vgt.s32 v17, v5  }
0x192: {  	v4 =	vsel vm5, v4, v6  }
0x193: {  	v6 =	vadd.s32 $0x8, v4;
	_ =	sdelay $0x4  }
0x194: {  	v18 =	vld.idx.msk [tilespmem:v6+s5+$0x0], $0xffff;
	_ =	sdelay $0x4  }
0x195: {  	vm6 =	vgt.s32 v18, v5  }
0x196: {  	v4 =	vsel vm6, v4, v6  }
0x197: {  	v6 =	vadd.s32 $0x4, v4;
	_ =	sdelay $0x4  }
0x198: {  	v19 =	vld.idx.msk [tilespmem:v6+s5+$0x0], $0xffff;
	_ =	sdelay $0x4  }
0x199: {  	vm7 =	vgt.s32 v19, v5  }
0x19a: {  	v4 =	vsel vm7, v4, v6  }
0x19b: {  	v6 =	vadd.s32 $0x2, v4;
	_ =	sdelay $0x4  }
0x19c: {  	v20 =	vld.idx.msk [tilespmem:v6+s5+$0x0], $0xffff;
	_ =	sdelay $0x4  }
0x19d: {  	vm8 =	vgt.s32 v20, v5  }
0x19e: {  	v4 =	vsel vm8, v4, v6  }
0x19f: {  	v6 =	vadd.s32 $0x1, v4;
	_ =	sdelay $0x4  }
0x1a0: {  	v21 =	vld.idx.msk [tilespmem:v6+s5+$0x0], $0xffff;
	_ =	sdelay $0x4  }
0x1a1: {  	vm9 =	vgt.s32 v21, v5  }
0x1a2: {  	v4 =	vsel vm9, v4, v6  }
0x1a3: {  	[tilespmem:s31+$0x0] =	vst v4  }
0x1a4: {  	v4 =	vld.idx.msk [tilespmem:v3+s5+$0x0], $0xffff;
	_ =	sdelay $0x2  }
0x1a5: {  	s1 =	sadd.s32 $0x50, s0  }
0x1a6: {  	v5 =	vor.u32 s1, v2  }
0x1a7: {  	vm10 =	vgt.s32 v4, v5  }
0x1a8: {  	v4 =	vsel vm10, $0x0, v3  }
0x1a9: {  	v22 =	vor.u32 $0x1000, v4;
	_ =	sdelay $0x4  }
0x1aa: {  	v23 =	vld.idx.msk [tilespmem:v22+s5+$0x0], $0xffff;
	_ =	sdelay $0x4  }
0x1ab: {  	vm11 =	vgt.s32 v23, v5  }
0x1ac: {  	v4 =	vsel vm11, v4, v22  }
0x1ad: {  	v6 =	vor.u32 $0x800, v4;
	_ =	sdelay $0x4  }
0x1ae: {  	v24 =	vld.idx.msk [tilespmem:v6+s5+$0x0], $0xffff;
	_ =	sdelay $0x4  }
0x1af: {  	vm12 =	vgt.s32 v24, v5  }
0x1b0: {  	v4 =	vsel vm12, v4, v6  }
0x1b1: {  	v6 =	vor.u32 $0x400, v4;
	_ =	sdelay $0x4  }
0x1b2: {  	v25 =	vld.idx.msk [tilespmem:v6+s5+$0x0], $0xffff;
	_ =	sdelay $0x4  }
0x1b3: {  	vm13 =	vgt.s32 v25, v5  }
0x1b4: {  	v4 =	vsel vm13, v4, v6  }
0x1b5: {  	v6 =	vadd.s32 $0x200, v4;
	_ =	sdelay $0x4  }
0x1b6: {  	v26 =	vld.idx.msk [tilespmem:v6+s5+$0x0], $0xffff;
	_ =	sdelay $0x4  }
0x1b7: {  	vm14 =	vgt.s32 v26, v5  }
0x1b8: {  	v4 =	vsel vm14, v4, v6  }
0x1b9: {  	v6 =	vadd.s32 $0x100, v4;
	_ =	sdelay $0x4  }
0x1ba: {  	v27 =	vld.idx.msk [tilespmem:v6+s5+$0x0], $0xffff;
	_ =	sdelay $0x4  }
0x1bb: {  	vm15 =	vgt.s32 v27, v5  }
0x1bc: {  	v4 =	vsel vm15, v4, v6  }
0x1bd: {  	v6 =	vadd.s32 $0x80, v4;
	_ =	sdelay $0x4  }
0x1be: {  	v28 =	vld.idx.msk [tilespmem:v6+s5+$0x0], $0xffff;
	_ =	sdelay $0x4  }
0x1bf: {  	vm4 =	vgt.s32 v28, v5  }
0x1c0: {  	v4 =	vsel vm4, v4, v6  }
0x1c1: {  	v6 =	vadd.s32 $0x40, v4;
	_ =	sdelay $0x4  }
0x1c2: {  	v29 =	vld.idx.msk [tilespmem:v6+s5+$0x0], $0xffff;
	_ =	sdelay $0x4  }
0x1c3: {  	vm5 =	vgt.s32 v29, v5  }
0x1c4: {  	v4 =	vsel vm5, v4, v6  }
0x1c5: {  	v6 =	vadd.s32 $0x20, v4;
	_ =	sdelay $0x4  }
0x1c6: {  	v30 =	vld.idx.msk [tilespmem:v6+s5+$0x0], $0xffff;
	_ =	sdelay $0x4  }
0x1c7: {  	vm6 =	vgt.s32 v30, v5  }
0x1c8: {  	v4 =	vsel vm6, v4, v6  }
0x1c9: {  	v6 =	vadd.s32 $0x10, v4;
	_ =	sdelay $0x4  }
0x1ca: {  	v31 =	vld.idx.msk [tilespmem:v6+s5+$0x0], $0xffff;
	_ =	sdelay $0x4  }
0x1cb: {  	vm7 =	vgt.s32 v31, v5  }
0x1cc: {  	v4 =	vsel vm7, v4, v6  }
0x1cd: {  	v6 =	vadd.s32 $0x8, v4;
	_ =	sdelay $0x4  }
0x1ce: {  	v32 =	vld.idx.msk [tilespmem:v6+s5+$0x0], $0xffff;
	_ =	sdelay $0x4  }
0x1cf: {  	vm8 =	vgt.s32 v32, v5  }
0x1d0: {  	v4 =	vsel vm8, v4, v6  }
0x1d1: {  	v6 =	vadd.s32 $0x4, v4;
	_ =	sdelay $0x4  }
0x1d2: {  	v33 =	vld.idx.msk [tilespmem:v6+s5+$0x0], $0xffff;
	_ =	sdelay $0x4  }
0x1d3: {  	vm9 =	vgt.s32 v33, v5  }
0x1d4: {  	v4 =	vsel vm9, v4, v6  }
0x1d5: {  	v6 =	vadd.s32 $0x2, v4;
	_ =	sdelay $0x4  }
0x1d6: {  	v34 =	vld.idx.msk [tilespmem:v6+s5+$0x0], $0xffff;
	_ =	sdelay $0x4  }
0x1d7: {  	vm10 =	vgt.s32 v34, v5  }
0x1d8: {  	v4 =	vsel vm10, v4, v6  }
0x1d9: {  	v6 =	vadd.s32 $0x1, v4;
	_ =	sdelay $0x4  }
0x1da: {  	v35 =	vld.idx.msk [tilespmem:v6+s5+$0x0], $0xffff;
	_ =	sdelay $0x4  }
0x1db: {  	vm11 =	vgt.s32 v35, v5  }
0x1dc: {  	v4 =	vsel vm11, v4, v6  }
0x1dd: {  	[tilespmem:s31+$0x10] =	vst v4  }
0x1de: {  	v4 =	vld.idx.msk [tilespmem:v3+s5+$0x0], $0xffff;
	_ =	sdelay $0x2  }
0x1df: {  	s1 =	sadd.s32 $0x60, s0  }
0x1e0: {  	v5 =	vor.u32 s1, v2  }
0x1e1: {  	vm12 =	vgt.s32 v4, v5  }
0x1e2: {  	v4 =	vsel vm12, $0x0, v3  }
0x1e3: {  	v36 =	vor.u32 $0x1000, v4;
	_ =	sdelay $0x4  }
0x1e4: {  	v37 =	vld.idx.msk [tilespmem:v36+s5+$0x0], $0xffff;
	_ =	sdelay $0x4  }
0x1e5: {  	vm13 =	vgt.s32 v37, v5  }
0x1e6: {  	v4 =	vsel vm13, v4, v36  }
0x1e7: {  	v6 =	vor.u32 $0x800, v4;
	_ =	sdelay $0x4  }
0x1e8: {  	v38 =	vld.idx.msk [tilespmem:v6+s5+$0x0], $0xffff;
	_ =	sdelay $0x4  }
0x1e9: {  	vm14 =	vgt.s32 v38, v5  }
0x1ea: {  	v4 =	vsel vm14, v4, v6  }
0x1eb: {  	v6 =	vor.u32 $0x400, v4;
	_ =	sdelay $0x4  }
0x1ec: {  	v39 =	vld.idx.msk [tilespmem:v6+s5+$0x0], $0xffff;
	_ =	sdelay $0x4  }
0x1ed: {  	vm15 =	vgt.s32 v39, v5  }
0x1ee: {  	v4 =	vsel vm15, v4, v6  }
0x1ef: {  	v6 =	vadd.s32 $0x200, v4;
	_ =	sdelay $0x4  }
0x1f0: {  	v40 =	vld.idx.msk [tilespmem:v6+s5+$0x0], $0xffff;
	_ =	sdelay $0x4  }
0x1f1: {  	vm4 =	vgt.s32 v40, v5  }
0x1f2: {  	v4 =	vsel vm4, v4, v6  }
0x1f3: {  	v6 =	vadd.s32 $0x100, v4;
	_ =	sdelay $0x4  }
0x1f4: {  	v41 =	vld.idx.msk [tilespmem:v6+s5+$0x0], $0xffff;
	_ =	sdelay $0x4  }
0x1f5: {  	vm5 =	vgt.s32 v41, v5  }
0x1f6: {  	v4 =	vsel vm5, v4, v6  }
0x1f7: {  	v6 =	vadd.s32 $0x80, v4;
	_ =	sdelay $0x4  }
0x1f8: {  	v42 =	vld.idx.msk [tilespmem:v6+s5+$0x0], $0xffff;
	_ =	sdelay $0x4  }
0x1f9: {  	vm6 =	vgt.s32 v42, v5  }
0x1fa: {  	v4 =	vsel vm6, v4, v6  }
0x1fb: {  	v6 =	vadd.s32 $0x40, v4;
	_ =	sdelay $0x4  }
0x1fc: {  	v43 =	vld.idx.msk [tilespmem:v6+s5+$0x0], $0xffff;
	_ =	sdelay $0x4  }
0x1fd: {  	vm7 =	vgt.s32 v43, v5  }
0x1fe: {  	v4 =	vsel vm7, v4, v6  }
0x1ff: {  	v6 =	vadd.s32 $0x20, v4;
	_ =	sdelay $0x4  }
0x200: {  	v44 =	vld.idx.msk [tilespmem:v6+s5+$0x0], $0xffff;
	_ =	sdelay $0x4  }
0x201: {  	vm8 =	vgt.s32 v44, v5  }
0x202: {  	v4 =	vsel vm8, v4, v6  }
0x203: {  	v6 =	vadd.s32 $0x10, v4;
	_ =	sdelay $0x4  }
0x204: {  	v45 =	vld.idx.msk [tilespmem:v6+s5+$0x0], $0xffff;
	_ =	sdelay $0x4  }
0x205: {  	vm9 =	vgt.s32 v45, v5  }
0x206: {  	v4 =	vsel vm9, v4, v6  }
0x207: {  	v6 =	vadd.s32 $0x8, v4;
	_ =	sdelay $0x4  }
0x208: {  	v46 =	vld.idx.msk [tilespmem:v6+s5+$0x0], $0xffff;
	_ =	sdelay $0x4  }
0x209: {  	vm10 =	vgt.s32 v46, v5  }
0x20a: {  	v4 =	vsel vm10, v4, v6  }
0x20b: {  	v6 =	vadd.s32 $0x4, v4;
	_ =	sdelay $0x4  }
0x20c: {  	v47 =	vld.idx.msk [tilespmem:v6+s5+$0x0], $0xffff;
	_ =	sdelay $0x4  }
0x20d: {  	vm11 =	vgt.s32 v47, v5  }
0x20e: {  	v4 =	vsel vm11, v4, v6  }
0x20f: {  	v6 =	vadd.s32 $0x2, v4;
	_ =	sdelay $0x4  }
0x210: {  	v48 =	vld.idx.msk [tilespmem:v6+s5+$0x0], $0xffff;
	_ =	sdelay $0x4  }
0x211: {  	vm12 =	vgt.s32 v48, v5  }
0x212: {  	v4 =	vsel vm12, v4, v6  }
0x213: {  	v6 =	vadd.s32 $0x1, v4;
	_ =	sdelay $0x4  }
0x214: {  	v49 =	vld.idx.msk [tilespmem:v6+s5+$0x0], $0xffff;
	_ =	sdelay $0x4  }
0x215: {  	vm13 =	vgt.s32 v49, v5  }
0x216: {  	v4 =	vsel vm13, v4, v6  }
0x217: {  	[tilespmem:s31+$0x20] =	vst v4  }
0x218: {  	v4 =	vld.idx.msk [tilespmem:v3+s5+$0x0], $0xffff;
	_ =	sdelay $0x2  }
0x219: {  	s0 =	sadd.s32 $0x70, s0  }
0x21a: {  	v5 =	vor.u32 s0, v2  }
0x21b: {  	vm14 =	vgt.s32 v4, v5  }
0x21c: {  	v4 =	vsel vm14, $0x0, v3  }
0x21d: {  	v50 =	vor.u32 $0x1000, v4;
	_ =	sdelay $0x4  }
0x21e: {  	v51 =	vld.idx.msk [tilespmem:v50+s5+$0x0], $0xffff;
	_ =	sdelay $0x4  }
0x21f: {  	vm15 =	vgt.s32 v51, v5  }
0x220: {  	v4 =	vsel vm15, v4, v50  }
0x221: {  	v6 =	vor.u32 $0x800, v4;
	_ =	sdelay $0x4  }
0x222: {  	v52 =	vld.idx.msk [tilespmem:v6+s5+$0x0], $0xffff;
	_ =	sdelay $0x4  }
0x223: {  	vm4 =	vgt.s32 v52, v5  }
0x224: {  	v4 =	vsel vm4, v4, v6  }
0x225: {  	v6 =	vor.u32 $0x400, v4;
	_ =	sdelay $0x4  }
0x226: {  	v53 =	vld.idx.msk [tilespmem:v6+s5+$0x0], $0xffff;
	_ =	sdelay $0x4  }
0x227: {  	vm5 =	vgt.s32 v53, v5  }
0x228: {  	v4 =	vsel vm5, v4, v6  }
0x229: {  	v6 =	vadd.s32 $0x200, v4;
	_ =	sdelay $0x4  }
0x22a: {  	v54 =	vld.idx.msk [tilespmem:v6+s5+$0x0], $0xffff;
	_ =	sdelay $0x4  }
0x22b: {  	vm6 =	vgt.s32 v54, v5  }
0x22c: {  	v4 =	vsel vm6, v4, v6  }
0x22d: {  	v6 =	vadd.s32 $0x100, v4;
	_ =	sdelay $0x4  }
0x22e: {  	v55 =	vld.idx.msk [tilespmem:v6+s5+$0x0], $0xffff;
	_ =	sdelay $0x4  }
0x22f: {  	vm7 =	vgt.s32 v55, v5  }
0x230: {  	v4 =	vsel vm7, v4, v6  }
0x231: {  	v6 =	vadd.s32 $0x80, v4;
	_ =	sdelay $0x4  }
0x232: {  	v56 =	vld.idx.msk [tilespmem:v6+s5+$0x0], $0xffff;
	_ =	sdelay $0x4  }
0x233: {  	vm8 =	vgt.s32 v56, v5  }
0x234: {  	v4 =	vsel vm8, v4, v6  }
0x235: {  	v6 =	vadd.s32 $0x40, v4;
	_ =	sdelay $0x4  }
0x236: {  	v57 =	vld.idx.msk [tilespmem:v6+s5+$0x0], $0xffff;
	_ =	sdelay $0x4  }
0x237: {  	vm9 =	vgt.s32 v57, v5  }
0x238: {  	v4 =	vsel vm9, v4, v6  }
0x239: {  	v6 =	vadd.s32 $0x20, v4;
	_ =	sdelay $0x4  }
0x23a: {  	v58 =	vld.idx.msk [tilespmem:v6+s5+$0x0], $0xffff;
	_ =	sdelay $0x4  }
0x23b: {  	vm10 =	vgt.s32 v58, v5  }
0x23c: {  	v4 =	vsel vm10, v4, v6  }
0x23d: {  	v6 =	vadd.s32 $0x10, v4;
	_ =	sdelay $0x4  }
0x23e: {  	v59 =	vld.idx.msk [tilespmem:v6+s5+$0x0], $0xffff;
	_ =	sdelay $0x4  }
0x23f: {  	vm11 =	vgt.s32 v59, v5  }
0x240: {  	v4 =	vsel vm11, v4, v6  }
0x241: {  	v6 =	vadd.s32 $0x8, v4;
	_ =	sdelay $0x4  }
0x242: {  	v60 =	vld.idx.msk [tilespmem:v6+s5+$0x0], $0xffff;
	_ =	sdelay $0x4  }
0x243: {  	vm12 =	vgt.s32 v60, v5  }
0x244: {  	v4 =	vsel vm12, v4, v6  }
0x245: {  	v6 =	vadd.s32 $0x4, v4;
	_ =	sdelay $0x4  }
0x246: {  	v61 =	vld.idx.msk [tilespmem:v6+s5+$0x0], $0xffff;
	_ =	sdelay $0x4  }
0x247: {  	vm13 =	vgt.s32 v61, v5  }
0x248: {  	v4 =	vsel vm13, v4, v6  }
0x249: {  	v6 =	vadd.s32 $0x2, v4;
	_ =	sdelay $0x4  }
0x24a: {  	v62 =	vld.idx.msk [tilespmem:v6+s5+$0x0], $0xffff;
	_ =	sdelay $0x4  }
0x24b: {  	vm14 =	vgt.s32 v62, v5  }
0x24c: {  	v4 =	vsel vm14, v4, v6  }
0x24d: {  	v6 =	vadd.s32 $0x1, v4;
	_ =	sdelay $0x4  }
0x24e: {  	v63 =	vld.idx.msk [tilespmem:v6+s5+$0x0], $0xffff;
	_ =	sdelay $0x1  }
0x24f: {  	p0 =	sne.s32 s30, $0xF80  }
.Ltmp1:
0x250: {  	_ = 	snop;
	(pc) =	sbr.rel @p0 .LBB2_4-.Ltmp1, $4  }
0x251: {  	_ = 	snop  }
0x252: {  	vm15 =	vgt.s32 v63, v5  }
0x253: {  	v4 =	vsel vm15, v4, v6  }
0x254: {  	s30 =	sadd.s32 $0x80, s30;
	[tilespmem:s31+$0x30] =	vst v4;
	s31 =	sadd.s32 $0x80, s31  }
0x255: {  	[bflag:$0x0] =	sbarrier.arrive $0xFFFF;
	s0 =	simm.s32 $0x4000  }
0x256: {  	[tilespmem:s25], [sflag:$0x1] =	stream.indirect.gather [hbm4b:s6+s24], $0x20, s0, s24, $0xb8;
	[tilespmem:$0x11880] =	vst v63  }
0x257: {  	_ =	swait.ge [sflag:s26], $0x1000  }
0x258: {  	[sflag:s26] =	ssyncset.done $0x0  }
0x259: {  	s31 =	simm.s32 $0x5000;
	[sflag:s26] =	ssyncadd.s32 $0xFFFFF000  }
0x25a: {  	[spmem:s4] =	stream.indirect.scatter.add.f32 [tilespmem:s25], [sflag:$0x2], $0x20, s31, s24, $0xb8;
	[tilespmem:$0x11880] =	vst v63  }
0x25b: {  	_ =	swait.ge [sflag:s20], $0x1000  }
0x25c: {  	[sflag:s20] =	ssyncset.done $0x0  }
0x25d: {  	[sflag:s20] =	ssyncadd.s32 $0xFFFFF000  }
0x25e: {  	[spmem:s2] =	stream.indirect.scatter.add.f32 [tilespmem:s28], [sflag:$0x2], $0x1, s31, s24, $0xb8;
	[tilespmem:$0x11880] =	vst v63  }
0x25f: {  	_ =	swait.ge [sflag:s20], $0x80  }
0x260: {  	s30 =	simm.s32 $0x400;
	s0 =	simm.s32 $0x80;
	[sflag:s20] =	ssyncset.done $0x0  }
.LBB2_6:
0x261: {  	s3 =	sadd.s32 $0x4000, s0  }
0x262: {  	[sflag:s20] =	ssyncadd.s32 $0xFFFFFF80;
	s31 =	smov.u32 s30;
	s1 =	sadd.s32 $0x200, s30  }
0x263: {  	[tilespmem:s25], [sflag:$0x1] =	stream.indirect.gather [hbm4b:s6+s24], $0x20, s3, s24, $0xb8;
	[tilespmem:$0x11880] =	vst v63  }
0x264: {  	p0 =	sne.s32 s30, $0x3E00;
	_ =	swait.ge [sflag:s26], $0x1000  }
0x265: {  	[sflag:s26] =	ssyncset.done $0x0  }
0x266: {  	s0 =	sadd.s32 $0x5000, s0;
	[sflag:s26] =	ssyncadd.s32 $0xFFFFF000  }
0x267: {  	[spmem:s4] =	stream.indirect.scatter.add.f32 [tilespmem:s25], [sflag:$0x2], $0x20, s0, s24, $0xb8;
	[tilespmem:$0x11880] =	vst v63  }
0x268: {  	_ =	swait.ge [sflag:s20], $0x1000  }
.Ltmp2:
0x269: {  	[sflag:s20] =	ssyncset.done $0x0;
	(pc) =	sbr.rel @p0 .LBB2_6-.Ltmp2, $4  }
0x26a: {  	[sflag:s20] =	ssyncadd.s32 $0xFFFFF000  }
0x26b: {  	[spmem:s2] =	stream.indirect.scatter.add.f32 [tilespmem:s28], [sflag:$0x2], $0x1, s0, s24, $0xb8;
	[tilespmem:$0x11880] =	vst v63  }
0x26c: {  	_ =	swait.ge [sflag:s20], $0x80  }
0x26d: {  	s30 =	smov.u32 s1;
	s0 =	sshra.s32 s31, $0x2;
	[sflag:s20] =	ssyncset.done $0x0  }
0x26e: {  	s1 =	sadd.s32 $0x4000, s0;
	[sflag:s20] =	ssyncadd.s32 $0xFFFFFF80  }
0x26f: {  	[tilespmem:s25], [sflag:$0x1] =	stream.indirect.gather [hbm4b:s6+s24], $0x20, s1, s24, $0xb8;
	[tilespmem:$0x11880] =	vst v63  }
0x270: {  	_ =	swait.ge [sflag:s26], $0x1000  }
0x271: {  	[sflag:s26] =	ssyncset.done $0x0  }
0x272: {  	s31 =	sadd.s32 $0x5000, s0;
	[sflag:s26] =	ssyncadd.s32 $0xFFFFF000  }
0x273: {  	[spmem:s4] =	stream.indirect.scatter.add.f32 [tilespmem:s25], [sflag:$0x2], $0x20, s31, s24, $0xb8;
	[tilespmem:$0x11880] =	vst v63  }
0x274: {  	_ =	swait.ge [sflag:s20], $0x1000  }
0x275: {  	[sflag:s20] =	ssyncset.done $0x0  }
0x276: {  	[sflag:s20] =	ssyncadd.s32 $0xFFFFF000  }
0x277: {  	[spmem:s2] =	stream.indirect.scatter.add.f32 [tilespmem:s28], [sflag:$0x2], $0x1, s31, s24, $0xb8;
	[tilespmem:$0x11880] =	vst v63  }
0x278: {  	_ =	swait.ge [sflag:s20], $0x80  }
0x279: {  	[sflag:s20] =	ssyncset.done $0x0  }
0x27a: {  	[sflag:s20] =	ssyncadd.s32 $0xFFFFFF80  }
0x27b: {  	[bflag:$0x0] =	sbarrier.arrive $0xFFFF  }
0x27c: {  	[tilespmem:s22], [sflag:$0x2] =	stream.linear.gather [spmem:s8], $0x400, $0x38;
	[tilespmem:$0x11880] =	vst v63  }
0x27d: {  	_ =	swait.ge [sflag:s20], $0x400  }
0x27e: {  	[sflag:s20] =	ssyncset.done $0x0  }
0x27f: {  	[sflag:s20] =	ssyncadd.s32 $0xFFFFFC00  }
0x280: {  	[hbm4b:s13+s5] =	stream.linear.scatter [tilespmem:s22], [sflag:$0x2], $0x400, $0x38;
	[tilespmem:$0x11880] =	vst v63  }
0x281: {  	_ =	swait.ge [sflag:s20], $0x400  }
0x282: {  	[sflag:s20] =	ssyncset.done $0x0  }
0x283: {  	[sflag:s20] =	ssyncadd.s32 $0xFFFFFC00  }
0x284: {  	[tilespmem:s23], [sflag:$0x2] =	stream.linear.gather [spmem:s9], $0x2000, $0x38;
	[tilespmem:$0x11880] =	vst v63  }
0x285: {  	_ =	swait.ge [sflag:s20], $0x2000  }
0x286: {  	[sflag:s20] =	ssyncset.done $0x0  }
0x287: {  	[sflag:s20] =	ssyncadd.s32 $0xFFFFE000  }
0x288: {  	[hbm4b:s14+s5] =	stream.linear.scatter [tilespmem:s23], [sflag:$0x2], $0x2000, $0x38;
	[tilespmem:$0x11880] =	vst v63  }
0x289: {  	_ =	swait.ge [sflag:s20], $0x2000  }
0x28a: {  	[sflag:s20] =	ssyncset.done $0x0  }
0x28b: {  	[sflag:s20] =	ssyncadd.s32 $0xFFFFE000  }
0x28c: {  	[tilespmem:s23], [sflag:$0x2] =	stream.linear.gather [spmem:s10], $0x2000, $0x38;
	[tilespmem:$0x11880] =	vst v63  }
0x28d: {  	_ =	swait.ge [sflag:s20], $0x2000  }
0x28e: {  	[sflag:s20] =	ssyncset.done $0x0  }
0x28f: {  	[sflag:s20] =	ssyncadd.s32 $0xFFFFE000  }
0x290: {  	[hbm4b:s15+s5] =	stream.linear.scatter [tilespmem:s23], [sflag:$0x2], $0x2000, $0x38;
	[tilespmem:$0x11880] =	vst v63  }
0x291: {  	_ =	swait.ge [sflag:s20], $0x2000  }
0x292: {  	[sflag:s20] =	ssyncset.done $0x0  }
0x293: {  	[sflag:s20] =	ssyncadd.s32 $0xFFFFE000  }
0x294: {  	[tilespmem:s23], [sflag:$0x2] =	stream.linear.gather [spmem:s11], $0x2000, $0x38;
	[tilespmem:$0x11880] =	vst v63  }
0x295: {  	_ =	swait.ge [sflag:s20], $0x2000  }
0x296: {  	[sflag:s20] =	ssyncset.done $0x0  }
0x297: {  	[sflag:s20] =	ssyncadd.s32 $0xFFFFE000  }
0x298: {  	[hbm4b:s16+s5] =	stream.linear.scatter [tilespmem:s23], [sflag:$0x2], $0x2000, $0x38;
	[tilespmem:$0x11880] =	vst v63  }
0x299: {  	_ =	swait.ge [sflag:s20], $0x2000  }
0x29a: {  	[sflag:s20] =	ssyncset.done $0x0  }
0x29b: {  	[sflag:s20] =	ssyncadd.s32 $0xFFFFE000  }
0x29c: {  	[tilespmem:s23], [sflag:$0x2] =	stream.linear.gather [spmem:s12], $0x2000, $0x38;
	[tilespmem:$0x11880] =	vst v63  }
0x29d: {  	s29 =	sadd.s32 $0x1, s29;
	_ =	swait.ge [sflag:s20], $0x2000  }
0x29e: {  	p0 =	sne.s32 s29, s18;
	[sflag:s20] =	ssyncset.done $0x0  }
.Ltmp3:
0x29f: {  	[sflag:s20] =	ssyncadd.s32 $0xFFFFE000;
	(pc) =	sbr.rel @p0 .LBB2_1-.Ltmp3, $4  }
0x2a0: {  	[hbm4b:s17+s5] =	stream.linear.scatter [tilespmem:s23], [sflag:$0x2], $0x2000, $0x38;
	[tilespmem:$0x11880] =	vst v63  }
0x2a1: {  	_ =	swait.ge [sflag:s20], $0x2000  }
0x2a2: {  	[sflag:s20] =	ssyncset.done $0x0  }
0x2a3: {  	[sflag:s20] =	ssyncadd.s32 $0xFFFFE000  }
0x2a4: {  	_ =	sfence.sel $0x180000  }
0x2a5: {  	[bflag:$0x0] =	sbarrier.arrive $0xFFFF  }
0x2a6: {  	_ =	strace $0x90000047  }
0x2a7: {  	s0 =	stileid.u32;
	[bflag:$0x2] =	sbarrier.arrive $0xFFFF  }
0x2a8: {  	p0 =	sne.s32 s0, $0x0;
	s0 =	rddreg [dreg:$0x5]  }
0x2a9: {  	s0 =	sadd.s32 @!p0 $0x100000, s0  }
0x2aa: {  	[sflag:s0] =	ssyncadd.tile.s32 @!p0 $0x1;
	_ =	shalt  }
.Lfunc_end2:
_tile_overlayer_lowered:
.L_overlay_start_2:
0x2ab: {  	(tag) =	ssettag $0x2  }
0x2ac: {  	s0 =	rddreg [dreg:$0x0];
	s2 =	stileid.u32  }
0x2ad: {  	s1 =	rddreg [dreg:$0x1];
	p0 =	sne.s32 s2, $0x0  }
0x2ae: {  	s3 =	rddreg [dreg:$0x2];
	[bflag:$0x3] =	sbarrier.arrive $0xFFFF;
	s2 =	simm.s32 @!p0 $0x1C02  }
0x2af: {  	[timem:s3], [sflag:s2] =	dma.local @!p0 [hbm:s0], s1  }
0x2b0: {  	s0 =	simm.s32 @!p0 $0x2  }
0x2b1: {  	_ =	swait.ge @!p0 [sflag:s0], s1  }
0x2b2: {  	s1 =	ssub.s32 @!p0 $0x0, s1;
	[sflag:s0] =	ssyncset.done @!p0 $0x0  }
0x2b3: {  	[sflag:s0] =	ssyncadd.s32 @!p0 s1  }
0x2b4: {  	[bflag:$0x3] =	sbarrier.arrive $0xFFFF  }
0x2b5: {  	_ =	shalt  }

</sc_bundles>
